<compile_context>
chip_gen: v7x
topology: tpu7x:2x2x1
jax: 0.10.2.dev20260603
libtpu: 0.0.44.dev20260713+nightly
codegen_flags: <defaults>
</compile_context>

<pallas_src>
import functools

import jax
import jax.numpy as jnp
from jax import lax
from jax.experimental import pallas as pl
from jax.experimental.pallas import tpu as pltpu
from jax.experimental.pallas import tpu_sc as plsc

N = 20000
NUM_CLASSES = 80
SCORE_THRESHOLD = 0.5
IOU_THRESHOLD = 0.5

L = 16
NC, NS = 2, 16
NW = NC * NS
P = N + NUM_CLASSES * L
SEG = 96
OUTP = N + L
SCW = 256


def _nms_body(packed, segh, vch, keep_out,
              x1v, y1v, x2v, y2v, sxv, kv, segv, vcv, sem):
    wid = lax.axis_index("s") * NC + lax.axis_index("c")

    pltpu.sync_copy(segh, segv)
    pltpu.sync_copy(vch, vcv)

    c_lo = (wid * NUM_CLASSES) // NW
    c_hi = ((wid + 1) * NUM_CLASSES) // NW

    def _sload(ref, i):
        return ref[pl.ds(i, L)][0]

    lane = lax.iota(jnp.int32, L)

    w_start = _sload(segv, c_lo)
    w_end = _sload(segv, c_hi)
    nstage = (w_end - w_start + (SCW - 1)) // SCW
    rows = [x1v, y1v, x2v, y2v, sxv]

    def stage_body(t, carry):
        off = pl.multiple_of(w_start + t * SCW, L)
        for r, dst in enumerate(rows):
            pltpu.make_async_copy(
                packed.at[pl.ds(r * P + off, SCW)],
                dst.at[pl.ds(off, SCW)], sem).start()
        return carry

    lax.fori_loop(0, nstage, stage_body, 0)

    def stage_drain(t, carry):
        pltpu.make_async_copy(
            packed.at[pl.ds(0, SCW)], kv.at[pl.ds(0, SCW)], sem).wait()
        return carry

    lax.fori_loop(0, nstage * 5, stage_drain, 0)

    def class_body(c, carry):
        start = _sload(segv, c)
        seg_end = _sload(segv, c + 1)
        vcnt = _sload(vcv, c)
        hi_chunk = (vcnt + (L - 1)) // L

        def k_init(jc, carry0):
            loc = jc * L + lane
            kv[pl.ds(start + jc * L, L)] = jnp.where(
                loc < vcnt, 1.0, 0.0).astype(jnp.float32)
            return carry0

        lax.fori_loop(0, (seg_end - start) // L, k_init, 0)

        def i_body(i, carry2):
            gi = start + i
            ki_s = _sload(kv, gi)
            vx1 = jnp.full((L,), _sload(x1v, gi))
            vy1 = jnp.full((L,), _sload(y1v, gi))
            vx2 = jnp.full((L,), _sload(x2v, gi))
            vy2 = jnp.full((L,), _sload(y2v, gi))
            area_i = (vx2 - vx1) * (vy2 - vy1)
            lo_chunk = jnp.where(ki_s > 0.0, (i + 1) // L, hi_chunk)

            def j_body(jc, carry3):
                jb = start + jc * L
                x1j = x1v[pl.ds(jb, L)]
                y1j = y1v[pl.ds(jb, L)]
                x2j = x2v[pl.ds(jb, L)]
                y2j = y2v[pl.ds(jb, L)]
                ix1 = jnp.maximum(vx1, x1j)
                iy1 = jnp.maximum(vy1, y1j)
                ix2 = jnp.minimum(vx2, x2j)
                iy2 = jnp.minimum(vy2, y2j)
                inter = jnp.maximum(ix2 - ix1, 0.0) * jnp.maximum(iy2 - iy1, 0.0)
                area_j = (x2j - x1j) * (y2j - y1j)
                iou = inter / (area_i + area_j - inter + 1e-6)
                jl = (jc * L) + lane
                supp = (iou >= IOU_THRESHOLD) & (jl > i)
                kj = kv[pl.ds(jb, L)]
                kv[pl.ds(jb, L)] = jnp.where(supp, 0.0, kj)
                return carry3

            lax.fori_loop(lo_chunk, hi_chunk, j_body, 0)
            return carry2

        lax.fori_loop(0, vcnt, i_body, 0)
        return carry

    lax.fori_loop(c_lo, c_hi, class_body, 0)

    nch = (w_end - w_start) // L

    def s_body(t, carry):
        off = pl.multiple_of(w_start + t * L, L)
        jdx = sxv[pl.ds(off, L)].astype(jnp.int32)
        pltpu.make_async_copy(kv.at[pl.ds(off, L)], keep_out.at[jdx], sem).start()
        return carry

    lax.fori_loop(0, nch, s_body, 0)

    def d_body(t, carry):
        pltpu.make_async_copy(
            packed.at[pl.ds(0, L)], kv.at[pl.ds(0, L)], sem).wait()
        return carry

    lax.fori_loop(0, nch, d_body, 0)


_sc_nms_cache = []


def _sc_nms(*args):
    if not _sc_nms_cache:
        _sc_nms_cache.append(functools.partial(
            pl.kernel,
            mesh=plsc.VectorSubcoreMesh(core_axis_name="c", subcore_axis_name="s"),
            out_type=jax.ShapeDtypeStruct((OUTP,), jnp.float32),
            scratch_types=[
                pltpu.VMEM((P + SCW,), jnp.float32),
                pltpu.VMEM((P + SCW,), jnp.float32),
                pltpu.VMEM((P + SCW,), jnp.float32),
                pltpu.VMEM((P + SCW,), jnp.float32),
                pltpu.VMEM((P + SCW,), jnp.float32),
                pltpu.VMEM((P + SCW,), jnp.float32),
                pltpu.VMEM((SEG,), jnp.int32),
                pltpu.VMEM((SEG,), jnp.int32),
                pltpu.SemaphoreType.DMA,
            ],
        )(_nms_body))
    return _sc_nms_cache[0](*args)


def kernel(boxes, scores, labels):
    order = jnp.argsort(-scores)
    b = boxes[order]
    s = scores[order]
    l = labels[order]

    order2 = jnp.argsort(l, stable=True)
    b2 = b[order2]
    l2 = l[order2]

    ones = jnp.ones((N,), jnp.int32)
    counts = jnp.zeros((NUM_CLASSES,), jnp.int32).at[l].add(ones)
    valid = (s >= SCORE_THRESHOLD).astype(jnp.int32)
    vcount = jnp.zeros((NUM_CLASSES,), jnp.int32).at[l].add(valid)

    padded = ((counts + (L - 1)) // L) * L
    pstart = jnp.concatenate(
        [jnp.zeros((1,), jnp.int32), jnp.cumsum(padded, dtype=jnp.int32)])
    ustart = jnp.concatenate(
        [jnp.zeros((1,), jnp.int32), jnp.cumsum(counts, dtype=jnp.int32)[:-1]])
    pos = pstart[l2] + (jnp.arange(N, dtype=jnp.int32) - ustart[l2])

    vals = jnp.concatenate(
        [b2.T, order2.astype(jnp.float32)[None, :]], axis=0)
    packed = jnp.full((5, P), 0.0, jnp.float32)
    packed = packed.at[4].set(jnp.float32(N)).at[:, pos].set(vals).reshape(5 * P)
    packed = jnp.concatenate([packed, jnp.zeros((SCW,), jnp.float32)])
    seg = jnp.zeros((SEG,), jnp.int32).at[:NUM_CLASSES + 1].set(pstart)
    vc = jnp.zeros((SEG,), jnp.int32).at[:NUM_CLASSES].set(vcount)

    keep = _sc_nms(packed, seg, vc)[:N]

    det = jnp.concatenate([b, s[:, None]], axis=1)
    return jnp.where(((keep > 0.0) & (s >= SCORE_THRESHOLD))[:, None], det, 0.0)

# --- scband reference (transcript-rebuilt; emitter-appended) ---
"""Pipeline reference for scband-faster-rcnn-predictor-22101901705390 (READ-ONLY COPY).

The authoritative reference and input builder live on the scoring server;
editing this copy changes nothing except your own understanding.
"""

import jax, jax.numpy as jnp
import numpy as np

N = 20000
NUM_CLASSES = 80
SCORE_THRESHOLD = 0.5
IOU_THRESHOLD = 0.5


def setup_inputs(seed: int = 0) -> dict:
    key = jax.random.key(seed)
    k1, k2, k3, k4 = jax.random.split(key, 4)
    # Realistic corner-format boxes (x1 < x2, y1 < y2) inside a 1024x1024 image
    cxcy = jax.random.uniform(k1, (N, 2), jnp.float32, 0.0, 1024.0)
    wh = jax.random.uniform(k2, (N, 2), jnp.float32, 4.0, 128.0)
    boxes = jnp.concatenate([cxcy - wh / 2.0, cxcy + wh / 2.0], axis=1)
    scores = jax.random.uniform(k3, (N,), jnp.float32)
    labels = jax.random.randint(k4, (N,), 0, NUM_CLASSES, dtype=jnp.int32)
    return {"boxes": boxes, "scores": scores, "labels": labels}


def _iou_one_vs_all(box, boxes):
    # box: [4], boxes: [N, 4], corner format
    x1 = jnp.maximum(box[0], boxes[:, 0])
    y1 = jnp.maximum(box[1], boxes[:, 1])
    x2 = jnp.minimum(box[2], boxes[:, 2])
    y2 = jnp.minimum(box[3], boxes[:, 3])
    inter = jnp.clip(x2 - x1, 0.0) * jnp.clip(y2 - y1, 0.0)
    area1 = (box[2] - box[0]) * (box[3] - box[1])
    area2 = (boxes[:, 2] - boxes[:, 0]) * (boxes[:, 3] - boxes[:, 1])
    return inter / (area1 + area2 - inter + 1e-6)


def reference(boxes, scores, labels):
    # Faithful translation of FasterRcnnPredictor.predict post-processing:
    # 1) score thresholding, 2) sort by descending score,
    # 3) greedy class-aware NMS: suppress lower-ranked boxes of the SAME class
    #    with IoU >= iou_threshold (original: mask = (labels != chosen) | (ious < th)).
    order = jnp.argsort(-scores)
    b = boxes[order]
    s = scores[order]
    l = labels[order]
    n = b.shape[0]

    # The keep/suppress decision is inherently non-differentiable (pure selection)
    bs = jax.lax.stop_gradient(b)
    ss = jax.lax.stop_gradient(s)

    valid = ss >= SCORE_THRESHOLD
    idx = jnp.arange(n)

    def body(i, keep):
        ious = _iou_one_vs_all(bs[i], bs)
        same_class = l == l[i]
        suppress = (idx > i) & same_class & (ious >= IOU_THRESHOLD) & keep[i]
        return keep & (~suppress)

    keep = jax.lax.fori_loop(0, n, body, valid)

    # Fixed-shape output: kept detections as [x1, y1, x2, y2, score], zeroed where dropped
    det = jnp.concatenate([b, s[:, None]], axis=1)
    out = jnp.where(keep[:, None], det, 0.0)
    return out

if __name__ == "__main__":
    import jax
    _d = setup_inputs()
    print(jax.jit(kernel)(*tuple(_d.values())))

</pallas_src>

<mosaic_0001>
#map = affine_map<(d0, d1) -> (0)>
module attributes {stable_mosaic.version = 14 : i64} {
  func.func @_nms_body(%arg0: i32, %arg1: i32, %arg2: memref<106656xf32, #tpu.memory_space<hbm>>, %arg3: memref<96xi32, #tpu.memory_space<hbm>>, %arg4: memref<96xi32, #tpu.memory_space<hbm>>, %arg5: memref<20016xf32, #tpu.memory_space<hbm>>, %arg6: memref<21536xf32, #tpu.memory_space<vmem>>, %arg7: memref<21536xf32, #tpu.memory_space<vmem>>, %arg8: memref<21536xf32, #tpu.memory_space<vmem>>, %arg9: memref<21536xf32, #tpu.memory_space<vmem>>, %arg10: memref<21536xf32, #tpu.memory_space<vmem>>, %arg11: memref<21536xf32, #tpu.memory_space<vmem>>, %arg12: memref<96xi32, #tpu.memory_space<vmem>>, %arg13: memref<96xi32, #tpu.memory_space<vmem>>, %arg14: memref<!tpu.dma_semaphore, #tpu.memory_space<semaphore_mem>>) attributes {dimension_semantics = [#tpu.dimension_semantics<core_parallel>, #tpu.dimension_semantics<subcore_parallel>], iteration_bounds = array<i64: 2, 16>, scalar_prefetch = 0 : i64, scratch_operands = 9 : i64, tpu.core_type = #tpu.core_type<sc_vector_subcore>, window_params = [{transform_indices = #map}, {transform_indices = #map}, {transform_indices = #map}, {transform_indices = #map}]} {
    %mul3A = arith.constant 2 : i32
    %mul3A_0 = arith.muli %arg1, %mul3A : i32
    %add3A = arith.addi %mul3A_0, %arg0 : i32
    "tpu.region"() ({
      %run_scoped3A = tpu.sem_alloc : memref<!tpu.dma_semaphore, #tpu.memory_space<semaphore_mem>>
      tpu.enqueue_dma source(%arg3 : memref<96xi32, #tpu.memory_space<hbm>>) target(%arg12 : memref<96xi32, #tpu.memory_space<vmem>>) target_semaphore(%run_scoped3A : memref<!tpu.dma_semaphore, #tpu.memory_space<semaphore_mem>>)
      tpu.wait_dma2 semaphore(%run_scoped3A : memref<!tpu.dma_semaphore, #tpu.memory_space<semaphore_mem>>) src(%arg3 : memref<96xi32, #tpu.memory_space<hbm>>) dst(%arg12 : memref<96xi32, #tpu.memory_space<vmem>>)
      tpu.yield
    }) : () -> ()
    "tpu.region"() ({
      %run_scoped3A = tpu.sem_alloc : memref<!tpu.dma_semaphore, #tpu.memory_space<semaphore_mem>>
      tpu.enqueue_dma source(%arg4 : memref<96xi32, #tpu.memory_space<hbm>>) target(%arg13 : memref<96xi32, #tpu.memory_space<vmem>>) target_semaphore(%run_scoped3A : memref<!tpu.dma_semaphore, #tpu.memory_space<semaphore_mem>>)
      tpu.wait_dma2 semaphore(%run_scoped3A : memref<!tpu.dma_semaphore, #tpu.memory_space<semaphore_mem>>) src(%arg4 : memref<96xi32, #tpu.memory_space<hbm>>) dst(%arg13 : memref<96xi32, #tpu.memory_space<vmem>>)
      tpu.yield
    }) : () -> ()
    %mul3A_1 = arith.constant 80 : i32
    %mul3A_2 = arith.muli %add3A, %mul3A_1 : i32
    %jit3A = arith.constant 32 : i32
    %div3A = arith.divsi %mul3A_2, %jit3A : i32
    %sign3A = arith.constant 0 : i32
    %sign3A_3 = arith.cmpi sgt, %mul3A_2, %sign3A : i32
    %sign3A_4 = arith.extui %sign3A_3 : i1 to i32
    %sign3A_5 = arith.constant 0 : i32
    %sign3A_6 = arith.cmpi slt, %mul3A_2, %sign3A_5 : i32
    %sign3A_7 = arith.extui %sign3A_6 : i1 to i32
    %sign3A_8 = arith.subi %sign3A_4, %sign3A_7 : i32
    %sign3A_9 = arith.constant 0 : i32
    %sign3A_10 = arith.cmpi sgt, %jit3A, %sign3A_9 : i32
    %sign3A_11 = arith.extui %sign3A_10 : i1 to i32
    %sign3A_12 = arith.constant 0 : i32
    %sign3A_13 = arith.cmpi slt, %jit3A, %sign3A_12 : i32
    %sign3A_14 = arith.extui %sign3A_13 : i1 to i32
    %sign3A_15 = arith.subi %sign3A_11, %sign3A_14 : i32
    %ne3A = arith.cmpi ne, %sign3A_8, %sign3A_15 : i32
    %rem3A = arith.remsi %mul3A_2, %jit3A : i32
    %ne3A_16 = arith.constant 0 : i32
    %ne3A_17 = arith.cmpi ne, %rem3A, %ne3A_16 : i32
    %and3A = arith.andi %ne3A, %ne3A_17 : i1
    %sub3A = arith.constant 1 : i32
    %sub3A_18 = arith.subi %div3A, %sub3A : i32
    %select_n3A = arith.select %and3A, %sub3A_18, %div3A : i32
    %add3A_19 = arith.constant 1 : i32
    %add3A_20 = arith.addi %add3A, %add3A_19 : i32
    %mul3A_21 = arith.constant 80 : i32
    %mul3A_22 = arith.muli %add3A_20, %mul3A_21 : i32
    %jit3A_23 = arith.constant 32 : i32
    %div3A_24 = arith.divsi %mul3A_22, %jit3A_23 : i32
    %sign3A_25 = arith.constant 0 : i32
    %sign3A_26 = arith.cmpi sgt, %mul3A_22, %sign3A_25 : i32
    %sign3A_27 = arith.extui %sign3A_26 : i1 to i32
    %sign3A_28 = arith.constant 0 : i32
    %sign3A_29 = arith.cmpi slt, %mul3A_22, %sign3A_28 : i32
    %sign3A_30 = arith.extui %sign3A_29 : i1 to i32
    %sign3A_31 = arith.subi %sign3A_27, %sign3A_30 : i32
    %sign3A_32 = arith.constant 0 : i32
    %sign3A_33 = arith.cmpi sgt, %jit3A_23, %sign3A_32 : i32
    %sign3A_34 = arith.extui %sign3A_33 : i1 to i32
    %sign3A_35 = arith.constant 0 : i32
    %sign3A_36 = arith.cmpi slt, %jit3A_23, %sign3A_35 : i32
    %sign3A_37 = arith.extui %sign3A_36 : i1 to i32
    %sign3A_38 = arith.subi %sign3A_34, %sign3A_37 : i32
    %ne3A_39 = arith.cmpi ne, %sign3A_31, %sign3A_38 : i32
    %rem3A_40 = arith.remsi %mul3A_22, %jit3A_23 : i32
    %ne3A_41 = arith.constant 0 : i32
    %ne3A_42 = arith.cmpi ne, %rem3A_40, %ne3A_41 : i32
    %and3A_43 = arith.andi %ne3A_39, %ne3A_42 : i1
    %sub3A_44 = arith.constant 1 : i32
    %sub3A_45 = arith.subi %div3A_24, %sub3A_44 : i32
    %select_n3A_46 = arith.select %and3A_43, %sub3A_45, %div3A_24 : i32
    %iota3A = tpu.iota {dimensions = array<i32: 0>} : vector<16xi32>
    %get3A = arith.index_cast %select_n3A : i32 to index
    %get3A_47 = tpu.vector_load %arg12[%get3A] {strides = array<i32>} : memref<96xi32, #tpu.memory_space<vmem>>, vector<16xi32>,
    %get3A_48 = vector.shape_cast %get3A_47 : vector<16xi32> to vector<16xi32>
    %slice3A = vector.extract_strided_slice %get3A_48 {offsets = [0], sizes = [1], strides = [1]} : vector<16xi32> to vector<1xi32>
    %squeeze3A = vector.extract %slice3A[0] : i32 from vector<1xi32>
    %get3A_49 = arith.index_cast %select_n3A_46 : i32 to index
    %get3A_50 = tpu.vector_load %arg12[%get3A_49] {strides = array<i32>} : memref<96xi32, #tpu.memory_space<vmem>>, vector<16xi32>,
    %get3A_51 = vector.shape_cast %get3A_50 : vector<16xi32> to vector<16xi32>
    %slice3A_52 = vector.extract_strided_slice %get3A_51 {offsets = [0], sizes = [1], strides = [1]} : vector<16xi32> to vector<1xi32>
    %squeeze3A_53 = vector.extract %slice3A_52[0] : i32 from vector<1xi32>
    %sub3A_54 = arith.subi %squeeze3A_53, %squeeze3A : i32
    %add3A_55 = arith.constant 255 : i32
    %add3A_56 = arith.addi %sub3A_54, %add3A_55 : i32
    %jit3A_57 = arith.constant 256 : i32
    %div3A_58 = arith.divsi %add3A_56, %jit3A_57 : i32
    %sign3A_59 = arith.constant 0 : i32
    %sign3A_60 = arith.cmpi sgt, %add3A_56, %sign3A_59 : i32
    %sign3A_61 = arith.extui %sign3A_60 : i1 to i32
    %sign3A_62 = arith.constant 0 : i32
    %sign3A_63 = arith.cmpi slt, %add3A_56, %sign3A_62 : i32
    %sign3A_64 = arith.extui %sign3A_63 : i1 to i32
    %sign3A_65 = arith.subi %sign3A_61, %sign3A_64 : i32
    %sign3A_66 = arith.constant 0 : i32
    %sign3A_67 = arith.cmpi sgt, %jit3A_57, %sign3A_66 : i32
    %sign3A_68 = arith.extui %sign3A_67 : i1 to i32
    %sign3A_69 = arith.constant 0 : i32
    %sign3A_70 = arith.cmpi slt, %jit3A_57, %sign3A_69 : i32
    %sign3A_71 = arith.extui %sign3A_70 : i1 to i32
    %sign3A_72 = arith.subi %sign3A_68, %sign3A_71 : i32
    %ne3A_73 = arith.cmpi ne, %sign3A_65, %sign3A_72 : i32
    %rem3A_74 = arith.remsi %add3A_56, %jit3A_57 : i32
    %ne3A_75 = arith.constant 0 : i32
    %ne3A_76 = arith.cmpi ne, %rem3A_74, %ne3A_75 : i32
    %and3A_77 = arith.andi %ne3A_73, %ne3A_76 : i1
    %sub3A_78 = arith.constant 1 : i32
    %sub3A_79 = arith.subi %div3A_58, %sub3A_78 : i32
    %select_n3A_80 = arith.select %and3A_77, %sub3A_79, %div3A_58 : i32
    %while3A = arith.constant 0 : i32
    %while3A_81 = arith.constant 0 : i32
    %while3A_82 = arith.subi %select_n3A_80, %while3A_81 : i32
    %while3A_83 = arith.addi %while3A_81, %while3A_82 : i32
    %while3A_84 = arith.constant 1 : i32
    %while3A_85 = arith.divsi %while3A_82, %while3A_84 : i32
    %while3A_86 = arith.muli %while3A_85, %while3A_84 : i32
    %while3A_87 = arith.addi %while3A_81, %while3A_86 : i32
    %while3A_88 = arith.constant 1 : i32
    scf.for %while3A_156 = %while3A_81 to %while3A_87 step %while3A_88  : i32 {
      %mul3A_157 = arith.constant 256 : i32
      %mul3A_158 = arith.muli %while3A_156, %mul3A_157 : i32
      %add3A_159 = arith.addi %squeeze3A, %mul3A_158 : i32
      %multiple_of3A = tpu.assume_multiple %add3A_159, 16 : i32
      %add3A_160 = arith.constant 0 : i32
      %add3A_161 = arith.addi %add3A_160, %multiple_of3A : i32
      %dma_start3A = tpu.memref_slice %arg6[%multiple_of3A] : memref<21536xf32, #tpu.memory_space<vmem>> -> memref<256xf32, #tpu.memory_space<vmem>>
      %dma_start3A_162 = tpu.memref_slice %arg2[%add3A_161] : memref<106656xf32, #tpu.memory_space<hbm>> -> memref<256xf32, #tpu.memory_space<hbm>>
      %dma_start3A_163 = tpu.memref_slice %arg6[%multiple_of3A] : memref<21536xf32, #tpu.memory_space<vmem>> -> memref<256xf32, #tpu.memory_space<vmem>>
      %dma_start3A_164 = tpu.memref_slice %arg2[%add3A_161] : memref<106656xf32, #tpu.memory_space<hbm>> -> memref<256xf32, #tpu.memory_space<hbm>>
      tpu.enqueue_dma source(%dma_start3A_164 : memref<256xf32, #tpu.memory_space<hbm>>) target(%dma_start3A_163 : memref<256xf32, #tpu.memory_space<vmem>>) target_semaphore(%arg14 : memref<!tpu.dma_semaphore, #tpu.memory_space<semaphore_mem>>)
      %add3A_165 = arith.constant 21280 : i32
      %add3A_166 = arith.addi %add3A_165, %multiple_of3A : i32
      %dma_start3A_167 = tpu.memref_slice %arg7[%multiple_of3A] : memref<21536xf32, #tpu.memory_space<vmem>> -> memref<256xf32, #tpu.memory_space<vmem>>
      %dma_start3A_168 = tpu.memref_slice %arg2[%add3A_166] : memref<106656xf32, #tpu.memory_space<hbm>> -> memref<256xf32, #tpu.memory_space<hbm>>
      %dma_start3A_169 = tpu.memref_slice %arg7[%multiple_of3A] : memref<21536xf32, #tpu.memory_space<vmem>> -> memref<256xf32, #tpu.memory_space<vmem>>
      %dma_start3A_170 = tpu.memref_slice %arg2[%add3A_166] : memref<106656xf32, #tpu.memory_space<hbm>> -> memref<256xf32, #tpu.memory_space<hbm>>
      tpu.enqueue_dma source(%dma_start3A_170 : memref<256xf32, #tpu.memory_space<hbm>>) target(%dma_start3A_169 : memref<256xf32, #tpu.memory_space<vmem>>) target_semaphore(%arg14 : memref<!tpu.dma_semaphore, #tpu.memory_space<semaphore_mem>>)
      %add3A_171 = arith.constant 42560 : i32
      %add3A_172 = arith.addi %add3A_171, %multiple_of3A : i32
      %dma_start3A_173 = tpu.memref_slice %arg8[%multiple_of3A] : memref<21536xf32, #tpu.memory_space<vmem>> -> memref<256xf32, #tpu.memory_space<vmem>>
      %dma_start3A_174 = tpu.memref_slice %arg2[%add3A_172] : memref<106656xf32, #tpu.memory_space<hbm>> -> memref<256xf32, #tpu.memory_space<hbm>>
      %dma_start3A_175 = tpu.memref_slice %arg8[%multiple_of3A] : memref<21536xf32, #tpu.memory_space<vmem>> -> memref<256xf32, #tpu.memory_space<vmem>>
      %dma_start3A_176 = tpu.memref_slice %arg2[%add3A_172] : memref<106656xf32, #tpu.memory_space<hbm>> -> memref<256xf32, #tpu.memory_space<hbm>>
      tpu.enqueue_dma source(%dma_start3A_176 : memref<256xf32, #tpu.memory_space<hbm>>) target(%dma_start3A_175 : memref<256xf32, #tpu.memory_space<vmem>>) target_semaphore(%arg14 : memref<!tpu.dma_semaphore, #tpu.memory_space<semaphore_mem>>)
      %add3A_177 = arith.constant 63840 : i32
      %add3A_178 = arith.addi %add3A_177, %multiple_of3A : i32
      %dma_start3A_179 = tpu.memref_slice %arg9[%multiple_of3A] : memref<21536xf32, #tpu.memory_space<vmem>> -> memref<256xf32, #tpu.memory_space<vmem>>
      %dma_start3A_180 = tpu.memref_slice %arg2[%add3A_178] : memref<106656xf32, #tpu.memory_space<hbm>> -> memref<256xf32, #tpu.memory_space<hbm>>
      %dma_start3A_181 = tpu.memref_slice %arg9[%multiple_of3A] : memref<21536xf32, #tpu.memory_space<vmem>> -> memref<256xf32, #tpu.memory_space<vmem>>
      %dma_start3A_182 = tpu.memref_slice %arg2[%add3A_178] : memref<106656xf32, #tpu.memory_space<hbm>> -> memref<256xf32, #tpu.memory_space<hbm>>
      tpu.enqueue_dma source(%dma_start3A_182 : memref<256xf32, #tpu.memory_space<hbm>>) target(%dma_start3A_181 : memref<256xf32, #tpu.memory_space<vmem>>) target_semaphore(%arg14 : memref<!tpu.dma_semaphore, #tpu.memory_space<semaphore_mem>>)
      %add3A_183 = arith.constant 85120 : i32
      %add3A_184 = arith.addi %add3A_183, %multiple_of3A : i32
      %dma_start3A_185 = tpu.memref_slice %arg10[%multiple_of3A] : memref<21536xf32, #tpu.memory_space<vmem>> -> memref<256xf32, #tpu.memory_space<vmem>>
      %dma_start3A_186 = tpu.memref_slice %arg2[%add3A_184] : memref<106656xf32, #tpu.memory_space<hbm>> -> memref<256xf32, #tpu.memory_space<hbm>>
      %dma_start3A_187 = tpu.memref_slice %arg10[%multiple_of3A] : memref<21536xf32, #tpu.memory_space<vmem>> -> memref<256xf32, #tpu.memory_space<vmem>>
      %dma_start3A_188 = tpu.memref_slice %arg2[%add3A_184] : memref<106656xf32, #tpu.memory_space<hbm>> -> memref<256xf32, #tpu.memory_space<hbm>>
      tpu.enqueue_dma source(%dma_start3A_188 : memref<256xf32, #tpu.memory_space<hbm>>) target(%dma_start3A_187 : memref<256xf32, #tpu.memory_space<vmem>>) target_semaphore(%arg14 : memref<!tpu.dma_semaphore, #tpu.memory_space<semaphore_mem>>)
    }
    %while3A_89 = arith.constant 1 : i32
    scf.for %while3A_156 = %while3A_87 to %while3A_83 step %while3A_89  : i32 {
      %mul3A_157 = arith.constant 256 : i32
      %mul3A_158 = arith.muli %while3A_156, %mul3A_157 : i32
      %add3A_159 = arith.addi %squeeze3A, %mul3A_158 : i32
      %multiple_of3A = tpu.assume_multiple %add3A_159, 16 : i32
      %add3A_160 = arith.constant 0 : i32
      %add3A_161 = arith.addi %add3A_160, %multiple_of3A : i32
      %dma_start3A = tpu.memref_slice %arg6[%multiple_of3A] : memref<21536xf32, #tpu.memory_space<vmem>> -> memref<256xf32, #tpu.memory_space<vmem>>
      %dma_start3A_162 = tpu.memref_slice %arg2[%add3A_161] : memref<106656xf32, #tpu.memory_space<hbm>> -> memref<256xf32, #tpu.memory_space<hbm>>
      %dma_start3A_163 = tpu.memref_slice %arg6[%multiple_of3A] : memref<21536xf32, #tpu.memory_space<vmem>> -> memref<256xf32, #tpu.memory_space<vmem>>
      %dma_start3A_164 = tpu.memref_slice %arg2[%add3A_161] : memref<106656xf32, #tpu.memory_space<hbm>> -> memref<256xf32, #tpu.memory_space<hbm>>
      tpu.enqueue_dma source(%dma_start3A_164 : memref<256xf32, #tpu.memory_space<hbm>>) target(%dma_start3A_163 : memref<256xf32, #tpu.memory_space<vmem>>) target_semaphore(%arg14 : memref<!tpu.dma_semaphore, #tpu.memory_space<semaphore_mem>>)
      %add3A_165 = arith.constant 21280 : i32
      %add3A_166 = arith.addi %add3A_165, %multiple_of3A : i32
      %dma_start3A_167 = tpu.memref_slice %arg7[%multiple_of3A] : memref<21536xf32, #tpu.memory_space<vmem>> -> memref<256xf32, #tpu.memory_space<vmem>>
      %dma_start3A_168 = tpu.memref_slice %arg2[%add3A_166] : memref<106656xf32, #tpu.memory_space<hbm>> -> memref<256xf32, #tpu.memory_space<hbm>>
      %dma_start3A_169 = tpu.memref_slice %arg7[%multiple_of3A] : memref<21536xf32, #tpu.memory_space<vmem>> -> memref<256xf32, #tpu.memory_space<vmem>>
      %dma_start3A_170 = tpu.memref_slice %arg2[%add3A_166] : memref<106656xf32, #tpu.memory_space<hbm>> -> memref<256xf32, #tpu.memory_space<hbm>>
      tpu.enqueue_dma source(%dma_start3A_170 : memref<256xf32, #tpu.memory_space<hbm>>) target(%dma_start3A_169 : memref<256xf32, #tpu.memory_space<vmem>>) target_semaphore(%arg14 : memref<!tpu.dma_semaphore, #tpu.memory_space<semaphore_mem>>)
      %add3A_171 = arith.constant 42560 : i32
      %add3A_172 = arith.addi %add3A_171, %multiple_of3A : i32
      %dma_start3A_173 = tpu.memref_slice %arg8[%multiple_of3A] : memref<21536xf32, #tpu.memory_space<vmem>> -> memref<256xf32, #tpu.memory_space<vmem>>
      %dma_start3A_174 = tpu.memref_slice %arg2[%add3A_172] : memref<106656xf32, #tpu.memory_space<hbm>> -> memref<256xf32, #tpu.memory_space<hbm>>
      %dma_start3A_175 = tpu.memref_slice %arg8[%multiple_of3A] : memref<21536xf32, #tpu.memory_space<vmem>> -> memref<256xf32, #tpu.memory_space<vmem>>
      %dma_start3A_176 = tpu.memref_slice %arg2[%add3A_172] : memref<106656xf32, #tpu.memory_space<hbm>> -> memref<256xf32, #tpu.memory_space<hbm>>
      tpu.enqueue_dma source(%dma_start3A_176 : memref<256xf32, #tpu.memory_space<hbm>>) target(%dma_start3A_175 : memref<256xf32, #tpu.memory_space<vmem>>) target_semaphore(%arg14 : memref<!tpu.dma_semaphore, #tpu.memory_space<semaphore_mem>>)
      %add3A_177 = arith.constant 63840 : i32
      %add3A_178 = arith.addi %add3A_177, %multiple_of3A : i32
      %dma_start3A_179 = tpu.memref_slice %arg9[%multiple_of3A] : memref<21536xf32, #tpu.memory_space<vmem>> -> memref<256xf32, #tpu.memory_space<vmem>>
      %dma_start3A_180 = tpu.memref_slice %arg2[%add3A_178] : memref<106656xf32, #tpu.memory_space<hbm>> -> memref<256xf32, #tpu.memory_space<hbm>>
      %dma_start3A_181 = tpu.memref_slice %arg9[%multiple_of3A] : memref<21536xf32, #tpu.memory_space<vmem>> -> memref<256xf32, #tpu.memory_space<vmem>>
      %dma_start3A_182 = tpu.memref_slice %arg2[%add3A_178] : memref<106656xf32, #tpu.memory_space<hbm>> -> memref<256xf32, #tpu.memory_space<hbm>>
      tpu.enqueue_dma source(%dma_start3A_182 : memref<256xf32, #tpu.memory_space<hbm>>) target(%dma_start3A_181 : memref<256xf32, #tpu.memory_space<vmem>>) target_semaphore(%arg14 : memref<!tpu.dma_semaphore, #tpu.memory_space<semaphore_mem>>)
      %add3A_183 = arith.constant 85120 : i32
      %add3A_184 = arith.addi %add3A_183, %multiple_of3A : i32
      %dma_start3A_185 = tpu.memref_slice %arg10[%multiple_of3A] : memref<21536xf32, #tpu.memory_space<vmem>> -> memref<256xf32, #tpu.memory_space<vmem>>
      %dma_start3A_186 = tpu.memref_slice %arg2[%add3A_184] : memref<106656xf32, #tpu.memory_space<hbm>> -> memref<256xf32, #tpu.memory_space<hbm>>
      %dma_start3A_187 = tpu.memref_slice %arg10[%multiple_of3A] : memref<21536xf32, #tpu.memory_space<vmem>> -> memref<256xf32, #tpu.memory_space<vmem>>
      %dma_start3A_188 = tpu.memref_slice %arg2[%add3A_184] : memref<106656xf32, #tpu.memory_space<hbm>> -> memref<256xf32, #tpu.memory_space<hbm>>
      tpu.enqueue_dma source(%dma_start3A_188 : memref<256xf32, #tpu.memory_space<hbm>>) target(%dma_start3A_187 : memref<256xf32, #tpu.memory_space<vmem>>) target_semaphore(%arg14 : memref<!tpu.dma_semaphore, #tpu.memory_space<semaphore_mem>>)
    }
    %mul3A_90 = arith.constant 5 : i32
    %mul3A_91 = arith.muli %select_n3A_80, %mul3A_90 : i32
    %while3A_92 = arith.constant 0 : i32
    %while3A_93 = arith.constant 0 : i32
    %while3A_94 = arith.subi %mul3A_91, %while3A_93 : i32
    %while3A_95 = arith.addi %while3A_93, %while3A_94 : i32
    %while3A_96 = arith.constant 1 : i32
    %while3A_97 = arith.divsi %while3A_94, %while3A_96 : i32
    %while3A_98 = arith.muli %while3A_97, %while3A_96 : i32
    %while3A_99 = arith.addi %while3A_93, %while3A_98 : i32
    %while3A_100 = arith.constant 1 : i32
    scf.for %while3A_156 = %while3A_93 to %while3A_99 step %while3A_100  : i32 {
      %dma_wait3A = arith.constant 0 : i32
      %dma_wait3A_157 = tpu.memref_slice %arg11[%dma_wait3A] : memref<21536xf32, #tpu.memory_space<vmem>> -> memref<256xf32, #tpu.memory_space<vmem>>
      %dma_wait3A_158 = arith.constant 0 : i32
      %dma_wait3A_159 = tpu.memref_slice %arg2[%dma_wait3A_158] : memref<106656xf32, #tpu.memory_space<hbm>> -> memref<256xf32, #tpu.memory_space<hbm>>
      %dma_wait3A_160 = arith.constant 0 : i32
      %dma_wait3A_161 = tpu.memref_slice %arg11[%dma_wait3A_160] : memref<21536xf32, #tpu.memory_space<vmem>> -> memref<256xf32, #tpu.memory_space<vmem>>
      %dma_wait3A_162 = arith.constant 0 : i32
      %dma_wait3A_163 = tpu.memref_slice %arg2[%dma_wait3A_162] : memref<106656xf32, #tpu.memory_space<hbm>> -> memref<256xf32, #tpu.memory_space<hbm>>
      tpu.wait_dma2 semaphore(%arg14 : memref<!tpu.dma_semaphore, #tpu.memory_space<semaphore_mem>>) src(%dma_wait3A_163 : memref<256xf32, #tpu.memory_space<hbm>>) dst(%dma_wait3A_161 : memref<256xf32, #tpu.memory_space<vmem>>)
    }
    %while3A_101 = arith.constant 1 : i32
    scf.for %while3A_156 = %while3A_99 to %while3A_95 step %while3A_101  : i32 {
      %dma_wait3A = arith.constant 0 : i32
      %dma_wait3A_157 = tpu.memref_slice %arg11[%dma_wait3A] : memref<21536xf32, #tpu.memory_space<vmem>> -> memref<256xf32, #tpu.memory_space<vmem>>
      %dma_wait3A_158 = arith.constant 0 : i32
      %dma_wait3A_159 = tpu.memref_slice %arg2[%dma_wait3A_158] : memref<106656xf32, #tpu.memory_space<hbm>> -> memref<256xf32, #tpu.memory_space<hbm>>
      %dma_wait3A_160 = arith.constant 0 : i32
      %dma_wait3A_161 = tpu.memref_slice %arg11[%dma_wait3A_160] : memref<21536xf32, #tpu.memory_space<vmem>> -> memref<256xf32, #tpu.memory_space<vmem>>
      %dma_wait3A_162 = arith.constant 0 : i32
      %dma_wait3A_163 = tpu.memref_slice %arg2[%dma_wait3A_162] : memref<106656xf32, #tpu.memory_space<hbm>> -> memref<256xf32, #tpu.memory_space<hbm>>
      tpu.wait_dma2 semaphore(%arg14 : memref<!tpu.dma_semaphore, #tpu.memory_space<semaphore_mem>>) src(%dma_wait3A_163 : memref<256xf32, #tpu.memory_space<hbm>>) dst(%dma_wait3A_161 : memref<256xf32, #tpu.memory_space<vmem>>)
    }
    %while3A_102 = arith.constant 0 : i32
    %while3A_103 = arith.subi %select_n3A_46, %select_n3A : i32
    %while3A_104 = arith.addi %select_n3A, %while3A_103 : i32
    %while3A_105 = arith.constant 1 : i32
    %while3A_106 = arith.divsi %while3A_103, %while3A_105 : i32
    %while3A_107 = arith.muli %while3A_106, %while3A_105 : i32
    %while3A_108 = arith.addi %select_n3A, %while3A_107 : i32
    %while3A_109 = arith.constant 1 : i32
    scf.for %while3A_156 = %select_n3A to %while3A_108 step %while3A_109  : i32 {
      %get3A_157 = arith.index_cast %while3A_156 : i32 to index
      %get3A_158 = tpu.vector_load %arg12[%get3A_157] {strides = array<i32>} : memref<96xi32, #tpu.memory_space<vmem>>, vector<16xi32>,
      %get3A_159 = vector.shape_cast %get3A_158 : vector<16xi32> to vector<16xi32>
      %slice3A_160 = vector.extract_strided_slice %get3A_159 {offsets = [0], sizes = [1], strides = [1]} : vector<16xi32> to vector<1xi32>
      %squeeze3A_161 = vector.extract %slice3A_160[0] : i32 from vector<1xi32>
      %add3A_162 = arith.constant 1 : i32
      %add3A_163 = arith.addi %while3A_156, %add3A_162 : i32
      %get3A_164 = arith.index_cast %add3A_163 : i32 to index
      %get3A_165 = tpu.vector_load %arg12[%get3A_164] {strides = array<i32>} : memref<96xi32, #tpu.memory_space<vmem>>, vector<16xi32>,
      %get3A_166 = vector.shape_cast %get3A_165 : vector<16xi32> to vector<16xi32>
      %slice3A_167 = vector.extract_strided_slice %get3A_166 {offsets = [0], sizes = [1], strides = [1]} : vector<16xi32> to vector<1xi32>
      %squeeze3A_168 = vector.extract %slice3A_167[0] : i32 from vector<1xi32>
      %get3A_169 = arith.index_cast %while3A_156 : i32 to index
      %get3A_170 = tpu.vector_load %arg13[%get3A_169] {strides = array<i32>} : memref<96xi32, #tpu.memory_space<vmem>>, vector<16xi32>,
      %get3A_171 = vector.shape_cast %get3A_170 : vector<16xi32> to vector<16xi32>
      %slice3A_172 = vector.extract_strided_slice %get3A_171 {offsets = [0], sizes = [1], strides = [1]} : vector<16xi32> to vector<1xi32>
      %squeeze3A_173 = vector.extract %slice3A_172[0] : i32 from vector<1xi32>
      %add3A_174 = arith.constant 15 : i32
      %add3A_175 = arith.addi %squeeze3A_173, %add3A_174 : i32
      %jit3A_176 = arith.constant 16 : i32
      %div3A_177 = arith.divsi %add3A_175, %jit3A_176 : i32
      %sign3A_178 = arith.constant 0 : i32
      %sign3A_179 = arith.cmpi sgt, %add3A_175, %sign3A_178 : i32
      %sign3A_180 = arith.extui %sign3A_179 : i1 to i32
      %sign3A_181 = arith.constant 0 : i32
      %sign3A_182 = arith.cmpi slt, %add3A_175, %sign3A_181 : i32
      %sign3A_183 = arith.extui %sign3A_182 : i1 to i32
      %sign3A_184 = arith.subi %sign3A_180, %sign3A_183 : i32
      %sign3A_185 = arith.constant 0 : i32
      %sign3A_186 = arith.cmpi sgt, %jit3A_176, %sign3A_185 : i32
      %sign3A_187 = arith.extui %sign3A_186 : i1 to i32
      %sign3A_188 = arith.constant 0 : i32
      %sign3A_189 = arith.cmpi slt, %jit3A_176, %sign3A_188 : i32
      %sign3A_190 = arith.extui %sign3A_189 : i1 to i32
      %sign3A_191 = arith.subi %sign3A_187, %sign3A_190 : i32
      %ne3A_192 = arith.cmpi ne, %sign3A_184, %sign3A_191 : i32
      %rem3A_193 = arith.remsi %add3A_175, %jit3A_176 : i32
      %ne3A_194 = arith.constant 0 : i32
      %ne3A_195 = arith.cmpi ne, %rem3A_193, %ne3A_194 : i32
      %and3A_196 = arith.andi %ne3A_192, %ne3A_195 : i1
      %sub3A_197 = arith.constant 1 : i32
      %sub3A_198 = arith.subi %div3A_177, %sub3A_197 : i32
      %select_n3A_199 = arith.select %and3A_196, %sub3A_198, %div3A_177 : i32
      %sub3A_200 = arith.subi %squeeze3A_168, %squeeze3A_161 : i32
      %jit3A_201 = arith.constant 16 : i32
      %div3A_202 = arith.divsi %sub3A_200, %jit3A_201 : i32
      %sign3A_203 = arith.constant 0 : i32
      %sign3A_204 = arith.cmpi sgt, %sub3A_200, %sign3A_203 : i32
      %sign3A_205 = arith.extui %sign3A_204 : i1 to i32
      %sign3A_206 = arith.constant 0 : i32
      %sign3A_207 = arith.cmpi slt, %sub3A_200, %sign3A_206 : i32
      %sign3A_208 = arith.extui %sign3A_207 : i1 to i32
      %sign3A_209 = arith.subi %sign3A_205, %sign3A_208 : i32
      %sign3A_210 = arith.constant 0 : i32
      %sign3A_211 = arith.cmpi sgt, %jit3A_201, %sign3A_210 : i32
      %sign3A_212 = arith.extui %sign3A_211 : i1 to i32
      %sign3A_213 = arith.constant 0 : i32
      %sign3A_214 = arith.cmpi slt, %jit3A_201, %sign3A_213 : i32
      %sign3A_215 = arith.extui %sign3A_214 : i1 to i32
      %sign3A_216 = arith.subi %sign3A_212, %sign3A_215 : i32
      %ne3A_217 = arith.cmpi ne, %sign3A_209, %sign3A_216 : i32
      %rem3A_218 = arith.remsi %sub3A_200, %jit3A_201 : i32
      %ne3A_219 = arith.constant 0 : i32
      %ne3A_220 = arith.cmpi ne, %rem3A_218, %ne3A_219 : i32
      %and3A_221 = arith.andi %ne3A_217, %ne3A_220 : i1
      %sub3A_222 = arith.constant 1 : i32
      %sub3A_223 = arith.subi %div3A_202, %sub3A_222 : i32
      %select_n3A_224 = arith.select %and3A_221, %sub3A_223, %div3A_202 : i32
      %while3A_225 = arith.constant 0 : i32
      %while3A_226 = arith.constant 0 : i32
      %while3A_227 = arith.subi %select_n3A_224, %while3A_226 : i32
      %while3A_228 = arith.addi %while3A_226, %while3A_227 : i32
      %while3A_229 = arith.constant 1 : i32
      %while3A_230 = arith.divsi %while3A_227, %while3A_229 : i32
      %while3A_231 = arith.muli %while3A_230, %while3A_229 : i32
      %while3A_232 = arith.addi %while3A_226, %while3A_231 : i32
      %while3A_233 = arith.constant 1 : i32
      scf.for %while3A_245 = %while3A_226 to %while3A_232 step %while3A_233  : i32 {
        %mul3A_246 = arith.constant 16 : i32
        %mul3A_247 = arith.muli %while3A_245, %mul3A_246 : i32
        %add3A_248 = vector.broadcast %mul3A_247 : i32 to vector<16xi32>
        %add3A_249 = arith.addi %add3A_248, %iota3A : vector<16xi32>
        %lt3A = vector.broadcast %squeeze3A_173 : i32 to vector<16xi32>
        %lt3A_250 = arith.cmpi slt, %add3A_249, %lt3A : vector<16xi32>
        %jit3A_251 = arith.constant 1.000000e+00 : f32
        %jit3A_252 = arith.constant 0.000000e+00 : f32
        %broadcast_in_dim3A = vector.broadcast %jit3A_251 : f32 to vector<16xf32>
        %broadcast_in_dim3A_253 = vector.broadcast %jit3A_252 : f32 to vector<16xf32>
        %select_n3A_254 = arith.select %lt3A_250, %broadcast_in_dim3A, %broadcast_in_dim3A_253 : vector<16xi1>, vector<16xf32>
        %mul3A_255 = arith.constant 16 : i32
        %mul3A_256 = arith.muli %while3A_245, %mul3A_255 : i32
        %add3A_257 = arith.addi %squeeze3A_161, %mul3A_256 : i32
        %swap3A = arith.index_cast %add3A_257 : i32 to index
        %swap3A_258 = tpu.vector_load %arg11[%swap3A] {strides = array<i32>} : memref<21536xf32, #tpu.memory_space<vmem>>, vector<16xf32>,
        %swap3A_259 = vector.shape_cast %swap3A_258 : vector<16xf32> to vector<16xf32>
        %swap3A_260 = vector.shape_cast %select_n3A_254 : vector<16xf32> to vector<16xf32>
        tpu.vector_store %arg11[%swap3A], %swap3A_260 {strides = array<i32>} : memref<21536xf32, #tpu.memory_space<vmem>>, vector<16xf32>,
      }
      %while3A_234 = arith.constant 1 : i32
      scf.for %while3A_245 = %while3A_232 to %while3A_228 step %while3A_234  : i32 {
        %mul3A_246 = arith.constant 16 : i32
        %mul3A_247 = arith.muli %while3A_245, %mul3A_246 : i32
        %add3A_248 = vector.broadcast %mul3A_247 : i32 to vector<16xi32>
        %add3A_249 = arith.addi %add3A_248, %iota3A : vector<16xi32>
        %lt3A = vector.broadcast %squeeze3A_173 : i32 to vector<16xi32>
        %lt3A_250 = arith.cmpi slt, %add3A_249, %lt3A : vector<16xi32>
        %jit3A_251 = arith.constant 1.000000e+00 : f32
        %jit3A_252 = arith.constant 0.000000e+00 : f32
        %broadcast_in_dim3A = vector.broadcast %jit3A_251 : f32 to vector<16xf32>
        %broadcast_in_dim3A_253 = vector.broadcast %jit3A_252 : f32 to vector<16xf32>
        %select_n3A_254 = arith.select %lt3A_250, %broadcast_in_dim3A, %broadcast_in_dim3A_253 : vector<16xi1>, vector<16xf32>
        %mul3A_255 = arith.constant 16 : i32
        %mul3A_256 = arith.muli %while3A_245, %mul3A_255 : i32
        %add3A_257 = arith.addi %squeeze3A_161, %mul3A_256 : i32
        %swap3A = arith.index_cast %add3A_257 : i32 to index
        %swap3A_258 = tpu.vector_load %arg11[%swap3A] {strides = array<i32>} : memref<21536xf32, #tpu.memory_space<vmem>>, vector<16xf32>,
        %swap3A_259 = vector.shape_cast %swap3A_258 : vector<16xf32> to vector<16xf32>
        %swap3A_260 = vector.shape_cast %select_n3A_254 : vector<16xf32> to vector<16xf32>
        tpu.vector_store %arg11[%swap3A], %swap3A_260 {strides = array<i32>} : memref<21536xf32, #tpu.memory_space<vmem>>, vector<16xf32>,
      }
      %while3A_235 = arith.constant 0 : i32
      %while3A_236 = arith.constant 0 : i32
      %while3A_237 = arith.subi %squeeze3A_173, %while3A_236 : i32
      %while3A_238 = arith.addi %while3A_236, %while3A_237 : i32
      %while3A_239 = arith.constant 1 : i32
      %while3A_240 = arith.divsi %while3A_237, %while3A_239 : i32
      %while3A_241 = arith.muli %while3A_240, %while3A_239 : i32
      %while3A_242 = arith.addi %while3A_236, %while3A_241 : i32
      %while3A_243 = arith.constant 1 : i32
      scf.for %while3A_245 = %while3A_236 to %while3A_242 step %while3A_243  : i32 {
        %add3A_246 = arith.addi %squeeze3A_161, %while3A_245 : i32
        %get3A_247 = arith.index_cast %add3A_246 : i32 to index
        %get3A_248 = tpu.vector_load %arg11[%get3A_247] {strides = array<i32>} : memref<21536xf32, #tpu.memory_space<vmem>>, vector<16xf32>,
        %get3A_249 = vector.shape_cast %get3A_248 : vector<16xf32> to vector<16xf32>
        %slice3A_250 = vector.extract_strided_slice %get3A_249 {offsets = [0], sizes = [1], strides = [1]} : vector<16xf32> to vector<1xf32>
        %squeeze3A_251 = vector.extract %slice3A_250[0] : f32 from vector<1xf32>
        %get3A_252 = arith.index_cast %add3A_246 : i32 to index
        %get3A_253 = tpu.vector_load %arg6[%get3A_252] {strides = array<i32>} : memref<21536xf32, #tpu.memory_space<vmem>>, vector<16xf32>,
        %get3A_254 = vector.shape_cast %get3A_253 : vector<16xf32> to vector<16xf32>
        %slice3A_255 = vector.extract_strided_slice %get3A_254 {offsets = [0], sizes = [1], strides = [1]} : vector<16xf32> to vector<1xf32>
        %squeeze3A_256 = vector.extract %slice3A_255[0] : f32 from vector<1xf32>
        %broadcast_in_dim3A = vector.broadcast %squeeze3A_256 : f32 to vector<16xf32>
        %get3A_257 = arith.index_cast %add3A_246 : i32 to index
        %get3A_258 = tpu.vector_load %arg7[%get3A_257] {strides = array<i32>} : memref<21536xf32, #tpu.memory_space<vmem>>, vector<16xf32>,
        %get3A_259 = vector.shape_cast %get3A_258 : vector<16xf32> to vector<16xf32>
        %slice3A_260 = vector.extract_strided_slice %get3A_259 {offsets = [0], sizes = [1], strides = [1]} : vector<16xf32> to vector<1xf32>
        %squeeze3A_261 = vector.extract %slice3A_260[0] : f32 from vector<1xf32>
        %broadcast_in_dim3A_262 = vector.broadcast %squeeze3A_261 : f32 to vector<16xf32>
        %get3A_263 = arith.index_cast %add3A_246 : i32 to index
        %get3A_264 = tpu.vector_load %arg8[%get3A_263] {strides = array<i32>} : memref<21536xf32, #tpu.memory_space<vmem>>, vector<16xf32>,
        %get3A_265 = vector.shape_cast %get3A_264 : vector<16xf32> to vector<16xf32>
        %slice3A_266 = vector.extract_strided_slice %get3A_265 {offsets = [0], sizes = [1], strides = [1]} : vector<16xf32> to vector<1xf32>
        %squeeze3A_267 = vector.extract %slice3A_266[0] : f32 from vector<1xf32>
        %broadcast_in_dim3A_268 = vector.broadcast %squeeze3A_267 : f32 to vector<16xf32>
        %get3A_269 = arith.index_cast %add3A_246 : i32 to index
        %get3A_270 = tpu.vector_load %arg9[%get3A_269] {strides = array<i32>} : memref<21536xf32, #tpu.memory_space<vmem>>, vector<16xf32>,
        %get3A_271 = vector.shape_cast %get3A_270 : vector<16xf32> to vector<16xf32>
        %slice3A_272 = vector.extract_strided_slice %get3A_271 {offsets = [0], sizes = [1], strides = [1]} : vector<16xf32> to vector<1xf32>
        %squeeze3A_273 = vector.extract %slice3A_272[0] : f32 from vector<1xf32>
        %broadcast_in_dim3A_274 = vector.broadcast %squeeze3A_273 : f32 to vector<16xf32>
        %sub3A_275 = arith.subf %broadcast_in_dim3A_268, %broadcast_in_dim3A : vector<16xf32>
        %sub3A_276 = arith.subf %broadcast_in_dim3A_274, %broadcast_in_dim3A_262 : vector<16xf32>
        %mul3A_277 = arith.mulf %sub3A_275, %sub3A_276 : vector<16xf32>
        %gt3A = arith.constant 0.000000e+00 : f32
        %gt3A_278 = arith.cmpf ogt, %squeeze3A_251, %gt3A : f32
        %add3A_279 = arith.constant 1 : i32
        %add3A_280 = arith.addi %while3A_245, %add3A_279 : i32
        %jit3A_281 = arith.constant 16 : i32
        %div3A_282 = arith.divsi %add3A_280, %jit3A_281 : i32
        %sign3A_283 = arith.constant 0 : i32
        %sign3A_284 = arith.cmpi sgt, %add3A_280, %sign3A_283 : i32
        %sign3A_285 = arith.extui %sign3A_284 : i1 to i32
        %sign3A_286 = arith.constant 0 : i32
        %sign3A_287 = arith.cmpi slt, %add3A_280, %sign3A_286 : i32
        %sign3A_288 = arith.extui %sign3A_287 : i1 to i32
        %sign3A_289 = arith.subi %sign3A_285, %sign3A_288 : i32
        %sign3A_290 = arith.constant 0 : i32
        %sign3A_291 = arith.cmpi sgt, %jit3A_281, %sign3A_290 : i32
        %sign3A_292 = arith.extui %sign3A_291 : i1 to i32
        %sign3A_293 = arith.constant 0 : i32
        %sign3A_294 = arith.cmpi slt, %jit3A_281, %sign3A_293 : i32
        %sign3A_295 = arith.extui %sign3A_294 : i1 to i32
        %sign3A_296 = arith.subi %sign3A_292, %sign3A_295 : i32
        %ne3A_297 = arith.cmpi ne, %sign3A_289, %sign3A_296 : i32
        %rem3A_298 = arith.remsi %add3A_280, %jit3A_281 : i32
        %ne3A_299 = arith.constant 0 : i32
        %ne3A_300 = arith.cmpi ne, %rem3A_298, %ne3A_299 : i32
        %and3A_301 = arith.andi %ne3A_297, %ne3A_300 : i1
        %sub3A_302 = arith.constant 1 : i32
        %sub3A_303 = arith.subi %div3A_282, %sub3A_302 : i32
        %select_n3A_304 = arith.select %and3A_301, %sub3A_303, %div3A_282 : i32
        %select_n3A_305 = arith.select %gt3A_278, %select_n3A_304, %select_n3A_199 : i32
        %while3A_306 = arith.constant 0 : i32
        %while3A_307 = arith.subi %select_n3A_199, %select_n3A_305 : i32
        %while3A_308 = arith.addi %select_n3A_305, %while3A_307 : i32
        %while3A_309 = arith.constant 1 : i32
        %while3A_310 = arith.divsi %while3A_307, %while3A_309 : i32
        %while3A_311 = arith.muli %while3A_310, %while3A_309 : i32
        %while3A_312 = arith.addi %select_n3A_305, %while3A_311 : i32
        %while3A_313 = arith.constant 1 : i32
        scf.for %while3A_315 = %select_n3A_305 to %while3A_312 step %while3A_313  : i32 {
          %mul3A_316 = arith.constant 16 : i32
          %mul3A_317 = arith.muli %while3A_315, %mul3A_316 : i32
          %add3A_318 = arith.addi %squeeze3A_161, %mul3A_317 : i32
          %get3A_319 = arith.index_cast %add3A_318 : i32 to index
          %get3A_320 = tpu.vector_load %arg6[%get3A_319] {strides = array<i32>} : memref<21536xf32, #tpu.memory_space<vmem>>, vector<16xf32>,
          %get3A_321 = vector.shape_cast %get3A_320 : vector<16xf32> to vector<16xf32>
          %get3A_322 = arith.index_cast %add3A_318 : i32 to index
          %get3A_323 = tpu.vector_load %arg7[%get3A_322] {strides = array<i32>} : memref<21536xf32, #tpu.memory_space<vmem>>, vector<16xf32>,
          %get3A_324 = vector.shape_cast %get3A_323 : vector<16xf32> to vector<16xf32>
          %get3A_325 = arith.index_cast %add3A_318 : i32 to index
          %get3A_326 = tpu.vector_load %arg8[%get3A_325] {strides = array<i32>} : memref<21536xf32, #tpu.memory_space<vmem>>, vector<16xf32>,
          %get3A_327 = vector.shape_cast %get3A_326 : vector<16xf32> to vector<16xf32>
          %get3A_328 = arith.index_cast %add3A_318 : i32 to index
          %get3A_329 = tpu.vector_load %arg9[%get3A_328] {strides = array<i32>} : memref<21536xf32, #tpu.memory_space<vmem>>, vector<16xf32>,
          %get3A_330 = vector.shape_cast %get3A_329 : vector<16xf32> to vector<16xf32>
          %max3A = arith.maximumf %broadcast_in_dim3A, %get3A_321 : vector<16xf32>
          %max3A_331 = arith.maximumf %broadcast_in_dim3A_262, %get3A_324 : vector<16xf32>
          %min3A = arith.minimumf %broadcast_in_dim3A_268, %get3A_327 : vector<16xf32>
          %min3A_332 = arith.minimumf %broadcast_in_dim3A_274, %get3A_330 : vector<16xf32>
          %sub3A_333 = arith.subf %min3A, %max3A : vector<16xf32>
          %max3A_334 = arith.constant 0.000000e+00 : f32
          %max3A_335 = vector.broadcast %max3A_334 : f32 to vector<16xf32>
          %max3A_336 = arith.maximumf %sub3A_333, %max3A_335 : vector<16xf32>
          %sub3A_337 = arith.subf %min3A_332, %max3A_331 : vector<16xf32>
          %max3A_338 = arith.constant 0.000000e+00 : f32
          %max3A_339 = vector.broadcast %max3A_338 : f32 to vector<16xf32>
          %max3A_340 = arith.maximumf %sub3A_337, %max3A_339 : vector<16xf32>
          %mul3A_341 = arith.mulf %max3A_336, %max3A_340 : vector<16xf32>
          %sub3A_342 = arith.subf %get3A_327, %get3A_321 : vector<16xf32>
          %sub3A_343 = arith.subf %get3A_330, %get3A_324 : vector<16xf32>
          %mul3A_344 = arith.mulf %sub3A_342, %sub3A_343 : vector<16xf32>
          %add3A_345 = arith.addf %mul3A_277, %mul3A_344 : vector<16xf32>
          %sub3A_346 = arith.subf %add3A_345, %mul3A_341 : vector<16xf32>
          %add3A_347 = arith.constant 9.99999997E-7 : f32
          %add3A_348 = vector.broadcast %add3A_347 : f32 to vector<16xf32>
          %add3A_349 = arith.addf %sub3A_346, %add3A_348 : vector<16xf32>
          %div3A_350 = arith.divf %mul3A_341, %add3A_349 : vector<16xf32>
          %mul3A_351 = arith.constant 16 : i32
          %mul3A_352 = arith.muli %while3A_315, %mul3A_351 : i32
          %add3A_353 = vector.broadcast %mul3A_352 : i32 to vector<16xi32>
          %add3A_354 = arith.addi %add3A_353, %iota3A : vector<16xi32>
          %ge3A = arith.constant 5.000000e-01 : f32
          %ge3A_355 = vector.broadcast %ge3A : f32 to vector<16xf32>
          %ge3A_356 = arith.cmpf oge, %div3A_350, %ge3A_355 : vector<16xf32>
          %gt3A_357 = vector.broadcast %while3A_245 : i32 to vector<16xi32>
          %gt3A_358 = arith.cmpi sgt, %add3A_354, %gt3A_357 : vector<16xi32>
          %and3A_359 = arith.andi %ge3A_356, %gt3A_358 : vector<16xi1>
          %get3A_360 = arith.index_cast %add3A_318 : i32 to index
          %get3A_361 = tpu.vector_load %arg11[%get3A_360] {strides = array<i32>} : memref<21536xf32, #tpu.memory_space<vmem>>, vector<16xf32>,
          %get3A_362 = vector.shape_cast %get3A_361 : vector<16xf32> to vector<16xf32>
          %jit3A_363 = arith.constant 0.000000e+00 : f32
          %broadcast_in_dim3A_364 = vector.broadcast %jit3A_363 : f32 to vector<16xf32>
          %select_n3A_365 = arith.select %and3A_359, %broadcast_in_dim3A_364, %get3A_362 : vector<16xi1>, vector<16xf32>
          %swap3A = arith.index_cast %add3A_318 : i32 to index
          %swap3A_366 = tpu.vector_load %arg11[%swap3A] {strides = array<i32>} : memref<21536xf32, #tpu.memory_space<vmem>>, vector<16xf32>,
          %swap3A_367 = vector.shape_cast %swap3A_366 : vector<16xf32> to vector<16xf32>
          %swap3A_368 = vector.shape_cast %select_n3A_365 : vector<16xf32> to vector<16xf32>
          tpu.vector_store %arg11[%swap3A], %swap3A_368 {strides = array<i32>} : memref<21536xf32, #tpu.memory_space<vmem>>, vector<16xf32>,
        }
        %while3A_314 = arith.constant 1 : i32
        scf.for %while3A_315 = %while3A_312 to %while3A_308 step %while3A_314  : i32 {
          %mul3A_316 = arith.constant 16 : i32
          %mul3A_317 = arith.muli %while3A_315, %mul3A_316 : i32
          %add3A_318 = arith.addi %squeeze3A_161, %mul3A_317 : i32
          %get3A_319 = arith.index_cast %add3A_318 : i32 to index
          %get3A_320 = tpu.vector_load %arg6[%get3A_319] {strides = array<i32>} : memref<21536xf32, #tpu.memory_space<vmem>>, vector<16xf32>,
          %get3A_321 = vector.shape_cast %get3A_320 : vector<16xf32> to vector<16xf32>
          %get3A_322 = arith.index_cast %add3A_318 : i32 to index
          %get3A_323 = tpu.vector_load %arg7[%get3A_322] {strides = array<i32>} : memref<21536xf32, #tpu.memory_space<vmem>>, vector<16xf32>,
          %get3A_324 = vector.shape_cast %get3A_323 : vector<16xf32> to vector<16xf32>
          %get3A_325 = arith.index_cast %add3A_318 : i32 to index
          %get3A_326 = tpu.vector_load %arg8[%get3A_325] {strides = array<i32>} : memref<21536xf32, #tpu.memory_space<vmem>>, vector<16xf32>,
          %get3A_327 = vector.shape_cast %get3A_326 : vector<16xf32> to vector<16xf32>
          %get3A_328 = arith.index_cast %add3A_318 : i32 to index
          %get3A_329 = tpu.vector_load %arg9[%get3A_328] {strides = array<i32>} : memref<21536xf32, #tpu.memory_space<vmem>>, vector<16xf32>,
          %get3A_330 = vector.shape_cast %get3A_329 : vector<16xf32> to vector<16xf32>
          %max3A = arith.maximumf %broadcast_in_dim3A, %get3A_321 : vector<16xf32>
          %max3A_331 = arith.maximumf %broadcast_in_dim3A_262, %get3A_324 : vector<16xf32>
          %min3A = arith.minimumf %broadcast_in_dim3A_268, %get3A_327 : vector<16xf32>
          %min3A_332 = arith.minimumf %broadcast_in_dim3A_274, %get3A_330 : vector<16xf32>
          %sub3A_333 = arith.subf %min3A, %max3A : vector<16xf32>
          %max3A_334 = arith.constant 0.000000e+00 : f32
          %max3A_335 = vector.broadcast %max3A_334 : f32 to vector<16xf32>
          %max3A_336 = arith.maximumf %sub3A_333, %max3A_335 : vector<16xf32>
          %sub3A_337 = arith.subf %min3A_332, %max3A_331 : vector<16xf32>
          %max3A_338 = arith.constant 0.000000e+00 : f32
          %max3A_339 = vector.broadcast %max3A_338 : f32 to vector<16xf32>
          %max3A_340 = arith.maximumf %sub3A_337, %max3A_339 : vector<16xf32>
          %mul3A_341 = arith.mulf %max3A_336, %max3A_340 : vector<16xf32>
          %sub3A_342 = arith.subf %get3A_327, %get3A_321 : vector<16xf32>
          %sub3A_343 = arith.subf %get3A_330, %get3A_324 : vector<16xf32>
          %mul3A_344 = arith.mulf %sub3A_342, %sub3A_343 : vector<16xf32>
          %add3A_345 = arith.addf %mul3A_277, %mul3A_344 : vector<16xf32>
          %sub3A_346 = arith.subf %add3A_345, %mul3A_341 : vector<16xf32>
          %add3A_347 = arith.constant 9.99999997E-7 : f32
          %add3A_348 = vector.broadcast %add3A_347 : f32 to vector<16xf32>
          %add3A_349 = arith.addf %sub3A_346, %add3A_348 : vector<16xf32>
          %div3A_350 = arith.divf %mul3A_341, %add3A_349 : vector<16xf32>
          %mul3A_351 = arith.constant 16 : i32
          %mul3A_352 = arith.muli %while3A_315, %mul3A_351 : i32
          %add3A_353 = vector.broadcast %mul3A_352 : i32 to vector<16xi32>
          %add3A_354 = arith.addi %add3A_353, %iota3A : vector<16xi32>
          %ge3A = arith.constant 5.000000e-01 : f32
          %ge3A_355 = vector.broadcast %ge3A : f32 to vector<16xf32>
          %ge3A_356 = arith.cmpf oge, %div3A_350, %ge3A_355 : vector<16xf32>
          %gt3A_357 = vector.broadcast %while3A_245 : i32 to vector<16xi32>
          %gt3A_358 = arith.cmpi sgt, %add3A_354, %gt3A_357 : vector<16xi32>
          %and3A_359 = arith.andi %ge3A_356, %gt3A_358 : vector<16xi1>
          %get3A_360 = arith.index_cast %add3A_318 : i32 to index
          %get3A_361 = tpu.vector_load %arg11[%get3A_360] {strides = array<i32>} : memref<21536xf32, #tpu.memory_space<vmem>>, vector<16xf32>,
          %get3A_362 = vector.shape_cast %get3A_361 : vector<16xf32> to vector<16xf32>
          %jit3A_363 = arith.constant 0.000000e+00 : f32
          %broadcast_in_dim3A_364 = vector.broadcast %jit3A_363 : f32 to vector<16xf32>
          %select_n3A_365 = arith.select %and3A_359, %broadcast_in_dim3A_364, %get3A_362 : vector<16xi1>, vector<16xf32>
          %swap3A = arith.index_cast %add3A_318 : i32 to index
          %swap3A_366 = tpu.vector_load %arg11[%swap3A] {strides = array<i32>} : memref<21536xf32, #tpu.memory_space<vmem>>, vector<16xf32>,
          %swap3A_367 = vector.shape_cast %swap3A_366 : vector<16xf32> to vector<16xf32>
          %swap3A_368 = vector.shape_cast %select_n3A_365 : vector<16xf32> to vector<16xf32>
          tpu.vector_store %arg11[%swap3A], %swap3A_368 {strides = array<i32>} : memref<21536xf32, #tpu.memory_space<vmem>>, vector<16xf32>,
        }
      }
      %while3A_244 = arith.constant 1 : i32
      scf.for %while3A_245 = %while3A_242 to %while3A_238 step %while3A_244  : i32 {
        %add3A_246 = arith.addi %squeeze3A_161, %while3A_245 : i32
        %get3A_247 = arith.index_cast %add3A_246 : i32 to index
        %get3A_248 = tpu.vector_load %arg11[%get3A_247] {strides = array<i32>} : memref<21536xf32, #tpu.memory_space<vmem>>, vector<16xf32>,
        %get3A_249 = vector.shape_cast %get3A_248 : vector<16xf32> to vector<16xf32>
        %slice3A_250 = vector.extract_strided_slice %get3A_249 {offsets = [0], sizes = [1], strides = [1]} : vector<16xf32> to vector<1xf32>
        %squeeze3A_251 = vector.extract %slice3A_250[0] : f32 from vector<1xf32>
        %get3A_252 = arith.index_cast %add3A_246 : i32 to index
        %get3A_253 = tpu.vector_load %arg6[%get3A_252] {strides = array<i32>} : memref<21536xf32, #tpu.memory_space<vmem>>, vector<16xf32>,
        %get3A_254 = vector.shape_cast %get3A_253 : vector<16xf32> to vector<16xf32>
        %slice3A_255 = vector.extract_strided_slice %get3A_254 {offsets = [0], sizes = [1], strides = [1]} : vector<16xf32> to vector<1xf32>
        %squeeze3A_256 = vector.extract %slice3A_255[0] : f32 from vector<1xf32>
        %broadcast_in_dim3A = vector.broadcast %squeeze3A_256 : f32 to vector<16xf32>
        %get3A_257 = arith.index_cast %add3A_246 : i32 to index
        %get3A_258 = tpu.vector_load %arg7[%get3A_257] {strides = array<i32>} : memref<21536xf32, #tpu.memory_space<vmem>>, vector<16xf32>,
        %get3A_259 = vector.shape_cast %get3A_258 : vector<16xf32> to vector<16xf32>
        %slice3A_260 = vector.extract_strided_slice %get3A_259 {offsets = [0], sizes = [1], strides = [1]} : vector<16xf32> to vector<1xf32>
        %squeeze3A_261 = vector.extract %slice3A_260[0] : f32 from vector<1xf32>
        %broadcast_in_dim3A_262 = vector.broadcast %squeeze3A_261 : f32 to vector<16xf32>
        %get3A_263 = arith.index_cast %add3A_246 : i32 to index
        %get3A_264 = tpu.vector_load %arg8[%get3A_263] {strides = array<i32>} : memref<21536xf32, #tpu.memory_space<vmem>>, vector<16xf32>,
        %get3A_265 = vector.shape_cast %get3A_264 : vector<16xf32> to vector<16xf32>
        %slice3A_266 = vector.extract_strided_slice %get3A_265 {offsets = [0], sizes = [1], strides = [1]} : vector<16xf32> to vector<1xf32>
        %squeeze3A_267 = vector.extract %slice3A_266[0] : f32 from vector<1xf32>
        %broadcast_in_dim3A_268 = vector.broadcast %squeeze3A_267 : f32 to vector<16xf32>
        %get3A_269 = arith.index_cast %add3A_246 : i32 to index
        %get3A_270 = tpu.vector_load %arg9[%get3A_269] {strides = array<i32>} : memref<21536xf32, #tpu.memory_space<vmem>>, vector<16xf32>,
        %get3A_271 = vector.shape_cast %get3A_270 : vector<16xf32> to vector<16xf32>
        %slice3A_272 = vector.extract_strided_slice %get3A_271 {offsets = [0], sizes = [1], strides = [1]} : vector<16xf32> to vector<1xf32>
        %squeeze3A_273 = vector.extract %slice3A_272[0] : f32 from vector<1xf32>
        %broadcast_in_dim3A_274 = vector.broadcast %squeeze3A_273 : f32 to vector<16xf32>
        %sub3A_275 = arith.subf %broadcast_in_dim3A_268, %broadcast_in_dim3A : vector<16xf32>
        %sub3A_276 = arith.subf %broadcast_in_dim3A_274, %broadcast_in_dim3A_262 : vector<16xf32>
        %mul3A_277 = arith.mulf %sub3A_275, %sub3A_276 : vector<16xf32>
        %gt3A = arith.constant 0.000000e+00 : f32
        %gt3A_278 = arith.cmpf ogt, %squeeze3A_251, %gt3A : f32
        %add3A_279 = arith.constant 1 : i32
        %add3A_280 = arith.addi %while3A_245, %add3A_279 : i32
        %jit3A_281 = arith.constant 16 : i32
        %div3A_282 = arith.divsi %add3A_280, %jit3A_281 : i32
        %sign3A_283 = arith.constant 0 : i32
        %sign3A_284 = arith.cmpi sgt, %add3A_280, %sign3A_283 : i32
        %sign3A_285 = arith.extui %sign3A_284 : i1 to i32
        %sign3A_286 = arith.constant 0 : i32
        %sign3A_287 = arith.cmpi slt, %add3A_280, %sign3A_286 : i32
        %sign3A_288 = arith.extui %sign3A_287 : i1 to i32
        %sign3A_289 = arith.subi %sign3A_285, %sign3A_288 : i32
        %sign3A_290 = arith.constant 0 : i32
        %sign3A_291 = arith.cmpi sgt, %jit3A_281, %sign3A_290 : i32
        %sign3A_292 = arith.extui %sign3A_291 : i1 to i32
        %sign3A_293 = arith.constant 0 : i32
        %sign3A_294 = arith.cmpi slt, %jit3A_281, %sign3A_293 : i32
        %sign3A_295 = arith.extui %sign3A_294 : i1 to i32
        %sign3A_296 = arith.subi %sign3A_292, %sign3A_295 : i32
        %ne3A_297 = arith.cmpi ne, %sign3A_289, %sign3A_296 : i32
        %rem3A_298 = arith.remsi %add3A_280, %jit3A_281 : i32
        %ne3A_299 = arith.constant 0 : i32
        %ne3A_300 = arith.cmpi ne, %rem3A_298, %ne3A_299 : i32
        %and3A_301 = arith.andi %ne3A_297, %ne3A_300 : i1
        %sub3A_302 = arith.constant 1 : i32
        %sub3A_303 = arith.subi %div3A_282, %sub3A_302 : i32
        %select_n3A_304 = arith.select %and3A_301, %sub3A_303, %div3A_282 : i32
        %select_n3A_305 = arith.select %gt3A_278, %select_n3A_304, %select_n3A_199 : i32
        %while3A_306 = arith.constant 0 : i32
        %while3A_307 = arith.subi %select_n3A_199, %select_n3A_305 : i32
        %while3A_308 = arith.addi %select_n3A_305, %while3A_307 : i32
        %while3A_309 = arith.constant 1 : i32
        %while3A_310 = arith.divsi %while3A_307, %while3A_309 : i32
        %while3A_311 = arith.muli %while3A_310, %while3A_309 : i32
        %while3A_312 = arith.addi %select_n3A_305, %while3A_311 : i32
        %while3A_313 = arith.constant 1 : i32
        scf.for %while3A_315 = %select_n3A_305 to %while3A_312 step %while3A_313  : i32 {
          %mul3A_316 = arith.constant 16 : i32
          %mul3A_317 = arith.muli %while3A_315, %mul3A_316 : i32
          %add3A_318 = arith.addi %squeeze3A_161, %mul3A_317 : i32
          %get3A_319 = arith.index_cast %add3A_318 : i32 to index
          %get3A_320 = tpu.vector_load %arg6[%get3A_319] {strides = array<i32>} : memref<21536xf32, #tpu.memory_space<vmem>>, vector<16xf32>,
          %get3A_321 = vector.shape_cast %get3A_320 : vector<16xf32> to vector<16xf32>
          %get3A_322 = arith.index_cast %add3A_318 : i32 to index
          %get3A_323 = tpu.vector_load %arg7[%get3A_322] {strides = array<i32>} : memref<21536xf32, #tpu.memory_space<vmem>>, vector<16xf32>,
          %get3A_324 = vector.shape_cast %get3A_323 : vector<16xf32> to vector<16xf32>
          %get3A_325 = arith.index_cast %add3A_318 : i32 to index
          %get3A_326 = tpu.vector_load %arg8[%get3A_325] {strides = array<i32>} : memref<21536xf32, #tpu.memory_space<vmem>>, vector<16xf32>,
          %get3A_327 = vector.shape_cast %get3A_326 : vector<16xf32> to vector<16xf32>
          %get3A_328 = arith.index_cast %add3A_318 : i32 to index
          %get3A_329 = tpu.vector_load %arg9[%get3A_328] {strides = array<i32>} : memref<21536xf32, #tpu.memory_space<vmem>>, vector<16xf32>,
          %get3A_330 = vector.shape_cast %get3A_329 : vector<16xf32> to vector<16xf32>
          %max3A = arith.maximumf %broadcast_in_dim3A, %get3A_321 : vector<16xf32>
          %max3A_331 = arith.maximumf %broadcast_in_dim3A_262, %get3A_324 : vector<16xf32>
          %min3A = arith.minimumf %broadcast_in_dim3A_268, %get3A_327 : vector<16xf32>
          %min3A_332 = arith.minimumf %broadcast_in_dim3A_274, %get3A_330 : vector<16xf32>
          %sub3A_333 = arith.subf %min3A, %max3A : vector<16xf32>
          %max3A_334 = arith.constant 0.000000e+00 : f32
          %max3A_335 = vector.broadcast %max3A_334 : f32 to vector<16xf32>
          %max3A_336 = arith.maximumf %sub3A_333, %max3A_335 : vector<16xf32>
          %sub3A_337 = arith.subf %min3A_332, %max3A_331 : vector<16xf32>
          %max3A_338 = arith.constant 0.000000e+00 : f32
          %max3A_339 = vector.broadcast %max3A_338 : f32 to vector<16xf32>
          %max3A_340 = arith.maximumf %sub3A_337, %max3A_339 : vector<16xf32>
          %mul3A_341 = arith.mulf %max3A_336, %max3A_340 : vector<16xf32>
          %sub3A_342 = arith.subf %get3A_327, %get3A_321 : vector<16xf32>
          %sub3A_343 = arith.subf %get3A_330, %get3A_324 : vector<16xf32>
          %mul3A_344 = arith.mulf %sub3A_342, %sub3A_343 : vector<16xf32>
          %add3A_345 = arith.addf %mul3A_277, %mul3A_344 : vector<16xf32>
          %sub3A_346 = arith.subf %add3A_345, %mul3A_341 : vector<16xf32>
          %add3A_347 = arith.constant 9.99999997E-7 : f32
          %add3A_348 = vector.broadcast %add3A_347 : f32 to vector<16xf32>
          %add3A_349 = arith.addf %sub3A_346, %add3A_348 : vector<16xf32>
          %div3A_350 = arith.divf %mul3A_341, %add3A_349 : vector<16xf32>
          %mul3A_351 = arith.constant 16 : i32
          %mul3A_352 = arith.muli %while3A_315, %mul3A_351 : i32
          %add3A_353 = vector.broadcast %mul3A_352 : i32 to vector<16xi32>
          %add3A_354 = arith.addi %add3A_353, %iota3A : vector<16xi32>
          %ge3A = arith.constant 5.000000e-01 : f32
          %ge3A_355 = vector.broadcast %ge3A : f32 to vector<16xf32>
          %ge3A_356 = arith.cmpf oge, %div3A_350, %ge3A_355 : vector<16xf32>
          %gt3A_357 = vector.broadcast %while3A_245 : i32 to vector<16xi32>
          %gt3A_358 = arith.cmpi sgt, %add3A_354, %gt3A_357 : vector<16xi32>
          %and3A_359 = arith.andi %ge3A_356, %gt3A_358 : vector<16xi1>
          %get3A_360 = arith.index_cast %add3A_318 : i32 to index
          %get3A_361 = tpu.vector_load %arg11[%get3A_360] {strides = array<i32>} : memref<21536xf32, #tpu.memory_space<vmem>>, vector<16xf32>,
          %get3A_362 = vector.shape_cast %get3A_361 : vector<16xf32> to vector<16xf32>
          %jit3A_363 = arith.constant 0.000000e+00 : f32
          %broadcast_in_dim3A_364 = vector.broadcast %jit3A_363 : f32 to vector<16xf32>
          %select_n3A_365 = arith.select %and3A_359, %broadcast_in_dim3A_364, %get3A_362 : vector<16xi1>, vector<16xf32>
          %swap3A = arith.index_cast %add3A_318 : i32 to index
          %swap3A_366 = tpu.vector_load %arg11[%swap3A] {strides = array<i32>} : memref<21536xf32, #tpu.memory_space<vmem>>, vector<16xf32>,
          %swap3A_367 = vector.shape_cast %swap3A_366 : vector<16xf32> to vector<16xf32>
          %swap3A_368 = vector.shape_cast %select_n3A_365 : vector<16xf32> to vector<16xf32>
          tpu.vector_store %arg11[%swap3A], %swap3A_368 {strides = array<i32>} : memref<21536xf32, #tpu.memory_space<vmem>>, vector<16xf32>,
        }
        %while3A_314 = arith.constant 1 : i32
        scf.for %while3A_315 = %while3A_312 to %while3A_308 step %while3A_314  : i32 {
          %mul3A_316 = arith.constant 16 : i32
          %mul3A_317 = arith.muli %while3A_315, %mul3A_316 : i32
          %add3A_318 = arith.addi %squeeze3A_161, %mul3A_317 : i32
          %get3A_319 = arith.index_cast %add3A_318 : i32 to index
          %get3A_320 = tpu.vector_load %arg6[%get3A_319] {strides = array<i32>} : memref<21536xf32, #tpu.memory_space<vmem>>, vector<16xf32>,
          %get3A_321 = vector.shape_cast %get3A_320 : vector<16xf32> to vector<16xf32>
          %get3A_322 = arith.index_cast %add3A_318 : i32 to index
          %get3A_323 = tpu.vector_load %arg7[%get3A_322] {strides = array<i32>} : memref<21536xf32, #tpu.memory_space<vmem>>, vector<16xf32>,
          %get3A_324 = vector.shape_cast %get3A_323 : vector<16xf32> to vector<16xf32>
          %get3A_325 = arith.index_cast %add3A_318 : i32 to index
          %get3A_326 = tpu.vector_load %arg8[%get3A_325] {strides = array<i32>} : memref<21536xf32, #tpu.memory_space<vmem>>, vector<16xf32>,
          %get3A_327 = vector.shape_cast %get3A_326 : vector<16xf32> to vector<16xf32>
          %get3A_328 = arith.index_cast %add3A_318 : i32 to index
          %get3A_329 = tpu.vector_load %arg9[%get3A_328] {strides = array<i32>} : memref<21536xf32, #tpu.memory_space<vmem>>, vector<16xf32>,
          %get3A_330 = vector.shape_cast %get3A_329 : vector<16xf32> to vector<16xf32>
          %max3A = arith.maximumf %broadcast_in_dim3A, %get3A_321 : vector<16xf32>
          %max3A_331 = arith.maximumf %broadcast_in_dim3A_262, %get3A_324 : vector<16xf32>
          %min3A = arith.minimumf %broadcast_in_dim3A_268, %get3A_327 : vector<16xf32>
          %min3A_332 = arith.minimumf %broadcast_in_dim3A_274, %get3A_330 : vector<16xf32>
          %sub3A_333 = arith.subf %min3A, %max3A : vector<16xf32>
          %max3A_334 = arith.constant 0.000000e+00 : f32
          %max3A_335 = vector.broadcast %max3A_334 : f32 to vector<16xf32>
          %max3A_336 = arith.maximumf %sub3A_333, %max3A_335 : vector<16xf32>
          %sub3A_337 = arith.subf %min3A_332, %max3A_331 : vector<16xf32>
          %max3A_338 = arith.constant 0.000000e+00 : f32
          %max3A_339 = vector.broadcast %max3A_338 : f32 to vector<16xf32>
          %max3A_340 = arith.maximumf %sub3A_337, %max3A_339 : vector<16xf32>
          %mul3A_341 = arith.mulf %max3A_336, %max3A_340 : vector<16xf32>
          %sub3A_342 = arith.subf %get3A_327, %get3A_321 : vector<16xf32>
          %sub3A_343 = arith.subf %get3A_330, %get3A_324 : vector<16xf32>
          %mul3A_344 = arith.mulf %sub3A_342, %sub3A_343 : vector<16xf32>
          %add3A_345 = arith.addf %mul3A_277, %mul3A_344 : vector<16xf32>
          %sub3A_346 = arith.subf %add3A_345, %mul3A_341 : vector<16xf32>
          %add3A_347 = arith.constant 9.99999997E-7 : f32
          %add3A_348 = vector.broadcast %add3A_347 : f32 to vector<16xf32>
          %add3A_349 = arith.addf %sub3A_346, %add3A_348 : vector<16xf32>
          %div3A_350 = arith.divf %mul3A_341, %add3A_349 : vector<16xf32>
          %mul3A_351 = arith.constant 16 : i32
          %mul3A_352 = arith.muli %while3A_315, %mul3A_351 : i32
          %add3A_353 = vector.broadcast %mul3A_352 : i32 to vector<16xi32>
          %add3A_354 = arith.addi %add3A_353, %iota3A : vector<16xi32>
          %ge3A = arith.constant 5.000000e-01 : f32
          %ge3A_355 = vector.broadcast %ge3A : f32 to vector<16xf32>
          %ge3A_356 = arith.cmpf oge, %div3A_350, %ge3A_355 : vector<16xf32>
          %gt3A_357 = vector.broadcast %while3A_245 : i32 to vector<16xi32>
          %gt3A_358 = arith.cmpi sgt, %add3A_354, %gt3A_357 : vector<16xi32>
          %and3A_359 = arith.andi %ge3A_356, %gt3A_358 : vector<16xi1>
          %get3A_360 = arith.index_cast %add3A_318 : i32 to index
          %get3A_361 = tpu.vector_load %arg11[%get3A_360] {strides = array<i32>} : memref<21536xf32, #tpu.memory_space<vmem>>, vector<16xf32>,
          %get3A_362 = vector.shape_cast %get3A_361 : vector<16xf32> to vector<16xf32>
          %jit3A_363 = arith.constant 0.000000e+00 : f32
          %broadcast_in_dim3A_364 = vector.broadcast %jit3A_363 : f32 to vector<16xf32>
          %select_n3A_365 = arith.select %and3A_359, %broadcast_in_dim3A_364, %get3A_362 : vector<16xi1>, vector<16xf32>
          %swap3A = arith.index_cast %add3A_318 : i32 to index
          %swap3A_366 = tpu.vector_load %arg11[%swap3A] {strides = array<i32>} : memref<21536xf32, #tpu.memory_space<vmem>>, vector<16xf32>,
          %swap3A_367 = vector.shape_cast %swap3A_366 : vector<16xf32> to vector<16xf32>
          %swap3A_368 = vector.shape_cast %select_n3A_365 : vector<16xf32> to vector<16xf32>
          tpu.vector_store %arg11[%swap3A], %swap3A_368 {strides = array<i32>} : memref<21536xf32, #tpu.memory_space<vmem>>, vector<16xf32>,
        }
      }
    }
    %while3A_110 = arith.constant 1 : i32
    scf.for %while3A_156 = %while3A_108 to %while3A_104 step %while3A_110  : i32 {
      %get3A_157 = arith.index_cast %while3A_156 : i32 to index
      %get3A_158 = tpu.vector_load %arg12[%get3A_157] {strides = array<i32>} : memref<96xi32, #tpu.memory_space<vmem>>, vector<16xi32>,
      %get3A_159 = vector.shape_cast %get3A_158 : vector<16xi32> to vector<16xi32>
      %slice3A_160 = vector.extract_strided_slice %get3A_159 {offsets = [0], sizes = [1], strides = [1]} : vector<16xi32> to vector<1xi32>
      %squeeze3A_161 = vector.extract %slice3A_160[0] : i32 from vector<1xi32>
      %add3A_162 = arith.constant 1 : i32
      %add3A_163 = arith.addi %while3A_156, %add3A_162 : i32
      %get3A_164 = arith.index_cast %add3A_163 : i32 to index
      %get3A_165 = tpu.vector_load %arg12[%get3A_164] {strides = array<i32>} : memref<96xi32, #tpu.memory_space<vmem>>, vector<16xi32>,
      %get3A_166 = vector.shape_cast %get3A_165 : vector<16xi32> to vector<16xi32>
      %slice3A_167 = vector.extract_strided_slice %get3A_166 {offsets = [0], sizes = [1], strides = [1]} : vector<16xi32> to vector<1xi32>
      %squeeze3A_168 = vector.extract %slice3A_167[0] : i32 from vector<1xi32>
      %get3A_169 = arith.index_cast %while3A_156 : i32 to index
      %get3A_170 = tpu.vector_load %arg13[%get3A_169] {strides = array<i32>} : memref<96xi32, #tpu.memory_space<vmem>>, vector<16xi32>,
      %get3A_171 = vector.shape_cast %get3A_170 : vector<16xi32> to vector<16xi32>
      %slice3A_172 = vector.extract_strided_slice %get3A_171 {offsets = [0], sizes = [1], strides = [1]} : vector<16xi32> to vector<1xi32>
      %squeeze3A_173 = vector.extract %slice3A_172[0] : i32 from vector<1xi32>
      %add3A_174 = arith.constant 15 : i32
      %add3A_175 = arith.addi %squeeze3A_173, %add3A_174 : i32
      %jit3A_176 = arith.constant 16 : i32
      %div3A_177 = arith.divsi %add3A_175, %jit3A_176 : i32
      %sign3A_178 = arith.constant 0 : i32
      %sign3A_179 = arith.cmpi sgt, %add3A_175, %sign3A_178 : i32
      %sign3A_180 = arith.extui %sign3A_179 : i1 to i32
      %sign3A_181 = arith.constant 0 : i32
      %sign3A_182 = arith.cmpi slt, %add3A_175, %sign3A_181 : i32
      %sign3A_183 = arith.extui %sign3A_182 : i1 to i32
      %sign3A_184 = arith.subi %sign3A_180, %sign3A_183 : i32
      %sign3A_185 = arith.constant 0 : i32
      %sign3A_186 = arith.cmpi sgt, %jit3A_176, %sign3A_185 : i32
      %sign3A_187 = arith.extui %sign3A_186 : i1 to i32
      %sign3A_188 = arith.constant 0 : i32
      %sign3A_189 = arith.cmpi slt, %jit3A_176, %sign3A_188 : i32
      %sign3A_190 = arith.extui %sign3A_189 : i1 to i32
      %sign3A_191 = arith.subi %sign3A_187, %sign3A_190 : i32
      %ne3A_192 = arith.cmpi ne, %sign3A_184, %sign3A_191 : i32
      %rem3A_193 = arith.remsi %add3A_175, %jit3A_176 : i32
      %ne3A_194 = arith.constant 0 : i32
      %ne3A_195 = arith.cmpi ne, %rem3A_193, %ne3A_194 : i32
      %and3A_196 = arith.andi %ne3A_192, %ne3A_195 : i1
      %sub3A_197 = arith.constant 1 : i32
      %sub3A_198 = arith.subi %div3A_177, %sub3A_197 : i32
      %select_n3A_199 = arith.select %and3A_196, %sub3A_198, %div3A_177 : i32
      %sub3A_200 = arith.subi %squeeze3A_168, %squeeze3A_161 : i32
      %jit3A_201 = arith.constant 16 : i32
      %div3A_202 = arith.divsi %sub3A_200, %jit3A_201 : i32
      %sign3A_203 = arith.constant 0 : i32
      %sign3A_204 = arith.cmpi sgt, %sub3A_200, %sign3A_203 : i32
      %sign3A_205 = arith.extui %sign3A_204 : i1 to i32
      %sign3A_206 = arith.constant 0 : i32
      %sign3A_207 = arith.cmpi slt, %sub3A_200, %sign3A_206 : i32
      %sign3A_208 = arith.extui %sign3A_207 : i1 to i32
      %sign3A_209 = arith.subi %sign3A_205, %sign3A_208 : i32
      %sign3A_210 = arith.constant 0 : i32
      %sign3A_211 = arith.cmpi sgt, %jit3A_201, %sign3A_210 : i32
      %sign3A_212 = arith.extui %sign3A_211 : i1 to i32
      %sign3A_213 = arith.constant 0 : i32
      %sign3A_214 = arith.cmpi slt, %jit3A_201, %sign3A_213 : i32
      %sign3A_215 = arith.extui %sign3A_214 : i1 to i32
      %sign3A_216 = arith.subi %sign3A_212, %sign3A_215 : i32
      %ne3A_217 = arith.cmpi ne, %sign3A_209, %sign3A_216 : i32
      %rem3A_218 = arith.remsi %sub3A_200, %jit3A_201 : i32
      %ne3A_219 = arith.constant 0 : i32
      %ne3A_220 = arith.cmpi ne, %rem3A_218, %ne3A_219 : i32
      %and3A_221 = arith.andi %ne3A_217, %ne3A_220 : i1
      %sub3A_222 = arith.constant 1 : i32
      %sub3A_223 = arith.subi %div3A_202, %sub3A_222 : i32
      %select_n3A_224 = arith.select %and3A_221, %sub3A_223, %div3A_202 : i32
      %while3A_225 = arith.constant 0 : i32
      %while3A_226 = arith.constant 0 : i32
      %while3A_227 = arith.subi %select_n3A_224, %while3A_226 : i32
      %while3A_228 = arith.addi %while3A_226, %while3A_227 : i32
      %while3A_229 = arith.constant 1 : i32
      %while3A_230 = arith.divsi %while3A_227, %while3A_229 : i32
      %while3A_231 = arith.muli %while3A_230, %while3A_229 : i32
      %while3A_232 = arith.addi %while3A_226, %while3A_231 : i32
      %while3A_233 = arith.constant 1 : i32
      scf.for %while3A_245 = %while3A_226 to %while3A_232 step %while3A_233  : i32 {
        %mul3A_246 = arith.constant 16 : i32
        %mul3A_247 = arith.muli %while3A_245, %mul3A_246 : i32
        %add3A_248 = vector.broadcast %mul3A_247 : i32 to vector<16xi32>
        %add3A_249 = arith.addi %add3A_248, %iota3A : vector<16xi32>
        %lt3A = vector.broadcast %squeeze3A_173 : i32 to vector<16xi32>
        %lt3A_250 = arith.cmpi slt, %add3A_249, %lt3A : vector<16xi32>
        %jit3A_251 = arith.constant 1.000000e+00 : f32
        %jit3A_252 = arith.constant 0.000000e+00 : f32
        %broadcast_in_dim3A = vector.broadcast %jit3A_251 : f32 to vector<16xf32>
        %broadcast_in_dim3A_253 = vector.broadcast %jit3A_252 : f32 to vector<16xf32>
        %select_n3A_254 = arith.select %lt3A_250, %broadcast_in_dim3A, %broadcast_in_dim3A_253 : vector<16xi1>, vector<16xf32>
        %mul3A_255 = arith.constant 16 : i32
        %mul3A_256 = arith.muli %while3A_245, %mul3A_255 : i32
        %add3A_257 = arith.addi %squeeze3A_161, %mul3A_256 : i32
        %swap3A = arith.index_cast %add3A_257 : i32 to index
        %swap3A_258 = tpu.vector_load %arg11[%swap3A] {strides = array<i32>} : memref<21536xf32, #tpu.memory_space<vmem>>, vector<16xf32>,
        %swap3A_259 = vector.shape_cast %swap3A_258 : vector<16xf32> to vector<16xf32>
        %swap3A_260 = vector.shape_cast %select_n3A_254 : vector<16xf32> to vector<16xf32>
        tpu.vector_store %arg11[%swap3A], %swap3A_260 {strides = array<i32>} : memref<21536xf32, #tpu.memory_space<vmem>>, vector<16xf32>,
      }
      %while3A_234 = arith.constant 1 : i32
      scf.for %while3A_245 = %while3A_232 to %while3A_228 step %while3A_234  : i32 {
        %mul3A_246 = arith.constant 16 : i32
        %mul3A_247 = arith.muli %while3A_245, %mul3A_246 : i32
        %add3A_248 = vector.broadcast %mul3A_247 : i32 to vector<16xi32>
        %add3A_249 = arith.addi %add3A_248, %iota3A : vector<16xi32>
        %lt3A = vector.broadcast %squeeze3A_173 : i32 to vector<16xi32>
        %lt3A_250 = arith.cmpi slt, %add3A_249, %lt3A : vector<16xi32>
        %jit3A_251 = arith.constant 1.000000e+00 : f32
        %jit3A_252 = arith.constant 0.000000e+00 : f32
        %broadcast_in_dim3A = vector.broadcast %jit3A_251 : f32 to vector<16xf32>
        %broadcast_in_dim3A_253 = vector.broadcast %jit3A_252 : f32 to vector<16xf32>
        %select_n3A_254 = arith.select %lt3A_250, %broadcast_in_dim3A, %broadcast_in_dim3A_253 : vector<16xi1>, vector<16xf32>
        %mul3A_255 = arith.constant 16 : i32
        %mul3A_256 = arith.muli %while3A_245, %mul3A_255 : i32
        %add3A_257 = arith.addi %squeeze3A_161, %mul3A_256 : i32
        %swap3A = arith.index_cast %add3A_257 : i32 to index
        %swap3A_258 = tpu.vector_load %arg11[%swap3A] {strides = array<i32>} : memref<21536xf32, #tpu.memory_space<vmem>>, vector<16xf32>,
        %swap3A_259 = vector.shape_cast %swap3A_258 : vector<16xf32> to vector<16xf32>
        %swap3A_260 = vector.shape_cast %select_n3A_254 : vector<16xf32> to vector<16xf32>
        tpu.vector_store %arg11[%swap3A], %swap3A_260 {strides = array<i32>} : memref<21536xf32, #tpu.memory_space<vmem>>, vector<16xf32>,
      }
      %while3A_235 = arith.constant 0 : i32
      %while3A_236 = arith.constant 0 : i32
      %while3A_237 = arith.subi %squeeze3A_173, %while3A_236 : i32
      %while3A_238 = arith.addi %while3A_236, %while3A_237 : i32
      %while3A_239 = arith.constant 1 : i32
      %while3A_240 = arith.divsi %while3A_237, %while3A_239 : i32
      %while3A_241 = arith.muli %while3A_240, %while3A_239 : i32
      %while3A_242 = arith.addi %while3A_236, %while3A_241 : i32
      %while3A_243 = arith.constant 1 : i32
      scf.for %while3A_245 = %while3A_236 to %while3A_242 step %while3A_243  : i32 {
        %add3A_246 = arith.addi %squeeze3A_161, %while3A_245 : i32
        %get3A_247 = arith.index_cast %add3A_246 : i32 to index
        %get3A_248 = tpu.vector_load %arg11[%get3A_247] {strides = array<i32>} : memref<21536xf32, #tpu.memory_space<vmem>>, vector<16xf32>,
        %get3A_249 = vector.shape_cast %get3A_248 : vector<16xf32> to vector<16xf32>
        %slice3A_250 = vector.extract_strided_slice %get3A_249 {offsets = [0], sizes = [1], strides = [1]} : vector<16xf32> to vector<1xf32>
        %squeeze3A_251 = vector.extract %slice3A_250[0] : f32 from vector<1xf32>
        %get3A_252 = arith.index_cast %add3A_246 : i32 to index
        %get3A_253 = tpu.vector_load %arg6[%get3A_252] {strides = array<i32>} : memref<21536xf32, #tpu.memory_space<vmem>>, vector<16xf32>,
        %get3A_254 = vector.shape_cast %get3A_253 : vector<16xf32> to vector<16xf32>
        %slice3A_255 = vector.extract_strided_slice %get3A_254 {offsets = [0], sizes = [1], strides = [1]} : vector<16xf32> to vector<1xf32>
        %squeeze3A_256 = vector.extract %slice3A_255[0] : f32 from vector<1xf32>
        %broadcast_in_dim3A = vector.broadcast %squeeze3A_256 : f32 to vector<16xf32>
        %get3A_257 = arith.index_cast %add3A_246 : i32 to index
        %get3A_258 = tpu.vector_load %arg7[%get3A_257] {strides = array<i32>} : memref<21536xf32, #tpu.memory_space<vmem>>, vector<16xf32>,
        %get3A_259 = vector.shape_cast %get3A_258 : vector<16xf32> to vector<16xf32>
        %slice3A_260 = vector.extract_strided_slice %get3A_259 {offsets = [0], sizes = [1], strides = [1]} : vector<16xf32> to vector<1xf32>
        %squeeze3A_261 = vector.extract %slice3A_260[0] : f32 from vector<1xf32>
        %broadcast_in_dim3A_262 = vector.broadcast %squeeze3A_261 : f32 to vector<16xf32>
        %get3A_263 = arith.index_cast %add3A_246 : i32 to index
        %get3A_264 = tpu.vector_load %arg8[%get3A_263] {strides = array<i32>} : memref<21536xf32, #tpu.memory_space<vmem>>, vector<16xf32>,
        %get3A_265 = vector.shape_cast %get3A_264 : vector<16xf32> to vector<16xf32>
        %slice3A_266 = vector.extract_strided_slice %get3A_265 {offsets = [0], sizes = [1], strides = [1]} : vector<16xf32> to vector<1xf32>
        %squeeze3A_267 = vector.extract %slice3A_266[0] : f32 from vector<1xf32>
        %broadcast_in_dim3A_268 = vector.broadcast %squeeze3A_267 : f32 to vector<16xf32>
        %get3A_269 = arith.index_cast %add3A_246 : i32 to index
        %get3A_270 = tpu.vector_load %arg9[%get3A_269] {strides = array<i32>} : memref<21536xf32, #tpu.memory_space<vmem>>, vector<16xf32>,
        %get3A_271 = vector.shape_cast %get3A_270 : vector<16xf32> to vector<16xf32>
        %slice3A_272 = vector.extract_strided_slice %get3A_271 {offsets = [0], sizes = [1], strides = [1]} : vector<16xf32> to vector<1xf32>
        %squeeze3A_273 = vector.extract %slice3A_272[0] : f32 from vector<1xf32>
        %broadcast_in_dim3A_274 = vector.broadcast %squeeze3A_273 : f32 to vector<16xf32>
        %sub3A_275 = arith.subf %broadcast_in_dim3A_268, %broadcast_in_dim3A : vector<16xf32>
        %sub3A_276 = arith.subf %broadcast_in_dim3A_274, %broadcast_in_dim3A_262 : vector<16xf32>
        %mul3A_277 = arith.mulf %sub3A_275, %sub3A_276 : vector<16xf32>
        %gt3A = arith.constant 0.000000e+00 : f32
        %gt3A_278 = arith.cmpf ogt, %squeeze3A_251, %gt3A : f32
        %add3A_279 = arith.constant 1 : i32
        %add3A_280 = arith.addi %while3A_245, %add3A_279 : i32
        %jit3A_281 = arith.constant 16 : i32
        %div3A_282 = arith.divsi %add3A_280, %jit3A_281 : i32
        %sign3A_283 = arith.constant 0 : i32
        %sign3A_284 = arith.cmpi sgt, %add3A_280, %sign3A_283 : i32
        %sign3A_285 = arith.extui %sign3A_284 : i1 to i32
        %sign3A_286 = arith.constant 0 : i32
        %sign3A_287 = arith.cmpi slt, %add3A_280, %sign3A_286 : i32
        %sign3A_288 = arith.extui %sign3A_287 : i1 to i32
        %sign3A_289 = arith.subi %sign3A_285, %sign3A_288 : i32
        %sign3A_290 = arith.constant 0 : i32
        %sign3A_291 = arith.cmpi sgt, %jit3A_281, %sign3A_290 : i32
        %sign3A_292 = arith.extui %sign3A_291 : i1 to i32
        %sign3A_293 = arith.constant 0 : i32
        %sign3A_294 = arith.cmpi slt, %jit3A_281, %sign3A_293 : i32
        %sign3A_295 = arith.extui %sign3A_294 : i1 to i32
        %sign3A_296 = arith.subi %sign3A_292, %sign3A_295 : i32
        %ne3A_297 = arith.cmpi ne, %sign3A_289, %sign3A_296 : i32
        %rem3A_298 = arith.remsi %add3A_280, %jit3A_281 : i32
        %ne3A_299 = arith.constant 0 : i32
        %ne3A_300 = arith.cmpi ne, %rem3A_298, %ne3A_299 : i32
        %and3A_301 = arith.andi %ne3A_297, %ne3A_300 : i1
        %sub3A_302 = arith.constant 1 : i32
        %sub3A_303 = arith.subi %div3A_282, %sub3A_302 : i32
        %select_n3A_304 = arith.select %and3A_301, %sub3A_303, %div3A_282 : i32
        %select_n3A_305 = arith.select %gt3A_278, %select_n3A_304, %select_n3A_199 : i32
        %while3A_306 = arith.constant 0 : i32
        %while3A_307 = arith.subi %select_n3A_199, %select_n3A_305 : i32
        %while3A_308 = arith.addi %select_n3A_305, %while3A_307 : i32
        %while3A_309 = arith.constant 1 : i32
        %while3A_310 = arith.divsi %while3A_307, %while3A_309 : i32
        %while3A_311 = arith.muli %while3A_310, %while3A_309 : i32
        %while3A_312 = arith.addi %select_n3A_305, %while3A_311 : i32
        %while3A_313 = arith.constant 1 : i32
        scf.for %while3A_315 = %select_n3A_305 to %while3A_312 step %while3A_313  : i32 {
          %mul3A_316 = arith.constant 16 : i32
          %mul3A_317 = arith.muli %while3A_315, %mul3A_316 : i32
          %add3A_318 = arith.addi %squeeze3A_161, %mul3A_317 : i32
          %get3A_319 = arith.index_cast %add3A_318 : i32 to index
          %get3A_320 = tpu.vector_load %arg6[%get3A_319] {strides = array<i32>} : memref<21536xf32, #tpu.memory_space<vmem>>, vector<16xf32>,
          %get3A_321 = vector.shape_cast %get3A_320 : vector<16xf32> to vector<16xf32>
          %get3A_322 = arith.index_cast %add3A_318 : i32 to index
          %get3A_323 = tpu.vector_load %arg7[%get3A_322] {strides = array<i32>} : memref<21536xf32, #tpu.memory_space<vmem>>, vector<16xf32>,
          %get3A_324 = vector.shape_cast %get3A_323 : vector<16xf32> to vector<16xf32>
          %get3A_325 = arith.index_cast %add3A_318 : i32 to index
          %get3A_326 = tpu.vector_load %arg8[%get3A_325] {strides = array<i32>} : memref<21536xf32, #tpu.memory_space<vmem>>, vector<16xf32>,
          %get3A_327 = vector.shape_cast %get3A_326 : vector<16xf32> to vector<16xf32>
          %get3A_328 = arith.index_cast %add3A_318 : i32 to index
          %get3A_329 = tpu.vector_load %arg9[%get3A_328] {strides = array<i32>} : memref<21536xf32, #tpu.memory_space<vmem>>, vector<16xf32>,
          %get3A_330 = vector.shape_cast %get3A_329 : vector<16xf32> to vector<16xf32>
          %max3A = arith.maximumf %broadcast_in_dim3A, %get3A_321 : vector<16xf32>
          %max3A_331 = arith.maximumf %broadcast_in_dim3A_262, %get3A_324 : vector<16xf32>
          %min3A = arith.minimumf %broadcast_in_dim3A_268, %get3A_327 : vector<16xf32>
          %min3A_332 = arith.minimumf %broadcast_in_dim3A_274, %get3A_330 : vector<16xf32>
          %sub3A_333 = arith.subf %min3A, %max3A : vector<16xf32>
          %max3A_334 = arith.constant 0.000000e+00 : f32
          %max3A_335 = vector.broadcast %max3A_334 : f32 to vector<16xf32>
          %max3A_336 = arith.maximumf %sub3A_333, %max3A_335 : vector<16xf32>
          %sub3A_337 = arith.subf %min3A_332, %max3A_331 : vector<16xf32>
          %max3A_338 = arith.constant 0.000000e+00 : f32
          %max3A_339 = vector.broadcast %max3A_338 : f32 to vector<16xf32>
          %max3A_340 = arith.maximumf %sub3A_337, %max3A_339 : vector<16xf32>
          %mul3A_341 = arith.mulf %max3A_336, %max3A_340 : vector<16xf32>
          %sub3A_342 = arith.subf %get3A_327, %get3A_321 : vector<16xf32>
          %sub3A_343 = arith.subf %get3A_330, %get3A_324 : vector<16xf32>
          %mul3A_344 = arith.mulf %sub3A_342, %sub3A_343 : vector<16xf32>
          %add3A_345 = arith.addf %mul3A_277, %mul3A_344 : vector<16xf32>
          %sub3A_346 = arith.subf %add3A_345, %mul3A_341 : vector<16xf32>
          %add3A_347 = arith.constant 9.99999997E-7 : f32
          %add3A_348 = vector.broadcast %add3A_347 : f32 to vector<16xf32>
          %add3A_349 = arith.addf %sub3A_346, %add3A_348 : vector<16xf32>
          %div3A_350 = arith.divf %mul3A_341, %add3A_349 : vector<16xf32>
          %mul3A_351 = arith.constant 16 : i32
          %mul3A_352 = arith.muli %while3A_315, %mul3A_351 : i32
          %add3A_353 = vector.broadcast %mul3A_352 : i32 to vector<16xi32>
          %add3A_354 = arith.addi %add3A_353, %iota3A : vector<16xi32>
          %ge3A = arith.constant 5.000000e-01 : f32
          %ge3A_355 = vector.broadcast %ge3A : f32 to vector<16xf32>
          %ge3A_356 = arith.cmpf oge, %div3A_350, %ge3A_355 : vector<16xf32>
          %gt3A_357 = vector.broadcast %while3A_245 : i32 to vector<16xi32>
          %gt3A_358 = arith.cmpi sgt, %add3A_354, %gt3A_357 : vector<16xi32>
          %and3A_359 = arith.andi %ge3A_356, %gt3A_358 : vector<16xi1>
          %get3A_360 = arith.index_cast %add3A_318 : i32 to index
          %get3A_361 = tpu.vector_load %arg11[%get3A_360] {strides = array<i32>} : memref<21536xf32, #tpu.memory_space<vmem>>, vector<16xf32>,
          %get3A_362 = vector.shape_cast %get3A_361 : vector<16xf32> to vector<16xf32>
          %jit3A_363 = arith.constant 0.000000e+00 : f32
          %broadcast_in_dim3A_364 = vector.broadcast %jit3A_363 : f32 to vector<16xf32>
          %select_n3A_365 = arith.select %and3A_359, %broadcast_in_dim3A_364, %get3A_362 : vector<16xi1>, vector<16xf32>
          %swap3A = arith.index_cast %add3A_318 : i32 to index
          %swap3A_366 = tpu.vector_load %arg11[%swap3A] {strides = array<i32>} : memref<21536xf32, #tpu.memory_space<vmem>>, vector<16xf32>,
          %swap3A_367 = vector.shape_cast %swap3A_366 : vector<16xf32> to vector<16xf32>
          %swap3A_368 = vector.shape_cast %select_n3A_365 : vector<16xf32> to vector<16xf32>
          tpu.vector_store %arg11[%swap3A], %swap3A_368 {strides = array<i32>} : memref<21536xf32, #tpu.memory_space<vmem>>, vector<16xf32>,
        }
        %while3A_314 = arith.constant 1 : i32
        scf.for %while3A_315 = %while3A_312 to %while3A_308 step %while3A_314  : i32 {
          %mul3A_316 = arith.constant 16 : i32
          %mul3A_317 = arith.muli %while3A_315, %mul3A_316 : i32
          %add3A_318 = arith.addi %squeeze3A_161, %mul3A_317 : i32
          %get3A_319 = arith.index_cast %add3A_318 : i32 to index
          %get3A_320 = tpu.vector_load %arg6[%get3A_319] {strides = array<i32>} : memref<21536xf32, #tpu.memory_space<vmem>>, vector<16xf32>,
          %get3A_321 = vector.shape_cast %get3A_320 : vector<16xf32> to vector<16xf32>
          %get3A_322 = arith.index_cast %add3A_318 : i32 to index
          %get3A_323 = tpu.vector_load %arg7[%get3A_322] {strides = array<i32>} : memref<21536xf32, #tpu.memory_space<vmem>>, vector<16xf32>,
          %get3A_324 = vector.shape_cast %get3A_323 : vector<16xf32> to vector<16xf32>
          %get3A_325 = arith.index_cast %add3A_318 : i32 to index
          %get3A_326 = tpu.vector_load %arg8[%get3A_325] {strides = array<i32>} : memref<21536xf32, #tpu.memory_space<vmem>>, vector<16xf32>,
          %get3A_327 = vector.shape_cast %get3A_326 : vector<16xf32> to vector<16xf32>
          %get3A_328 = arith.index_cast %add3A_318 : i32 to index
          %get3A_329 = tpu.vector_load %arg9[%get3A_328] {strides = array<i32>} : memref<21536xf32, #tpu.memory_space<vmem>>, vector<16xf32>,
          %get3A_330 = vector.shape_cast %get3A_329 : vector<16xf32> to vector<16xf32>
          %max3A = arith.maximumf %broadcast_in_dim3A, %get3A_321 : vector<16xf32>
          %max3A_331 = arith.maximumf %broadcast_in_dim3A_262, %get3A_324 : vector<16xf32>
          %min3A = arith.minimumf %broadcast_in_dim3A_268, %get3A_327 : vector<16xf32>
          %min3A_332 = arith.minimumf %broadcast_in_dim3A_274, %get3A_330 : vector<16xf32>
          %sub3A_333 = arith.subf %min3A, %max3A : vector<16xf32>
          %max3A_334 = arith.constant 0.000000e+00 : f32
          %max3A_335 = vector.broadcast %max3A_334 : f32 to vector<16xf32>
          %max3A_336 = arith.maximumf %sub3A_333, %max3A_335 : vector<16xf32>
          %sub3A_337 = arith.subf %min3A_332, %max3A_331 : vector<16xf32>
          %max3A_338 = arith.constant 0.000000e+00 : f32
          %max3A_339 = vector.broadcast %max3A_338 : f32 to vector<16xf32>
          %max3A_340 = arith.maximumf %sub3A_337, %max3A_339 : vector<16xf32>
          %mul3A_341 = arith.mulf %max3A_336, %max3A_340 : vector<16xf32>
          %sub3A_342 = arith.subf %get3A_327, %get3A_321 : vector<16xf32>
          %sub3A_343 = arith.subf %get3A_330, %get3A_324 : vector<16xf32>
          %mul3A_344 = arith.mulf %sub3A_342, %sub3A_343 : vector<16xf32>
          %add3A_345 = arith.addf %mul3A_277, %mul3A_344 : vector<16xf32>
          %sub3A_346 = arith.subf %add3A_345, %mul3A_341 : vector<16xf32>
          %add3A_347 = arith.constant 9.99999997E-7 : f32
          %add3A_348 = vector.broadcast %add3A_347 : f32 to vector<16xf32>
          %add3A_349 = arith.addf %sub3A_346, %add3A_348 : vector<16xf32>
          %div3A_350 = arith.divf %mul3A_341, %add3A_349 : vector<16xf32>
          %mul3A_351 = arith.constant 16 : i32
          %mul3A_352 = arith.muli %while3A_315, %mul3A_351 : i32
          %add3A_353 = vector.broadcast %mul3A_352 : i32 to vector<16xi32>
          %add3A_354 = arith.addi %add3A_353, %iota3A : vector<16xi32>
          %ge3A = arith.constant 5.000000e-01 : f32
          %ge3A_355 = vector.broadcast %ge3A : f32 to vector<16xf32>
          %ge3A_356 = arith.cmpf oge, %div3A_350, %ge3A_355 : vector<16xf32>
          %gt3A_357 = vector.broadcast %while3A_245 : i32 to vector<16xi32>
          %gt3A_358 = arith.cmpi sgt, %add3A_354, %gt3A_357 : vector<16xi32>
          %and3A_359 = arith.andi %ge3A_356, %gt3A_358 : vector<16xi1>
          %get3A_360 = arith.index_cast %add3A_318 : i32 to index
          %get3A_361 = tpu.vector_load %arg11[%get3A_360] {strides = array<i32>} : memref<21536xf32, #tpu.memory_space<vmem>>, vector<16xf32>,
          %get3A_362 = vector.shape_cast %get3A_361 : vector<16xf32> to vector<16xf32>
          %jit3A_363 = arith.constant 0.000000e+00 : f32
          %broadcast_in_dim3A_364 = vector.broadcast %jit3A_363 : f32 to vector<16xf32>
          %select_n3A_365 = arith.select %and3A_359, %broadcast_in_dim3A_364, %get3A_362 : vector<16xi1>, vector<16xf32>
          %swap3A = arith.index_cast %add3A_318 : i32 to index
          %swap3A_366 = tpu.vector_load %arg11[%swap3A] {strides = array<i32>} : memref<21536xf32, #tpu.memory_space<vmem>>, vector<16xf32>,
          %swap3A_367 = vector.shape_cast %swap3A_366 : vector<16xf32> to vector<16xf32>
          %swap3A_368 = vector.shape_cast %select_n3A_365 : vector<16xf32> to vector<16xf32>
          tpu.vector_store %arg11[%swap3A], %swap3A_368 {strides = array<i32>} : memref<21536xf32, #tpu.memory_space<vmem>>, vector<16xf32>,
        }
      }
      %while3A_244 = arith.constant 1 : i32
      scf.for %while3A_245 = %while3A_242 to %while3A_238 step %while3A_244  : i32 {
        %add3A_246 = arith.addi %squeeze3A_161, %while3A_245 : i32
        %get3A_247 = arith.index_cast %add3A_246 : i32 to index
        %get3A_248 = tpu.vector_load %arg11[%get3A_247] {strides = array<i32>} : memref<21536xf32, #tpu.memory_space<vmem>>, vector<16xf32>,
        %get3A_249 = vector.shape_cast %get3A_248 : vector<16xf32> to vector<16xf32>
        %slice3A_250 = vector.extract_strided_slice %get3A_249 {offsets = [0], sizes = [1], strides = [1]} : vector<16xf32> to vector<1xf32>
        %squeeze3A_251 = vector.extract %slice3A_250[0] : f32 from vector<1xf32>
        %get3A_252 = arith.index_cast %add3A_246 : i32 to index
        %get3A_253 = tpu.vector_load %arg6[%get3A_252] {strides = array<i32>} : memref<21536xf32, #tpu.memory_space<vmem>>, vector<16xf32>,
        %get3A_254 = vector.shape_cast %get3A_253 : vector<16xf32> to vector<16xf32>
        %slice3A_255 = vector.extract_strided_slice %get3A_254 {offsets = [0], sizes = [1], strides = [1]} : vector<16xf32> to vector<1xf32>
        %squeeze3A_256 = vector.extract %slice3A_255[0] : f32 from vector<1xf32>
        %broadcast_in_dim3A = vector.broadcast %squeeze3A_256 : f32 to vector<16xf32>
        %get3A_257 = arith.index_cast %add3A_246 : i32 to index
        %get3A_258 = tpu.vector_load %arg7[%get3A_257] {strides = array<i32>} : memref<21536xf32, #tpu.memory_space<vmem>>, vector<16xf32>,
        %get3A_259 = vector.shape_cast %get3A_258 : vector<16xf32> to vector<16xf32>
        %slice3A_260 = vector.extract_strided_slice %get3A_259 {offsets = [0], sizes = [1], strides = [1]} : vector<16xf32> to vector<1xf32>
        %squeeze3A_261 = vector.extract %slice3A_260[0] : f32 from vector<1xf32>
        %broadcast_in_dim3A_262 = vector.broadcast %squeeze3A_261 : f32 to vector<16xf32>
        %get3A_263 = arith.index_cast %add3A_246 : i32 to index
        %get3A_264 = tpu.vector_load %arg8[%get3A_263] {strides = array<i32>} : memref<21536xf32, #tpu.memory_space<vmem>>, vector<16xf32>,
        %get3A_265 = vector.shape_cast %get3A_264 : vector<16xf32> to vector<16xf32>
        %slice3A_266 = vector.extract_strided_slice %get3A_265 {offsets = [0], sizes = [1], strides = [1]} : vector<16xf32> to vector<1xf32>
        %squeeze3A_267 = vector.extract %slice3A_266[0] : f32 from vector<1xf32>
        %broadcast_in_dim3A_268 = vector.broadcast %squeeze3A_267 : f32 to vector<16xf32>
        %get3A_269 = arith.index_cast %add3A_246 : i32 to index
        %get3A_270 = tpu.vector_load %arg9[%get3A_269] {strides = array<i32>} : memref<21536xf32, #tpu.memory_space<vmem>>, vector<16xf32>,
        %get3A_271 = vector.shape_cast %get3A_270 : vector<16xf32> to vector<16xf32>
        %slice3A_272 = vector.extract_strided_slice %get3A_271 {offsets = [0], sizes = [1], strides = [1]} : vector<16xf32> to vector<1xf32>
        %squeeze3A_273 = vector.extract %slice3A_272[0] : f32 from vector<1xf32>
        %broadcast_in_dim3A_274 = vector.broadcast %squeeze3A_273 : f32 to vector<16xf32>
        %sub3A_275 = arith.subf %broadcast_in_dim3A_268, %broadcast_in_dim3A : vector<16xf32>
        %sub3A_276 = arith.subf %broadcast_in_dim3A_274, %broadcast_in_dim3A_262 : vector<16xf32>
        %mul3A_277 = arith.mulf %sub3A_275, %sub3A_276 : vector<16xf32>
        %gt3A = arith.constant 0.000000e+00 : f32
        %gt3A_278 = arith.cmpf ogt, %squeeze3A_251, %gt3A : f32
        %add3A_279 = arith.constant 1 : i32
        %add3A_280 = arith.addi %while3A_245, %add3A_279 : i32
        %jit3A_281 = arith.constant 16 : i32
        %div3A_282 = arith.divsi %add3A_280, %jit3A_281 : i32
        %sign3A_283 = arith.constant 0 : i32
        %sign3A_284 = arith.cmpi sgt, %add3A_280, %sign3A_283 : i32
        %sign3A_285 = arith.extui %sign3A_284 : i1 to i32
        %sign3A_286 = arith.constant 0 : i32
        %sign3A_287 = arith.cmpi slt, %add3A_280, %sign3A_286 : i32
        %sign3A_288 = arith.extui %sign3A_287 : i1 to i32
        %sign3A_289 = arith.subi %sign3A_285, %sign3A_288 : i32
        %sign3A_290 = arith.constant 0 : i32
        %sign3A_291 = arith.cmpi sgt, %jit3A_281, %sign3A_290 : i32
        %sign3A_292 = arith.extui %sign3A_291 : i1 to i32
        %sign3A_293 = arith.constant 0 : i32
        %sign3A_294 = arith.cmpi slt, %jit3A_281, %sign3A_293 : i32
        %sign3A_295 = arith.extui %sign3A_294 : i1 to i32
        %sign3A_296 = arith.subi %sign3A_292, %sign3A_295 : i32
        %ne3A_297 = arith.cmpi ne, %sign3A_289, %sign3A_296 : i32
        %rem3A_298 = arith.remsi %add3A_280, %jit3A_281 : i32
        %ne3A_299 = arith.constant 0 : i32
        %ne3A_300 = arith.cmpi ne, %rem3A_298, %ne3A_299 : i32
        %and3A_301 = arith.andi %ne3A_297, %ne3A_300 : i1
        %sub3A_302 = arith.constant 1 : i32
        %sub3A_303 = arith.subi %div3A_282, %sub3A_302 : i32
        %select_n3A_304 = arith.select %and3A_301, %sub3A_303, %div3A_282 : i32
        %select_n3A_305 = arith.select %gt3A_278, %select_n3A_304, %select_n3A_199 : i32
        %while3A_306 = arith.constant 0 : i32
        %while3A_307 = arith.subi %select_n3A_199, %select_n3A_305 : i32
        %while3A_308 = arith.addi %select_n3A_305, %while3A_307 : i32
        %while3A_309 = arith.constant 1 : i32
        %while3A_310 = arith.divsi %while3A_307, %while3A_309 : i32
        %while3A_311 = arith.muli %while3A_310, %while3A_309 : i32
        %while3A_312 = arith.addi %select_n3A_305, %while3A_311 : i32
        %while3A_313 = arith.constant 1 : i32
        scf.for %while3A_315 = %select_n3A_305 to %while3A_312 step %while3A_313  : i32 {
          %mul3A_316 = arith.constant 16 : i32
          %mul3A_317 = arith.muli %while3A_315, %mul3A_316 : i32
          %add3A_318 = arith.addi %squeeze3A_161, %mul3A_317 : i32
          %get3A_319 = arith.index_cast %add3A_318 : i32 to index
          %get3A_320 = tpu.vector_load %arg6[%get3A_319] {strides = array<i32>} : memref<21536xf32, #tpu.memory_space<vmem>>, vector<16xf32>,
          %get3A_321 = vector.shape_cast %get3A_320 : vector<16xf32> to vector<16xf32>
          %get3A_322 = arith.index_cast %add3A_318 : i32 to index
          %get3A_323 = tpu.vector_load %arg7[%get3A_322] {strides = array<i32>} : memref<21536xf32, #tpu.memory_space<vmem>>, vector<16xf32>,
          %get3A_324 = vector.shape_cast %get3A_323 : vector<16xf32> to vector<16xf32>
          %get3A_325 = arith.index_cast %add3A_318 : i32 to index
          %get3A_326 = tpu.vector_load %arg8[%get3A_325] {strides = array<i32>} : memref<21536xf32, #tpu.memory_space<vmem>>, vector<16xf32>,
          %get3A_327 = vector.shape_cast %get3A_326 : vector<16xf32> to vector<16xf32>
          %get3A_328 = arith.index_cast %add3A_318 : i32 to index
          %get3A_329 = tpu.vector_load %arg9[%get3A_328] {strides = array<i32>} : memref<21536xf32, #tpu.memory_space<vmem>>, vector<16xf32>,
          %get3A_330 = vector.shape_cast %get3A_329 : vector<16xf32> to vector<16xf32>
          %max3A = arith.maximumf %broadcast_in_dim3A, %get3A_321 : vector<16xf32>
          %max3A_331 = arith.maximumf %broadcast_in_dim3A_262, %get3A_324 : vector<16xf32>
          %min3A = arith.minimumf %broadcast_in_dim3A_268, %get3A_327 : vector<16xf32>
          %min3A_332 = arith.minimumf %broadcast_in_dim3A_274, %get3A_330 : vector<16xf32>
          %sub3A_333 = arith.subf %min3A, %max3A : vector<16xf32>
          %max3A_334 = arith.constant 0.000000e+00 : f32
          %max3A_335 = vector.broadcast %max3A_334 : f32 to vector<16xf32>
          %max3A_336 = arith.maximumf %sub3A_333, %max3A_335 : vector<16xf32>
          %sub3A_337 = arith.subf %min3A_332, %max3A_331 : vector<16xf32>
          %max3A_338 = arith.constant 0.000000e+00 : f32
          %max3A_339 = vector.broadcast %max3A_338 : f32 to vector<16xf32>
          %max3A_340 = arith.maximumf %sub3A_337, %max3A_339 : vector<16xf32>
          %mul3A_341 = arith.mulf %max3A_336, %max3A_340 : vector<16xf32>
          %sub3A_342 = arith.subf %get3A_327, %get3A_321 : vector<16xf32>
          %sub3A_343 = arith.subf %get3A_330, %get3A_324 : vector<16xf32>
          %mul3A_344 = arith.mulf %sub3A_342, %sub3A_343 : vector<16xf32>
          %add3A_345 = arith.addf %mul3A_277, %mul3A_344 : vector<16xf32>
          %sub3A_346 = arith.subf %add3A_345, %mul3A_341 : vector<16xf32>
          %add3A_347 = arith.constant 9.99999997E-7 : f32
          %add3A_348 = vector.broadcast %add3A_347 : f32 to vector<16xf32>
          %add3A_349 = arith.addf %sub3A_346, %add3A_348 : vector<16xf32>
          %div3A_350 = arith.divf %mul3A_341, %add3A_349 : vector<16xf32>
          %mul3A_351 = arith.constant 16 : i32
          %mul3A_352 = arith.muli %while3A_315, %mul3A_351 : i32
          %add3A_353 = vector.broadcast %mul3A_352 : i32 to vector<16xi32>
          %add3A_354 = arith.addi %add3A_353, %iota3A : vector<16xi32>
          %ge3A = arith.constant 5.000000e-01 : f32
          %ge3A_355 = vector.broadcast %ge3A : f32 to vector<16xf32>
          %ge3A_356 = arith.cmpf oge, %div3A_350, %ge3A_355 : vector<16xf32>
          %gt3A_357 = vector.broadcast %while3A_245 : i32 to vector<16xi32>
          %gt3A_358 = arith.cmpi sgt, %add3A_354, %gt3A_357 : vector<16xi32>
          %and3A_359 = arith.andi %ge3A_356, %gt3A_358 : vector<16xi1>
          %get3A_360 = arith.index_cast %add3A_318 : i32 to index
          %get3A_361 = tpu.vector_load %arg11[%get3A_360] {strides = array<i32>} : memref<21536xf32, #tpu.memory_space<vmem>>, vector<16xf32>,
          %get3A_362 = vector.shape_cast %get3A_361 : vector<16xf32> to vector<16xf32>
          %jit3A_363 = arith.constant 0.000000e+00 : f32
          %broadcast_in_dim3A_364 = vector.broadcast %jit3A_363 : f32 to vector<16xf32>
          %select_n3A_365 = arith.select %and3A_359, %broadcast_in_dim3A_364, %get3A_362 : vector<16xi1>, vector<16xf32>
          %swap3A = arith.index_cast %add3A_318 : i32 to index
          %swap3A_366 = tpu.vector_load %arg11[%swap3A] {strides = array<i32>} : memref<21536xf32, #tpu.memory_space<vmem>>, vector<16xf32>,
          %swap3A_367 = vector.shape_cast %swap3A_366 : vector<16xf32> to vector<16xf32>
          %swap3A_368 = vector.shape_cast %select_n3A_365 : vector<16xf32> to vector<16xf32>
          tpu.vector_store %arg11[%swap3A], %swap3A_368 {strides = array<i32>} : memref<21536xf32, #tpu.memory_space<vmem>>, vector<16xf32>,
        }
        %while3A_314 = arith.constant 1 : i32
        scf.for %while3A_315 = %while3A_312 to %while3A_308 step %while3A_314  : i32 {
          %mul3A_316 = arith.constant 16 : i32
          %mul3A_317 = arith.muli %while3A_315, %mul3A_316 : i32
          %add3A_318 = arith.addi %squeeze3A_161, %mul3A_317 : i32
          %get3A_319 = arith.index_cast %add3A_318 : i32 to index
          %get3A_320 = tpu.vector_load %arg6[%get3A_319] {strides = array<i32>} : memref<21536xf32, #tpu.memory_space<vmem>>, vector<16xf32>,
          %get3A_321 = vector.shape_cast %get3A_320 : vector<16xf32> to vector<16xf32>
          %get3A_322 = arith.index_cast %add3A_318 : i32 to index
          %get3A_323 = tpu.vector_load %arg7[%get3A_322] {strides = array<i32>} : memref<21536xf32, #tpu.memory_space<vmem>>, vector<16xf32>,
          %get3A_324 = vector.shape_cast %get3A_323 : vector<16xf32> to vector<16xf32>
          %get3A_325 = arith.index_cast %add3A_318 : i32 to index
          %get3A_326 = tpu.vector_load %arg8[%get3A_325] {strides = array<i32>} : memref<21536xf32, #tpu.memory_space<vmem>>, vector<16xf32>,
          %get3A_327 = vector.shape_cast %get3A_326 : vector<16xf32> to vector<16xf32>
          %get3A_328 = arith.index_cast %add3A_318 : i32 to index
          %get3A_329 = tpu.vector_load %arg9[%get3A_328] {strides = array<i32>} : memref<21536xf32, #tpu.memory_space<vmem>>, vector<16xf32>,
          %get3A_330 = vector.shape_cast %get3A_329 : vector<16xf32> to vector<16xf32>
          %max3A = arith.maximumf %broadcast_in_dim3A, %get3A_321 : vector<16xf32>
          %max3A_331 = arith.maximumf %broadcast_in_dim3A_262, %get3A_324 : vector<16xf32>
          %min3A = arith.minimumf %broadcast_in_dim3A_268, %get3A_327 : vector<16xf32>
          %min3A_332 = arith.minimumf %broadcast_in_dim3A_274, %get3A_330 : vector<16xf32>
          %sub3A_333 = arith.subf %min3A, %max3A : vector<16xf32>
          %max3A_334 = arith.constant 0.000000e+00 : f32
          %max3A_335 = vector.broadcast %max3A_334 : f32 to vector<16xf32>
          %max3A_336 = arith.maximumf %sub3A_333, %max3A_335 : vector<16xf32>
          %sub3A_337 = arith.subf %min3A_332, %max3A_331 : vector<16xf32>
          %max3A_338 = arith.constant 0.000000e+00 : f32
          %max3A_339 = vector.broadcast %max3A_338 : f32 to vector<16xf32>
          %max3A_340 = arith.maximumf %sub3A_337, %max3A_339 : vector<16xf32>
          %mul3A_341 = arith.mulf %max3A_336, %max3A_340 : vector<16xf32>
          %sub3A_342 = arith.subf %get3A_327, %get3A_321 : vector<16xf32>
          %sub3A_343 = arith.subf %get3A_330, %get3A_324 : vector<16xf32>
          %mul3A_344 = arith.mulf %sub3A_342, %sub3A_343 : vector<16xf32>
          %add3A_345 = arith.addf %mul3A_277, %mul3A_344 : vector<16xf32>
          %sub3A_346 = arith.subf %add3A_345, %mul3A_341 : vector<16xf32>
          %add3A_347 = arith.constant 9.99999997E-7 : f32
          %add3A_348 = vector.broadcast %add3A_347 : f32 to vector<16xf32>
          %add3A_349 = arith.addf %sub3A_346, %add3A_348 : vector<16xf32>
          %div3A_350 = arith.divf %mul3A_341, %add3A_349 : vector<16xf32>
          %mul3A_351 = arith.constant 16 : i32
          %mul3A_352 = arith.muli %while3A_315, %mul3A_351 : i32
          %add3A_353 = vector.broadcast %mul3A_352 : i32 to vector<16xi32>
          %add3A_354 = arith.addi %add3A_353, %iota3A : vector<16xi32>
          %ge3A = arith.constant 5.000000e-01 : f32
          %ge3A_355 = vector.broadcast %ge3A : f32 to vector<16xf32>
          %ge3A_356 = arith.cmpf oge, %div3A_350, %ge3A_355 : vector<16xf32>
          %gt3A_357 = vector.broadcast %while3A_245 : i32 to vector<16xi32>
          %gt3A_358 = arith.cmpi sgt, %add3A_354, %gt3A_357 : vector<16xi32>
          %and3A_359 = arith.andi %ge3A_356, %gt3A_358 : vector<16xi1>
          %get3A_360 = arith.index_cast %add3A_318 : i32 to index
          %get3A_361 = tpu.vector_load %arg11[%get3A_360] {strides = array<i32>} : memref<21536xf32, #tpu.memory_space<vmem>>, vector<16xf32>,
          %get3A_362 = vector.shape_cast %get3A_361 : vector<16xf32> to vector<16xf32>
          %jit3A_363 = arith.constant 0.000000e+00 : f32
          %broadcast_in_dim3A_364 = vector.broadcast %jit3A_363 : f32 to vector<16xf32>
          %select_n3A_365 = arith.select %and3A_359, %broadcast_in_dim3A_364, %get3A_362 : vector<16xi1>, vector<16xf32>
          %swap3A = arith.index_cast %add3A_318 : i32 to index
          %swap3A_366 = tpu.vector_load %arg11[%swap3A] {strides = array<i32>} : memref<21536xf32, #tpu.memory_space<vmem>>, vector<16xf32>,
          %swap3A_367 = vector.shape_cast %swap3A_366 : vector<16xf32> to vector<16xf32>
          %swap3A_368 = vector.shape_cast %select_n3A_365 : vector<16xf32> to vector<16xf32>
          tpu.vector_store %arg11[%swap3A], %swap3A_368 {strides = array<i32>} : memref<21536xf32, #tpu.memory_space<vmem>>, vector<16xf32>,
        }
      }
    }
    %sub3A_111 = arith.subi %squeeze3A_53, %squeeze3A : i32
    %jit3A_112 = arith.constant 16 : i32
    %div3A_113 = arith.divsi %sub3A_111, %jit3A_112 : i32
    %sign3A_114 = arith.constant 0 : i32
    %sign3A_115 = arith.cmpi sgt, %sub3A_111, %sign3A_114 : i32
    %sign3A_116 = arith.extui %sign3A_115 : i1 to i32
    %sign3A_117 = arith.constant 0 : i32
    %sign3A_118 = arith.cmpi slt, %sub3A_111, %sign3A_117 : i32
    %sign3A_119 = arith.extui %sign3A_118 : i1 to i32
    %sign3A_120 = arith.subi %sign3A_116, %sign3A_119 : i32
    %sign3A_121 = arith.constant 0 : i32
    %sign3A_122 = arith.cmpi sgt, %jit3A_112, %sign3A_121 : i32
    %sign3A_123 = arith.extui %sign3A_122 : i1 to i32
    %sign3A_124 = arith.constant 0 : i32
    %sign3A_125 = arith.cmpi slt, %jit3A_112, %sign3A_124 : i32
    %sign3A_126 = arith.extui %sign3A_125 : i1 to i32
    %sign3A_127 = arith.subi %sign3A_123, %sign3A_126 : i32
    %ne3A_128 = arith.cmpi ne, %sign3A_120, %sign3A_127 : i32
    %rem3A_129 = arith.remsi %sub3A_111, %jit3A_112 : i32
    %ne3A_130 = arith.constant 0 : i32
    %ne3A_131 = arith.cmpi ne, %rem3A_129, %ne3A_130 : i32
    %and3A_132 = arith.andi %ne3A_128, %ne3A_131 : i1
    %sub3A_133 = arith.constant 1 : i32
    %sub3A_134 = arith.subi %div3A_113, %sub3A_133 : i32
    %select_n3A_135 = arith.select %and3A_132, %sub3A_134, %div3A_113 : i32
    %while3A_136 = arith.constant 0 : i32
    %while3A_137 = arith.constant 0 : i32
    %while3A_138 = arith.subi %select_n3A_135, %while3A_137 : i32
    %while3A_139 = arith.addi %while3A_137, %while3A_138 : i32
    %while3A_140 = arith.constant 1 : i32
    %while3A_141 = arith.divsi %while3A_138, %while3A_140 : i32
    %while3A_142 = arith.muli %while3A_141, %while3A_140 : i32
    %while3A_143 = arith.addi %while3A_137, %while3A_142 : i32
    %while3A_144 = arith.constant 1 : i32
    scf.for %while3A_156 = %while3A_137 to %while3A_143 step %while3A_144  : i32 {
      %mul3A_157 = arith.constant 16 : i32
      %mul3A_158 = arith.muli %while3A_156, %mul3A_157 : i32
      %add3A_159 = arith.addi %squeeze3A, %mul3A_158 : i32
      %multiple_of3A = tpu.assume_multiple %add3A_159, 16 : i32
      %get3A_160 = arith.index_cast %multiple_of3A : i32 to index
      %get3A_161 = tpu.vector_load %arg10[%get3A_160] {strides = array<i32>} : memref<21536xf32, #tpu.memory_space<vmem>>, vector<16xf32>,
      %get3A_162 = vector.shape_cast %get3A_161 : vector<16xf32> to vector<16xf32>
      %convert_element_type3A = arith.fptosi %get3A_162 : vector<16xf32> to vector<16xi32>
      %dma_start3A = tpu.memref_slice %arg11[%multiple_of3A] : memref<21536xf32, #tpu.memory_space<vmem>> -> memref<16xf32, #tpu.memory_space<vmem>>
      %dma_start3A_163 = arith.constant 0 : i32
      %dma_start3A_164 = tpu.memref_slice %arg5[%dma_start3A_163] : memref<20016xf32, #tpu.memory_space<hbm>> -> memref<20016xf32, #tpu.memory_space<hbm>>
      tpu.enqueue_indirect_dma source(%dma_start3A : memref<16xf32, #tpu.memory_space<vmem>>) target(%dma_start3A_164 : memref<20016xf32, #tpu.memory_space<hbm>>) offsets(%convert_element_type3A : vector<16xi32>) semaphore(%arg14 : memref<!tpu.dma_semaphore, #tpu.memory_space<semaphore_mem>>)
    }
    %while3A_145 = arith.constant 1 : i32
    scf.for %while3A_156 = %while3A_143 to %while3A_139 step %while3A_145  : i32 {
      %mul3A_157 = arith.constant 16 : i32
      %mul3A_158 = arith.muli %while3A_156, %mul3A_157 : i32
      %add3A_159 = arith.addi %squeeze3A, %mul3A_158 : i32
      %multiple_of3A = tpu.assume_multiple %add3A_159, 16 : i32
      %get3A_160 = arith.index_cast %multiple_of3A : i32 to index
      %get3A_161 = tpu.vector_load %arg10[%get3A_160] {strides = array<i32>} : memref<21536xf32, #tpu.memory_space<vmem>>, vector<16xf32>,
      %get3A_162 = vector.shape_cast %get3A_161 : vector<16xf32> to vector<16xf32>
      %convert_element_type3A = arith.fptosi %get3A_162 : vector<16xf32> to vector<16xi32>
      %dma_start3A = tpu.memref_slice %arg11[%multiple_of3A] : memref<21536xf32, #tpu.memory_space<vmem>> -> memref<16xf32, #tpu.memory_space<vmem>>
      %dma_start3A_163 = arith.constant 0 : i32
      %dma_start3A_164 = tpu.memref_slice %arg5[%dma_start3A_163] : memref<20016xf32, #tpu.memory_space<hbm>> -> memref<20016xf32, #tpu.memory_space<hbm>>
      tpu.enqueue_indirect_dma source(%dma_start3A : memref<16xf32, #tpu.memory_space<vmem>>) target(%dma_start3A_164 : memref<20016xf32, #tpu.memory_space<hbm>>) offsets(%convert_element_type3A : vector<16xi32>) semaphore(%arg14 : memref<!tpu.dma_semaphore, #tpu.memory_space<semaphore_mem>>)
    }
    %while3A_146 = arith.constant 0 : i32
    %while3A_147 = arith.constant 0 : i32
    %while3A_148 = arith.subi %select_n3A_135, %while3A_147 : i32
    %while3A_149 = arith.addi %while3A_147, %while3A_148 : i32
    %while3A_150 = arith.constant 1 : i32
    %while3A_151 = arith.divsi %while3A_148, %while3A_150 : i32
    %while3A_152 = arith.muli %while3A_151, %while3A_150 : i32
    %while3A_153 = arith.addi %while3A_147, %while3A_152 : i32
    %while3A_154 = arith.constant 1 : i32
    scf.for %while3A_156 = %while3A_147 to %while3A_153 step %while3A_154  : i32 {
      %dma_wait3A = arith.constant 0 : i32
      %dma_wait3A_157 = tpu.memref_slice %arg11[%dma_wait3A] : memref<21536xf32, #tpu.memory_space<vmem>> -> memref<16xf32, #tpu.memory_space<vmem>>
      %dma_wait3A_158 = arith.constant 0 : i32
      %dma_wait3A_159 = tpu.memref_slice %arg2[%dma_wait3A_158] : memref<106656xf32, #tpu.memory_space<hbm>> -> memref<16xf32, #tpu.memory_space<hbm>>
      %dma_wait3A_160 = arith.constant 0 : i32
      %dma_wait3A_161 = tpu.memref_slice %arg11[%dma_wait3A_160] : memref<21536xf32, #tpu.memory_space<vmem>> -> memref<16xf32, #tpu.memory_space<vmem>>
      %dma_wait3A_162 = arith.constant 0 : i32
      %dma_wait3A_163 = tpu.memref_slice %arg2[%dma_wait3A_162] : memref<106656xf32, #tpu.memory_space<hbm>> -> memref<16xf32, #tpu.memory_space<hbm>>
      tpu.wait_dma2 semaphore(%arg14 : memref<!tpu.dma_semaphore, #tpu.memory_space<semaphore_mem>>) src(%dma_wait3A_163 : memref<16xf32, #tpu.memory_space<hbm>>) dst(%dma_wait3A_161 : memref<16xf32, #tpu.memory_space<vmem>>)
    }
    %while3A_155 = arith.constant 1 : i32
    scf.for %while3A_156 = %while3A_153 to %while3A_149 step %while3A_155  : i32 {
      %dma_wait3A = arith.constant 0 : i32
      %dma_wait3A_157 = tpu.memref_slice %arg11[%dma_wait3A] : memref<21536xf32, #tpu.memory_space<vmem>> -> memref<16xf32, #tpu.memory_space<vmem>>
      %dma_wait3A_158 = arith.constant 0 : i32
      %dma_wait3A_159 = tpu.memref_slice %arg2[%dma_wait3A_158] : memref<106656xf32, #tpu.memory_space<hbm>> -> memref<16xf32, #tpu.memory_space<hbm>>
      %dma_wait3A_160 = arith.constant 0 : i32
      %dma_wait3A_161 = tpu.memref_slice %arg11[%dma_wait3A_160] : memref<21536xf32, #tpu.memory_space<vmem>> -> memref<16xf32, #tpu.memory_space<vmem>>
      %dma_wait3A_162 = arith.constant 0 : i32
      %dma_wait3A_163 = tpu.memref_slice %arg2[%dma_wait3A_162] : memref<106656xf32, #tpu.memory_space<hbm>> -> memref<16xf32, #tpu.memory_space<hbm>>
      tpu.wait_dma2 semaphore(%arg14 : memref<!tpu.dma_semaphore, #tpu.memory_space<semaphore_mem>>) src(%dma_wait3A_163 : memref<16xf32, #tpu.memory_space<hbm>>) dst(%dma_wait3A_161 : memref<16xf32, #tpu.memory_space<vmem>>)
    }
    return
  }
}

</mosaic_0001>

<sc_bundles>
// kernel: gather_offload_async_start.1
scs
__scs_entry_jumppad:
0x0: {  	(pc) =	sbr.rel $0x88, $3  }
0x1: {  	(tag) =	ssettag $0x0;
	lr =	simm.s32 $0x1  }
0x2: {  	[smem:$0x3F9E] =	sst lr;
	_ =	strace $0xD0000000  }
0x3: {  	_ = 	snop  }
0x4: {  	_ = 	snop  }
0x5: {  	_ = 	snop  }
0x6: {  	_ = 	snop  }
0x7: {  	_ = 	snop  }
__scs_overlays_trampoline_lowered:
0x8: {  	[smem:$0x3FAD] =	sst s0  }
0x9: {  	[smem:$0x3FAE] =	sst s1  }
0xa: {  	[smem:$0x3FAF] =	sst s2  }
0xb: {  	[smem:$0x3FB0] =	sst s3  }
0xc: {  	[smem:$0x3FB1] =	sst s4  }
0xd: {  	[smem:$0x3FB2] =	sst s5  }
0xe: {  	[smem:$0x3FB3] =	sst s6  }
0xf: {  	[smem:$0x3FB4] =	sst s7  }
0x10: {  	[smem:$0x3FB5] =	sst s8  }
0x11: {  	[smem:$0x3FB6] =	sst s9;
	s0 =	simm.s32 @!p0 $0x0  }
0x12: {  	s1 =	sld [smem:$0x3F9C];
	s0 =	simm.s32 @p0 $0x1  }
0x13: {  	[smem:$0x3FB7] =	sst s0;
	s0 =	simm.s32 @!p1 $0x0  }
0x14: {  	s2 =	sld [smem:$0x3F9B];
	s0 =	simm.s32 @p1 $0x1  }
0x15: {  	[smem:$0x3FB8] =	sst s0;
	s0 =	simm.s32 @!p2 $0x0  }
0x16: {  	s3 =	sld [smem:$0x3FDB];
	s0 =	simm.s32 @p2 $0x1  }
0x17: {  	s4 =	simm.s32 $0x1BF5;
	[smem:$0x3FBA] =	sst s0  }
0x18: {  	s0 =	sld [smem:$0x3F9D];
	_ =	swait.ge [sflag:s4], $0x0  }
0x19: {  	s7 =	sld [smem:$0x3F9E]  }
0x1a: {  	s8 =	sadd.s32 $0xFFFFE003, lr  }
0x1b: {  	s9 =	sadd.s32 $0xFFFFFEF7, lr;
	s5 =	simm.s32 $0xFFFFFFFF;
	p2 =	slt.u32 s8, $0xFFFFF086  }
0x1c: {  	p1 =	slt.u32 s9, $0xF7A;
	s5 =	simm.s32 @!p2 $0x0  }
0x1d: {  	s5 =	simm.s32 @p1 $0x1;
	p0 =	seq.s32 s7, s2  }
0x1e: {  	s7 =	smul.u32 @!p0 $0xF7A, s2;
	p2 =	seq.s32 @!p0 s5, $0x0  }
0x1f: {  	s9 =	smul.u32 $0xF7A, s1;
	s8 =	simm.s32 @!p0 $0x1BF5;
	p2 =	por !p2, p0  }
0x20: {  	[sflag:s8] =	ssyncset.s32 @!p0 $0xFFFFF086;
	s6 =	sadd.s32 @!p0 s3, s7;
	s7 =	simm.s32 @!p0 $0x108  }
0x21: {  	s3 =	sadd.s32 s3, s9;
	s6 =	sadd.s32 @!p0 $0x88, s6;
	s7 =	simm.s32 @p2 $0x1082  }
0x22: {  	[simem:s7], [sflag:s8] =	dma.local @!p0 [hbm:s6], $0xF7A  }
0x23: {  	s9 =	sor.u32 $0xD0000000, s2;
	s6 =	simm.s32 $0x108;
	_ =	swait.ge @!p0 [sflag:s8], $0x0  }
0x24: {  	s3 =	sadd.s32 $0x88, s3;
	s6 =	simm.s32 @!p1 $0x1082;
	[sflag:s4] =	ssyncset.s32 $0xFFFFF086  }
0x25: {  	[simem:s6], [sflag:s4] =	dma.local [hbm:s3], $0xF7A  }
0x26: {  	[smem:$0x3F9E] =	sst s1;
	(tag) =	ssettag s2;
	_ =	strace s9  }
0x27: {  	s1 =	sld [smem:$0x3FAE]  }
0x28: {  	s2 =	sld [smem:$0x3FAF]  }
0x29: {  	s4 =	sld [smem:$0x3FB1]  }
0x2a: {  	p0 =	seq.s32 s5, $0x0;
	s5 =	sld [smem:$0x3FB2]  }
0x2b: {  	s6 =	sld [smem:$0x3FB3]  }
0x2c: {  	s7 =	sld [smem:$0x3FB4]  }
0x2d: {  	s3 =	simm.s32 $0x108;
	s8 =	sld [smem:$0x3FB5]  }
0x2e: {  	s3 =	simm.s32 @!p0 $0x1082;
	s9 =	sld [smem:$0x3FB6]  }
0x2f: {  	lr =	sadd.s32 s0, s3;
	s0 =	sld [smem:$0x3FAD]  }
0x30: {  	s3 =	sld [smem:$0x3FB0]  }
0x31: {  	[smem:$0x3FB9] =	sst s10  }
0x32: {  	s10 =	sld [smem:$0x3FB7];
	_ =	sdelay $0x3  }
0x33: {  	p0 =	seq.s32 s10, $0x1;
	s10 =	sld [smem:$0x3FB9];
	_ =	sdelay $0x3  }
0x34: {  	[smem:$0x3FB9] =	sst s10  }
0x35: {  	s10 =	sld [smem:$0x3FB8];
	_ =	sdelay $0x3  }
0x36: {  	p1 =	seq.s32 s10, $0x1;
	s10 =	sld [smem:$0x3FB9];
	_ =	sdelay $0x3  }
0x37: {  	[smem:$0x3FB9] =	sst s10  }
0x38: {  	s10 =	sld [smem:$0x3FBA]  }
0x39: {  	_ = 	snop;
	(pc) =	sbr.ind lr, $3  }
0x3a: {  	_ = 	snop  }
0x3b: {  	_ = 	snop  }
0x3c: {  	p2 =	seq.s32 s10, $0x1;
	s10 =	sld [smem:$0x3FB9]  }
0x3d: {  	_ =	shalt  }
0x3e: {  	_ =	shalt  }
0x3f: {  	_ =	shalt  }
0x40: {  	_ =	shalt  }
0x41: {  	_ =	shalt  }
0x42: {  	_ =	shalt  }
0x43: {  	_ =	shalt  }
0x44: {  	_ =	shalt  }
0x45: {  	_ =	shalt  }
0x46: {  	_ =	shalt  }
0x47: {  	_ =	shalt  }
0x48: {  	_ =	shalt  }
0x49: {  	_ =	shalt  }
0x4a: {  	_ =	shalt  }
0x4b: {  	_ =	shalt  }
0x4c: {  	_ =	shalt  }
0x4d: {  	_ =	shalt  }
0x4e: {  	_ =	shalt  }
0x4f: {  	_ =	shalt  }
0x50: {  	_ =	shalt  }
0x51: {  	_ =	shalt  }
0x52: {  	_ =	shalt  }
0x53: {  	_ =	shalt  }
0x54: {  	_ =	shalt  }
0x55: {  	_ =	shalt  }
0x56: {  	_ =	shalt  }
0x57: {  	_ =	shalt  }
0x58: {  	_ =	shalt  }
0x59: {  	_ =	shalt  }
0x5a: {  	_ =	shalt  }
0x5b: {  	_ =	shalt  }
0x5c: {  	_ =	shalt  }
0x5d: {  	_ =	shalt  }
0x5e: {  	_ =	shalt  }
0x5f: {  	_ =	shalt  }
0x60: {  	_ =	shalt  }
0x61: {  	_ =	shalt  }
0x62: {  	_ =	shalt  }
0x63: {  	_ =	shalt  }
0x64: {  	_ =	shalt  }
0x65: {  	_ =	shalt  }
0x66: {  	_ =	shalt  }
0x67: {  	_ =	shalt  }
0x68: {  	_ =	shalt  }
0x69: {  	_ =	shalt  }
0x6a: {  	_ =	shalt  }
0x6b: {  	_ =	shalt  }
0x6c: {  	_ =	shalt  }
0x6d: {  	_ =	shalt  }
0x6e: {  	_ =	shalt  }
0x6f: {  	_ =	shalt  }
0x70: {  	_ =	shalt  }
0x71: {  	_ =	shalt  }
0x72: {  	_ =	shalt  }
0x73: {  	_ =	shalt  }
0x74: {  	_ =	shalt  }
0x75: {  	_ =	shalt  }
0x76: {  	_ =	shalt  }
0x77: {  	_ =	shalt  }
0x78: {  	_ =	shalt  }
0x79: {  	_ =	shalt  }
0x7a: {  	_ =	shalt  }
0x7b: {  	_ =	shalt  }
0x7c: {  	_ =	shalt  }
0x7d: {  	_ =	shalt  }
0x7e: {  	_ =	shalt  }
0x7f: {  	_ =	shalt  }
0x80: {  	_ =	shalt  }
0x81: {  	_ =	shalt  }
0x82: {  	_ =	shalt  }
0x83: {  	_ =	shalt  }
0x84: {  	_ =	shalt  }
0x85: {  	_ =	shalt  }
0x86: {  	_ =	shalt  }
0x87: {  	_ =	shalt  }
.Lfunc_end0:
.L_simem_size_0:
called_computation.3_lowered:
.L_overlay_start_0:
0x88: {  	s2 =	sld [smem:$0x3FD9]  }
0x89: {  	s3 =	sld [smem:$0x3FFE];
	_ =	sdelay $0x1  }
0x8a: {  	s1 =	srdreg.scid  }
0x8b: {  	s0 =	sand.u32 $0x1, s1  }
0x8c: {  	s17 =	sshll.u32 s0, $0xA;
	s2 =	sadd.s32 s3, s2  }
0x8d: {  	s2 =	sadd.s32 s2, s17  }
0x8e: {  	[smem:$0x3FC5] =	sst s2  }
0x8f: {  	_ = 	snop  }
0x90: {  	s2 =	sld [smem:$0x3FC8]  }
0x91: {  	s18 =	sld [smem:$0x3FD0];
	(tm) =	ssettm $0x1  }
0x92: {  	s4 =	sld [smem:$0x3FFB];
	_ =	sdelay $0x3  }
0x93: {  	_ =	strace s4  }
0x94: {  	s4 =	sld [smem:$0x3FFC];
	_ =	sdelay $0x3  }
0x95: {  	_ =	strace s4  }
0x96: {  	s4 =	sld [smem:$0x3FFD];
	_ =	sdelay $0x3  }
0x97: {  	_ =	strace s4  }
0x98: {  	_ =	strace $0x8FFFFFFF  }
0x99: {  	s19 =	sld [smem:$0x3FDB];
	_ =	sdelay $0x1  }
0x9a: {  	s5 =	simm.s32 $_scs_section_size  }
0x9b: {  	s6 =	simm.s32 $_size__tile_overlayer_lowered;
	s7 =	simm.s32 $_tile_overlayer_lowered  }
0x9c: {  	s22 =	simm.s32 $0x1BFF;
	s21 =	sshll.u32 s7, $0x1;
	s4 =	sadd.s32 s5, s19  }
0x9d: {  	s8 =	simm.s32 $0x0;
	s20 =	sshll.u32 s6, $0x1;
	s6 =	sadd.s32 s21, s4  }
0x9e: {  	[timem:s8], [sflag:s22] =	dma.local [hbm:s6], s20  }
0x9f: {  	_ =	swait.ge [sflag:s22], s20  }
0xa0: {  	s5 =	ssub.s32 $0x0, s20;
	[sflag:s22] =	ssyncset.done $0x0  }
0xa1: {  	[sflag:s22] =	ssyncadd.s32 s5;
	_ =	sdelay $0x1  }
0xa2: {  	s23 =	simm.s32 $0x1B8B  }
0xa3: {  	_ =	swait.ge [sflag:s23], $0x1  }
0xa4: {  	[sflag:s23] =	ssyncset.done $0x0  }
0xa5: {  	s25 =	simm.s32 $0x1B8E;
	s24 =	sld [smem:$0x3FFE];
	[sflag:s23] =	ssyncadd.s32 $0xFFFFFFFF  }
0xa6: {  	s26 =	simm.s32 $execute0_lowered;
	[smem:$0x3FD2] =	sst s25  }
0xa7: {  	s6 =	sshll.u32 s26, $0x1;
	_ =	strace $0x80000049;
	[dreg:$0x1] =	wrdreg $0xFFFFFFFF  }
0xa8: {  	s28 =	simm.s32 $_size_execute0_lowered;
	s4 =	sadd.s32 s4, s6;
	[dreg:$0x0] =	wrdreg $0x0  }
0xa9: {  	s6 =	sshll.u32 s28, $0x1;
	[dreg:$0x2] =	wrdreg s4  }
0xaa: {  	[dreg:$0x3] =	wrdreg s6  }
0xab: {  	[dreg:$0x4] =	wrdreg $0xC0  }
0xac: {  	_ =	task [dreg:s8], $0x5FFFF  }
0xad: {  	[dreg:$0x1] =	wrdreg $0xFFFFFFFF  }
0xae: {  	[dreg:$0x0] =	wrdreg $0x60  }
0xaf: {  	[dreg:$0x2] =	wrdreg s2  }
0xb0: {  	[dreg:$0x3] =	wrdreg s18  }
0xb1: {  	[dreg:$0x4] =	wrdreg s24  }
0xb2: {  	[dreg:$0x5] =	wrdreg $0x9  }
0xb3: {  	_ =	task.clear_ibuf [dreg:s8], $0x6FFFF;
	_ =	strace $0x90000049  }
0xb4: {  	s29 =	simm.s32 $0x9;
	_ =	strace $0x8000004B  }
0xb5: {  	_ =	swait.ge [sflag:s29], $0x1  }
0xb6: {  	[sflag:s29] =	ssyncadd.s32 $0xFFFFFFFF  }
0xb7: {  	_ =	strace $0x9000004B  }
0xb8: {  	_ =	sfence  }
0xb9: {  	s30 =	sld [smem:$0x0];
	_ =	sdelay $0x2  }
0xba: {  	s31 =	sshll.u32 s1, $0xD;
	s1 =	sshrl.u32 s1, $0x2  }
0xbb: {  	s3 =	sand.u32 $0x4000, s31;
	s1 =	sadd.s32 s1, s30  }
0xbc: {  	s0 =	sor.u32 s3, s0;
	s1 =	sshll.u32 s1, $0x11  }
0xbd: {  	s0 =	sor.u32 s1, s0  }
0xbe: {  	s0 =	sadd.s32 $0x8F2B, s0  }
0xbf: {  	[sflag:s0] =	ssyncadd.remote.s32 $0x1  }
0xc0: {  	_ =	sfence.sel $0xFFFF  }
0xc1: {  	[dreg:$0x0] =	wrdreg $0xFFFFFFFF;
	(pc) =	sbr.abs _section_cstart, $3  }
0xc2: {  	[dreg:$0x1] =	wrdreg $0xFFFFFFFF  }
0xc3: {  	_ =	task.clear_ibuf [dreg:s8], $0x2FFFF;
	_ =	strace $0x9FFFFFFF  }
0xc4: {  	(tm) =	ssettm $0x7FFFFFFF  }
0xc5: {  	_ =	shalt  }
tec
execute0_lowered:
.L_overlay_start_1:
0x0: {  	(tag) =	ssettag $0x1  }
0x1: {  	s2 =	rddreg [dreg:$0x0]  }
0x2: {  	s3 =	rddreg [dreg:$0x1]  }
0x3: {  	s8 =	rddreg [dreg:$0x2];
	s1 =	stileid.u32  }
0x4: {  	s4 =	srdreg.scid;
	s0 =	rddreg [dreg:$0x3];
	_ =	strace $0x8000004A  }
0x5: {  	s7 =	simm.s32 $0x1;
	s9 =	simm.s32 $0x1;
	s10 =	simm.s32 $0x3  }
0x6: {  	s13 =	simm.s32 $0x0;
	s5 =	sand.u32 $0x1, s4;
	s6 =	sshll.u32 s1, $0x1  }
0x7: {  	s12 =	simm.s32 $0x0;
	s4 =	simm.s32 $0x1;
	s5 =	sor.u32 s6, s5  }
.Ltmp0:
0x8: {  	[sflag:s4] =	ssyncpa.u1 $0x0;
	p0 =	slt.u32 s5, $0x13;
	(pc) =	sbr.rel .LBB2_1-.Ltmp0, $4  }
0x9: {  	s6 =	simm.s32 $0x2;
	s7 =	simm.s32 @!p0 $0x0;
	p0 =	sne.s32 s5, $0x12  }
0xa: {  	[sflag:s6] =	ssyncpa.u1 $0x0;
	s5 =	smul.u32 $0x190, s5;
	s9 =	simm.s32 @!p0 $0x0  }
0xb: {  	s8 =	sadd.s32 $0x50000, s8;
	[sflag:s10] =	ssyncpa.u1 $0x0;
	s7 =	sadd.s32 s9, s7  }
0xc: {  	vm0 =	vmmov $0xffff;
	s10 =	simm.s32 $0x0;
	s11 =	smov.u32 s5;
	s9 =	sadd.s32 $0x1, s7  }
.LBB2_4:
0xd: {  	v2 =	vnsel vm1, $0x0, v2  }
0xe: {  	vm1 =	vgt.s32 v0, $0x0;
	v2 =	vmin.u32 v2, $0x4E1F  }
0xf: {  	v0 =	vnsel vm1, $0x0, v0  }
0x10: {  	v0 =	vmin.u32 v0, $0x4E1F  }
0x11: {  	[tilespmem:s18], [sflag:$0x1] =	stream.indirect_vreg.gather [hbm4b:s2+s10], $0x1, v1, vm0, $0x4038;
	[tilespmem:$0x640] =	vst v63  }
0x12: {  	(ifvalue) =	ssetifvalue $0x7FFFFFFF  }
0x13: {  	[tilespmem:s15], [sflag:$0x1] =	stream.indirect_vreg.gather [hbm4b:s2+s10], $0x1, v2, vm0, $0x4038;
	[tilespmem:$0x640] =	vst v63  }
0x14: {  	s29 =	sadd.s32 $0x10, s15;
	(ifvalue) =	ssetifvalue $0x7FFFFFFF  }
0x15: {  	[tilespmem:s29], [sflag:$0x1] =	stream.indirect_vreg.gather [hbm4b:s2+s10], $0x1, v0, vm0, $0x4038;
	[tilespmem:$0x640] =	vst v63  }
0x16: {  	_ =	swait.ge [sflag:s4], $0x190  }
0x17: {  	s30 =	sshrl.u32 s13, $0x3;
	[sflag:s4] =	ssyncset.done $0x0  }
0x18: {  	s31 =	sand.u32 $0x7, s13;
	s15 =	sadd.s32 s8, s30;
	[sflag:s4] =	ssyncadd.s32 $0xFFFFFE70  }
0x19: {  	[hbm4b:s15+s31] =	stream.linear.scatter [tilespmem:s14], [sflag:$0x3], $0x190, $0x38;
	[tilespmem:$0x640] =	vst v63  }
.LBB2_5:
0x1a: {  	s15 =	sadd.s32 $0x3200, s11  }
0x1b: {  	p1 =	sgt.s32 s15, $0x4E1F  }
0x1c: {  	s15 =	smov.u32 @p1 s5;
	p1 =	sne.s32 s12, s9  }
.Ltmp1:
0x1d: {  	p0 =	slt.u32 s12, $0x2;
	(pc) =	sbr.rel @!p1 .LBB2_6-.Ltmp1, $4  }
0x1e: {  	s14 =	simm.s32 @!p0 $0x3  }
0x1f: {  	_ =	swait.ge @!p0 [sflag:s14], $0x190  }
0x20: {  	s16 =	sadd.s32 $0x1, s12;
	s13 =	smov.u32 s11;
	[sflag:s14] =	ssyncset.done @!p0 $0x0  }
0x21: {  	s12 =	smov.u32 s16;
	s11 =	smov.u32 s15;
	[sflag:s14] =	ssyncadd.s32 @!p0 $0xFFFFFE70  }
.LBB2_1:
0x22: {  	p0 =	sge.u32 s12, s7  }
0x23: {  	s14 =	sxor.u32 @!p0 $0x1, s12  }
0x24: {  	s14 =	smul.u32 @!p0 $0x640, s14  }
0x25: {  	s31 =	sadd.s32 $0xFFFFFFFF, s12;
	s15 =	sshrl.u32 @!p0 s11, $0x3  }
0x26: {  	s16 =	sand.u32 @!p0 $0x7, s11;
	s15 =	sadd.s32 @!p0 s3, s15;
	s14 =	sshra.s32 @!p0 s14, $0x2  }
0x27: {  	[tilespmem:s14], [sflag:$0x2] =	stream.linear.gather @!p0 [hbm4b:s15+s16], $0x190, $0x38;
	[tilespmem:$0x640] =	vst v63  }
0x28: {  	p0 =	sge.u32 s31, s7  }
.Ltmp2:
0x29: {  	_ = 	snop;
	(pc) =	sbr.rel @p0 .LBB2_5-.Ltmp2, $1  }
0x2a: {  	_ =	sdelay $0x3  }
0x2b: {  	s14 =	sand.u32 $0x1, s12  }
0x2c: {  	_ =	swait.ge [sflag:s6], $0x190;
	p0 =	seq.s32 s14, $0x1;
	s14 =	simm.s32 $0x190  }
0x2d: {  	[sflag:s6] =	ssyncset.done $0x0;
	s14 =	simm.s32 @!p0 $0x0  }
0x2e: {  	[sflag:s6] =	ssyncadd.s32 $0xFFFFFE70;
	(ifvalue) =	ssetifvalue $0x7FFFFFFF;
	v0 =	vld.msk [tilespmem:s14+$0x0 ss:$0x1], $0xffff;
	_ =	sdelay $0x4  }
0x2f: {  	s15 =	sadd.s32 $0x10, s14;
	vm1 =	vgt.s32 v0, $0x0  }
0x30: {  	v2 =	vld.msk [tilespmem:s15+$0x0 ss:$0x1], $0xffff;
	v1 =	vnsel vm1, $0x0, v0  }
0x31: {  	v1 =	vmin.u32 v1, $0x4E1F;
	_ =	sdelay $0x2  }
0x32: {  	s17 =	simm.s32 $0x20;
	s14 =	sadd.s32 $0x320, s14;
	s16 =	sadd.s32 $0x10, s15  }
0x33: {  	s15 =	sadd.s32 $0x10, s14;
	s18 =	smov.u32 s14;
	v0 =	vld.msk [tilespmem:s16+$0x0 ss:$0x1], $0xffff;
	vm1 =	vgt.s32 v2, $0x0;
	(ifvalue) =	ssetifvalue $0x7FFFFFFF  }
.LBB2_3:
0x34: {  	[tilespmem:s18], [sflag:$0x1] =	stream.indirect_vreg.gather [hbm4b:s2+s10], $0x1, v1, vm0, $0x4038;
	[tilespmem:$0x640] =	vst v63  }
0x35: {  	s17 =	sadd.s32 $0x10, s17  }
0x36: {  	v2 =	vnsel vm1, $0x0, v2;
	p0 =	slt.u32 s17, $0x180  }
.Ltmp3:
0x37: {  	s18 =	smov.u32 s15;
	v1 =	vmin.u32 v2, $0x4E1F;
	(pc) =	sbr.rel @p0 .LBB2_3-.Ltmp3, $3  }
0x38: {  	_ =	sdelay $0x1  }
0x39: {  	s16 =	sadd.s32 $0x10, s16  }
0x3a: {  	vm1 =	vgt.s32 v0, $0x0;
	s15 =	sadd.s32 $0x10, s15;
	v2 =	vmov v0;
	(ifvalue) =	ssetifvalue $0x7FFFFFFF;
	v0 =	vld.msk [tilespmem:s16+$0x0 ss:$0x1], $0xffff  }
.Ltmp4:
0x3b: {  	_ = 	snop;
	(pc) =	sbr.rel .LBB2_4-.Ltmp4, $1  }
0x3c: {  	_ =	sdelay $0x3  }
.LBB2_6:
0x3d: {  	_ =	sfence.sel $0x180000  }
0x3e: {  	s2 =	simm.s32 $0x2;
	[bflag:$0x0] =	sbarrier.arrive $0xFFFF  }
0x3f: {  	s30 =	simm.s32 $0x3;
	[sflag:s2] =	ssyncpa.u1 $0x1  }
0x40: {  	s31 =	simm.s32 $0x1;
	[sflag:s30] =	ssyncpa.u1 $0x1  }
0x41: {  	[sflag:s31] =	ssyncpa.u1 $0x1  }
0x42: {  	p0 =	sne.s32 s1, $0x0;
	_ =	strace $0x9000004A  }
0x43: {  	s0 =	sadd.s32 @!p0 $0x100000, s0;
	[bflag:$0x2] =	sbarrier.arrive $0xFFFF  }
0x44: {  	[sflag:s0] =	ssyncadd.tile.s32 @!p0 $0x1;
	_ =	shalt  }
.Lfunc_end2:
_tile_overlayer_lowered:
.L_overlay_start_2:
0x45: {  	(tag) =	ssettag $0x2  }
0x46: {  	s0 =	rddreg [dreg:$0x0];
	s2 =	stileid.u32  }
0x47: {  	s1 =	rddreg [dreg:$0x1];
	p0 =	sne.s32 s2, $0x0  }
0x48: {  	s3 =	rddreg [dreg:$0x2];
	[bflag:$0x3] =	sbarrier.arrive $0xFFFF;
	s2 =	simm.s32 @!p0 $0x1C01  }
0x49: {  	[timem:s3], [sflag:s2] =	dma.local @!p0 [hbm:s0], s1  }
0x4a: {  	s0 =	simm.s32 @!p0 $0x1  }
0x4b: {  	_ =	swait.ge @!p0 [sflag:s0], s1  }
0x4c: {  	s1 =	ssub.s32 @!p0 $0x0, s1;
	[sflag:s0] =	ssyncset.done @!p0 $0x0  }
0x4d: {  	[sflag:s0] =	ssyncadd.s32 @!p0 s1  }
0x4e: {  	[bflag:$0x3] =	sbarrier.arrive $0xFFFF  }
0x4f: {  	_ =	shalt  }

// kernel: gather_offload_async_start.2
scs
__scs_entry_jumppad:
0x0: {  	(pc) =	sbr.rel $0x88, $3  }
0x1: {  	(tag) =	ssettag $0x0;
	lr =	simm.s32 $0x1  }
0x2: {  	[smem:$0x3F9E] =	sst lr;
	_ =	strace $0xD0000000  }
0x3: {  	_ = 	snop  }
0x4: {  	_ = 	snop  }
0x5: {  	_ = 	snop  }
0x6: {  	_ = 	snop  }
0x7: {  	_ = 	snop  }
__scs_overlays_trampoline_lowered:
0x8: {  	[smem:$0x3FAD] =	sst s0  }
0x9: {  	[smem:$0x3FAE] =	sst s1  }
0xa: {  	[smem:$0x3FAF] =	sst s2  }
0xb: {  	[smem:$0x3FB0] =	sst s3  }
0xc: {  	[smem:$0x3FB1] =	sst s4  }
0xd: {  	[smem:$0x3FB2] =	sst s5  }
0xe: {  	[smem:$0x3FB3] =	sst s6  }
0xf: {  	[smem:$0x3FB4] =	sst s7  }
0x10: {  	[smem:$0x3FB5] =	sst s8  }
0x11: {  	[smem:$0x3FB6] =	sst s9;
	s0 =	simm.s32 @!p0 $0x0  }
0x12: {  	s1 =	sld [smem:$0x3F9C];
	s0 =	simm.s32 @p0 $0x1  }
0x13: {  	[smem:$0x3FB7] =	sst s0;
	s0 =	simm.s32 @!p1 $0x0  }
0x14: {  	s2 =	sld [smem:$0x3F9B];
	s0 =	simm.s32 @p1 $0x1  }
0x15: {  	[smem:$0x3FB8] =	sst s0;
	s0 =	simm.s32 @!p2 $0x0  }
0x16: {  	s3 =	sld [smem:$0x3FDB];
	s0 =	simm.s32 @p2 $0x1  }
0x17: {  	s4 =	simm.s32 $0x1BF5;
	[smem:$0x3FBA] =	sst s0  }
0x18: {  	s0 =	sld [smem:$0x3F9D];
	_ =	swait.ge [sflag:s4], $0x0  }
0x19: {  	s7 =	sld [smem:$0x3F9E]  }
0x1a: {  	s8 =	sadd.s32 $0xFFFFE003, lr  }
0x1b: {  	s9 =	sadd.s32 $0xFFFFFEF7, lr;
	s5 =	simm.s32 $0xFFFFFFFF;
	p2 =	slt.u32 s8, $0xFFFFF086  }
0x1c: {  	p1 =	slt.u32 s9, $0xF7A;
	s5 =	simm.s32 @!p2 $0x0  }
0x1d: {  	s5 =	simm.s32 @p1 $0x1;
	p0 =	seq.s32 s7, s2  }
0x1e: {  	s7 =	smul.u32 @!p0 $0xF7A, s2;
	p2 =	seq.s32 @!p0 s5, $0x0  }
0x1f: {  	s9 =	smul.u32 $0xF7A, s1;
	s8 =	simm.s32 @!p0 $0x1BF5;
	p2 =	por !p2, p0  }
0x20: {  	[sflag:s8] =	ssyncset.s32 @!p0 $0xFFFFF086;
	s6 =	sadd.s32 @!p0 s3, s7;
	s7 =	simm.s32 @!p0 $0x108  }
0x21: {  	s3 =	sadd.s32 s3, s9;
	s6 =	sadd.s32 @!p0 $0x88, s6;
	s7 =	simm.s32 @p2 $0x1082  }
0x22: {  	[simem:s7], [sflag:s8] =	dma.local @!p0 [hbm:s6], $0xF7A  }
0x23: {  	s9 =	sor.u32 $0xD0000000, s2;
	s6 =	simm.s32 $0x108;
	_ =	swait.ge @!p0 [sflag:s8], $0x0  }
0x24: {  	s3 =	sadd.s32 $0x88, s3;
	s6 =	simm.s32 @!p1 $0x1082;
	[sflag:s4] =	ssyncset.s32 $0xFFFFF086  }
0x25: {  	[simem:s6], [sflag:s4] =	dma.local [hbm:s3], $0xF7A  }
0x26: {  	[smem:$0x3F9E] =	sst s1;
	(tag) =	ssettag s2;
	_ =	strace s9  }
0x27: {  	s1 =	sld [smem:$0x3FAE]  }
0x28: {  	s2 =	sld [smem:$0x3FAF]  }
0x29: {  	s4 =	sld [smem:$0x3FB1]  }
0x2a: {  	p0 =	seq.s32 s5, $0x0;
	s5 =	sld [smem:$0x3FB2]  }
0x2b: {  	s6 =	sld [smem:$0x3FB3]  }
0x2c: {  	s7 =	sld [smem:$0x3FB4]  }
0x2d: {  	s3 =	simm.s32 $0x108;
	s8 =	sld [smem:$0x3FB5]  }
0x2e: {  	s3 =	simm.s32 @!p0 $0x1082;
	s9 =	sld [smem:$0x3FB6]  }
0x2f: {  	lr =	sadd.s32 s0, s3;
	s0 =	sld [smem:$0x3FAD]  }
0x30: {  	s3 =	sld [smem:$0x3FB0]  }
0x31: {  	[smem:$0x3FB9] =	sst s10  }
0x32: {  	s10 =	sld [smem:$0x3FB7];
	_ =	sdelay $0x3  }
0x33: {  	p0 =	seq.s32 s10, $0x1;
	s10 =	sld [smem:$0x3FB9];
	_ =	sdelay $0x3  }
0x34: {  	[smem:$0x3FB9] =	sst s10  }
0x35: {  	s10 =	sld [smem:$0x3FB8];
	_ =	sdelay $0x3  }
0x36: {  	p1 =	seq.s32 s10, $0x1;
	s10 =	sld [smem:$0x3FB9];
	_ =	sdelay $0x3  }
0x37: {  	[smem:$0x3FB9] =	sst s10  }
0x38: {  	s10 =	sld [smem:$0x3FBA]  }
0x39: {  	_ = 	snop;
	(pc) =	sbr.ind lr, $3  }
0x3a: {  	_ = 	snop  }
0x3b: {  	_ = 	snop  }
0x3c: {  	p2 =	seq.s32 s10, $0x1;
	s10 =	sld [smem:$0x3FB9]  }
0x3d: {  	_ =	shalt  }
0x3e: {  	_ =	shalt  }
0x3f: {  	_ =	shalt  }
0x40: {  	_ =	shalt  }
0x41: {  	_ =	shalt  }
0x42: {  	_ =	shalt  }
0x43: {  	_ =	shalt  }
0x44: {  	_ =	shalt  }
0x45: {  	_ =	shalt  }
0x46: {  	_ =	shalt  }
0x47: {  	_ =	shalt  }
0x48: {  	_ =	shalt  }
0x49: {  	_ =	shalt  }
0x4a: {  	_ =	shalt  }
0x4b: {  	_ =	shalt  }
0x4c: {  	_ =	shalt  }
0x4d: {  	_ =	shalt  }
0x4e: {  	_ =	shalt  }
0x4f: {  	_ =	shalt  }
0x50: {  	_ =	shalt  }
0x51: {  	_ =	shalt  }
0x52: {  	_ =	shalt  }
0x53: {  	_ =	shalt  }
0x54: {  	_ =	shalt  }
0x55: {  	_ =	shalt  }
0x56: {  	_ =	shalt  }
0x57: {  	_ =	shalt  }
0x58: {  	_ =	shalt  }
0x59: {  	_ =	shalt  }
0x5a: {  	_ =	shalt  }
0x5b: {  	_ =	shalt  }
0x5c: {  	_ =	shalt  }
0x5d: {  	_ =	shalt  }
0x5e: {  	_ =	shalt  }
0x5f: {  	_ =	shalt  }
0x60: {  	_ =	shalt  }
0x61: {  	_ =	shalt  }
0x62: {  	_ =	shalt  }
0x63: {  	_ =	shalt  }
0x64: {  	_ =	shalt  }
0x65: {  	_ =	shalt  }
0x66: {  	_ =	shalt  }
0x67: {  	_ =	shalt  }
0x68: {  	_ =	shalt  }
0x69: {  	_ =	shalt  }
0x6a: {  	_ =	shalt  }
0x6b: {  	_ =	shalt  }
0x6c: {  	_ =	shalt  }
0x6d: {  	_ =	shalt  }
0x6e: {  	_ =	shalt  }
0x6f: {  	_ =	shalt  }
0x70: {  	_ =	shalt  }
0x71: {  	_ =	shalt  }
0x72: {  	_ =	shalt  }
0x73: {  	_ =	shalt  }
0x74: {  	_ =	shalt  }
0x75: {  	_ =	shalt  }
0x76: {  	_ =	shalt  }
0x77: {  	_ =	shalt  }
0x78: {  	_ =	shalt  }
0x79: {  	_ =	shalt  }
0x7a: {  	_ =	shalt  }
0x7b: {  	_ =	shalt  }
0x7c: {  	_ =	shalt  }
0x7d: {  	_ =	shalt  }
0x7e: {  	_ =	shalt  }
0x7f: {  	_ =	shalt  }
0x80: {  	_ =	shalt  }
0x81: {  	_ =	shalt  }
0x82: {  	_ =	shalt  }
0x83: {  	_ =	shalt  }
0x84: {  	_ =	shalt  }
0x85: {  	_ =	shalt  }
0x86: {  	_ =	shalt  }
0x87: {  	_ =	shalt  }
.Lfunc_end0:
.L_simem_size_0:
called_computation.4_lowered:
.L_overlay_start_0:
0x88: {  	s2 =	sld [smem:$0x3FD9]  }
0x89: {  	s3 =	sld [smem:$0x3FFE];
	_ =	sdelay $0x1  }
0x8a: {  	s1 =	srdreg.scid  }
0x8b: {  	s0 =	sand.u32 $0x1, s1  }
0x8c: {  	s17 =	sshll.u32 s0, $0xA;
	s2 =	sadd.s32 s3, s2  }
0x8d: {  	s2 =	sadd.s32 s2, s17  }
0x8e: {  	[smem:$0x3FC5] =	sst s2  }
0x8f: {  	_ = 	snop  }
0x90: {  	s2 =	sld [smem:$0x3FC7]  }
0x91: {  	s18 =	sld [smem:$0x3FD0];
	(tm) =	ssettm $0x1  }
0x92: {  	s4 =	sld [smem:$0x3FFB];
	_ =	sdelay $0x3  }
0x93: {  	_ =	strace s4  }
0x94: {  	s4 =	sld [smem:$0x3FFC];
	_ =	sdelay $0x3  }
0x95: {  	_ =	strace s4  }
0x96: {  	s4 =	sld [smem:$0x3FFD];
	_ =	sdelay $0x3  }
0x97: {  	_ =	strace s4  }
0x98: {  	_ =	strace $0x8FFFFFFF  }
0x99: {  	s19 =	sld [smem:$0x3FDB];
	_ =	sdelay $0x1  }
0x9a: {  	s5 =	simm.s32 $_scs_section_size  }
0x9b: {  	s6 =	simm.s32 $_size__tile_overlayer_lowered;
	s7 =	simm.s32 $_tile_overlayer_lowered  }
0x9c: {  	s22 =	simm.s32 $0x1BFF;
	s21 =	sshll.u32 s7, $0x1;
	s4 =	sadd.s32 s5, s19  }
0x9d: {  	s8 =	simm.s32 $0x0;
	s20 =	sshll.u32 s6, $0x1;
	s6 =	sadd.s32 s21, s4  }
0x9e: {  	[timem:s8], [sflag:s22] =	dma.local [hbm:s6], s20  }
0x9f: {  	_ =	swait.ge [sflag:s22], s20  }
0xa0: {  	s5 =	ssub.s32 $0x0, s20;
	[sflag:s22] =	ssyncset.done $0x0  }
0xa1: {  	[sflag:s22] =	ssyncadd.s32 s5;
	_ =	sdelay $0x1  }
0xa2: {  	s23 =	simm.s32 $0x1B8B  }
0xa3: {  	_ =	swait.ge [sflag:s23], $0x1  }
0xa4: {  	[sflag:s23] =	ssyncset.done $0x0  }
0xa5: {  	s25 =	simm.s32 $0x1B8E;
	s24 =	sld [smem:$0x3FFE];
	[sflag:s23] =	ssyncadd.s32 $0xFFFFFFFF  }
0xa6: {  	s26 =	simm.s32 $execute0_lowered;
	[smem:$0x3FD2] =	sst s25  }
0xa7: {  	s6 =	sshll.u32 s26, $0x1;
	_ =	strace $0x80000046;
	[dreg:$0x1] =	wrdreg $0xFFFFFFFF  }
0xa8: {  	s28 =	simm.s32 $_size_execute0_lowered;
	s4 =	sadd.s32 s4, s6;
	[dreg:$0x0] =	wrdreg $0x0  }
0xa9: {  	s6 =	sshll.u32 s28, $0x1;
	[dreg:$0x2] =	wrdreg s4  }
0xaa: {  	[dreg:$0x3] =	wrdreg s6  }
0xab: {  	[dreg:$0x4] =	wrdreg $0xC0  }
0xac: {  	_ =	task [dreg:s8], $0x5FFFF  }
0xad: {  	[dreg:$0x1] =	wrdreg $0xFFFFFFFF  }
0xae: {  	[dreg:$0x0] =	wrdreg $0x60  }
0xaf: {  	[dreg:$0x2] =	wrdreg s2  }
0xb0: {  	[dreg:$0x3] =	wrdreg s18  }
0xb1: {  	[dreg:$0x4] =	wrdreg s24  }
0xb2: {  	[dreg:$0x5] =	wrdreg $0x9  }
0xb3: {  	_ =	task.clear_ibuf [dreg:s8], $0x6FFFF;
	_ =	strace $0x90000046  }
0xb4: {  	s29 =	simm.s32 $0x9;
	_ =	strace $0x80000048  }
0xb5: {  	_ =	swait.ge [sflag:s29], $0x1  }
0xb6: {  	[sflag:s29] =	ssyncadd.s32 $0xFFFFFFFF  }
0xb7: {  	_ =	strace $0x90000048  }
0xb8: {  	_ =	sfence  }
0xb9: {  	s30 =	sld [smem:$0x0];
	_ =	sdelay $0x2  }
0xba: {  	s31 =	sshll.u32 s1, $0xD;
	s1 =	sshrl.u32 s1, $0x2  }
0xbb: {  	s3 =	sand.u32 $0x4000, s31;
	s1 =	sadd.s32 s1, s30  }
0xbc: {  	s0 =	sor.u32 s3, s0;
	s1 =	sshll.u32 s1, $0x11  }
0xbd: {  	s0 =	sor.u32 s1, s0  }
0xbe: {  	s0 =	sadd.s32 $0x8F2B, s0  }
0xbf: {  	[sflag:s0] =	ssyncadd.remote.s32 $0x1  }
0xc0: {  	_ =	sfence.sel $0xFFFF  }
0xc1: {  	[dreg:$0x0] =	wrdreg $0xFFFFFFFF;
	(pc) =	sbr.abs _section_cstart, $3  }
0xc2: {  	[dreg:$0x1] =	wrdreg $0xFFFFFFFF  }
0xc3: {  	_ =	task.clear_ibuf [dreg:s8], $0x2FFFF;
	_ =	strace $0x9FFFFFFF  }
0xc4: {  	(tm) =	ssettm $0x7FFFFFFF  }
0xc5: {  	_ =	shalt  }
tec
execute0_lowered:
.L_overlay_start_1:
0x0: {  	(tag) =	ssettag $0x1  }
0x1: {  	s2 =	rddreg [dreg:$0x0]  }
0x2: {  	s3 =	rddreg [dreg:$0x1]  }
0x3: {  	s8 =	rddreg [dreg:$0x2];
	s1 =	stileid.u32  }
0x4: {  	s4 =	srdreg.scid;
	s0 =	rddreg [dreg:$0x3];
	_ =	strace $0x80000047  }
0x5: {  	s7 =	simm.s32 $0x1;
	s9 =	simm.s32 $0x1;
	s10 =	simm.s32 $0x3  }
0x6: {  	s13 =	simm.s32 $0x0;
	s5 =	sand.u32 $0x1, s4;
	s6 =	sshll.u32 s1, $0x1  }
0x7: {  	s12 =	simm.s32 $0x0;
	s4 =	simm.s32 $0x1;
	s5 =	sor.u32 s6, s5  }
.Ltmp0:
0x8: {  	[sflag:s4] =	ssyncpa.u1 $0x0;
	p0 =	slt.u32 s5, $0x13;
	(pc) =	sbr.rel .LBB2_1-.Ltmp0, $4  }
0x9: {  	s6 =	simm.s32 $0x2;
	s7 =	simm.s32 @!p0 $0x0;
	p0 =	sne.s32 s5, $0x12  }
0xa: {  	[sflag:s6] =	ssyncpa.u1 $0x0;
	s5 =	smul.u32 $0x190, s5;
	s9 =	simm.s32 @!p0 $0x0  }
0xb: {  	s8 =	sadd.s32 $0x4E200, s8;
	[sflag:s10] =	ssyncpa.u1 $0x0;
	s7 =	sadd.s32 s9, s7  }
0xc: {  	vm0 =	vmmov $0xffff;
	s10 =	simm.s32 $0x0;
	s11 =	smov.u32 s5;
	s9 =	sadd.s32 $0x1, s7  }
.LBB2_4:
0xd: {  	v2 =	vnsel vm1, $0x0, v2  }
0xe: {  	vm1 =	vgt.s32 v0, $0x0;
	v2 =	vmin.u32 v2, $0x4E1F  }
0xf: {  	v0 =	vnsel vm1, $0x0, v0  }
0x10: {  	v0 =	vmin.u32 v0, $0x4E1F  }
0x11: {  	[tilespmem:s18], [sflag:$0x1] =	stream.indirect_vreg.gather [hbm4b:s2+s10], $0x1, v1, vm0, $0x4038;
	[tilespmem:$0x640] =	vst v63  }
0x12: {  	(ifvalue) =	ssetifvalue $0x7FFFFFFF  }
0x13: {  	[tilespmem:s15], [sflag:$0x1] =	stream.indirect_vreg.gather [hbm4b:s2+s10], $0x1, v2, vm0, $0x4038;
	[tilespmem:$0x640] =	vst v63  }
0x14: {  	s29 =	sadd.s32 $0x10, s15;
	(ifvalue) =	ssetifvalue $0x7FFFFFFF  }
0x15: {  	[tilespmem:s29], [sflag:$0x1] =	stream.indirect_vreg.gather [hbm4b:s2+s10], $0x1, v0, vm0, $0x4038;
	[tilespmem:$0x640] =	vst v63  }
0x16: {  	_ =	swait.ge [sflag:s4], $0x190  }
0x17: {  	s30 =	sshrl.u32 s13, $0x3;
	[sflag:s4] =	ssyncset.done $0x0  }
0x18: {  	s31 =	sand.u32 $0x7, s13;
	s15 =	sadd.s32 s8, s30;
	[sflag:s4] =	ssyncadd.s32 $0xFFFFFE70  }
0x19: {  	[hbm4b:s15+s31] =	stream.linear.scatter [tilespmem:s14], [sflag:$0x3], $0x190, $0x38;
	[tilespmem:$0x640] =	vst v63  }
.LBB2_5:
0x1a: {  	s15 =	sadd.s32 $0x3200, s11  }
0x1b: {  	p1 =	sgt.s32 s15, $0x4E1F  }
0x1c: {  	s15 =	smov.u32 @p1 s5;
	p1 =	sne.s32 s12, s9  }
.Ltmp1:
0x1d: {  	p0 =	slt.u32 s12, $0x2;
	(pc) =	sbr.rel @!p1 .LBB2_6-.Ltmp1, $4  }
0x1e: {  	s14 =	simm.s32 @!p0 $0x3  }
0x1f: {  	_ =	swait.ge @!p0 [sflag:s14], $0x190  }
0x20: {  	s16 =	sadd.s32 $0x1, s12;
	s13 =	smov.u32 s11;
	[sflag:s14] =	ssyncset.done @!p0 $0x0  }
0x21: {  	s12 =	smov.u32 s16;
	s11 =	smov.u32 s15;
	[sflag:s14] =	ssyncadd.s32 @!p0 $0xFFFFFE70  }
.LBB2_1:
0x22: {  	p0 =	sge.u32 s12, s7  }
0x23: {  	s14 =	sxor.u32 @!p0 $0x1, s12  }
0x24: {  	s14 =	smul.u32 @!p0 $0x640, s14  }
0x25: {  	s31 =	sadd.s32 $0xFFFFFFFF, s12;
	s15 =	sshrl.u32 @!p0 s11, $0x3  }
0x26: {  	s16 =	sand.u32 @!p0 $0x7, s11;
	s15 =	sadd.s32 @!p0 s3, s15;
	s14 =	sshra.s32 @!p0 s14, $0x2  }
0x27: {  	[tilespmem:s14], [sflag:$0x2] =	stream.linear.gather @!p0 [hbm4b:s15+s16], $0x190, $0x38;
	[tilespmem:$0x640] =	vst v63  }
0x28: {  	p0 =	sge.u32 s31, s7  }
.Ltmp2:
0x29: {  	_ = 	snop;
	(pc) =	sbr.rel @p0 .LBB2_5-.Ltmp2, $1  }
0x2a: {  	_ =	sdelay $0x3  }
0x2b: {  	s14 =	sand.u32 $0x1, s12  }
0x2c: {  	_ =	swait.ge [sflag:s6], $0x190;
	p0 =	seq.s32 s14, $0x1;
	s14 =	simm.s32 $0x190  }
0x2d: {  	[sflag:s6] =	ssyncset.done $0x0;
	s14 =	simm.s32 @!p0 $0x0  }
0x2e: {  	[sflag:s6] =	ssyncadd.s32 $0xFFFFFE70;
	(ifvalue) =	ssetifvalue $0x7FFFFFFF;
	v0 =	vld.msk [tilespmem:s14+$0x0 ss:$0x1], $0xffff;
	_ =	sdelay $0x4  }
0x2f: {  	s15 =	sadd.s32 $0x10, s14;
	vm1 =	vgt.s32 v0, $0x0  }
0x30: {  	v2 =	vld.msk [tilespmem:s15+$0x0 ss:$0x1], $0xffff;
	v1 =	vnsel vm1, $0x0, v0  }
0x31: {  	v1 =	vmin.u32 v1, $0x4E1F;
	_ =	sdelay $0x2  }
0x32: {  	s17 =	simm.s32 $0x20;
	s14 =	sadd.s32 $0x320, s14;
	s16 =	sadd.s32 $0x10, s15  }
0x33: {  	s15 =	sadd.s32 $0x10, s14;
	s18 =	smov.u32 s14;
	v0 =	vld.msk [tilespmem:s16+$0x0 ss:$0x1], $0xffff;
	vm1 =	vgt.s32 v2, $0x0;
	(ifvalue) =	ssetifvalue $0x7FFFFFFF  }
.LBB2_3:
0x34: {  	[tilespmem:s18], [sflag:$0x1] =	stream.indirect_vreg.gather [hbm4b:s2+s10], $0x1, v1, vm0, $0x4038;
	[tilespmem:$0x640] =	vst v63  }
0x35: {  	s17 =	sadd.s32 $0x10, s17  }
0x36: {  	v2 =	vnsel vm1, $0x0, v2;
	p0 =	slt.u32 s17, $0x180  }
.Ltmp3:
0x37: {  	s18 =	smov.u32 s15;
	v1 =	vmin.u32 v2, $0x4E1F;
	(pc) =	sbr.rel @p0 .LBB2_3-.Ltmp3, $3  }
0x38: {  	_ =	sdelay $0x1  }
0x39: {  	s16 =	sadd.s32 $0x10, s16  }
0x3a: {  	vm1 =	vgt.s32 v0, $0x0;
	s15 =	sadd.s32 $0x10, s15;
	v2 =	vmov v0;
	(ifvalue) =	ssetifvalue $0x7FFFFFFF;
	v0 =	vld.msk [tilespmem:s16+$0x0 ss:$0x1], $0xffff  }
.Ltmp4:
0x3b: {  	_ = 	snop;
	(pc) =	sbr.rel .LBB2_4-.Ltmp4, $1  }
0x3c: {  	_ =	sdelay $0x3  }
.LBB2_6:
0x3d: {  	_ =	sfence.sel $0x180000  }
0x3e: {  	s2 =	simm.s32 $0x2;
	[bflag:$0x0] =	sbarrier.arrive $0xFFFF  }
0x3f: {  	s30 =	simm.s32 $0x3;
	[sflag:s2] =	ssyncpa.u1 $0x1  }
0x40: {  	s31 =	simm.s32 $0x1;
	[sflag:s30] =	ssyncpa.u1 $0x1  }
0x41: {  	[sflag:s31] =	ssyncpa.u1 $0x1  }
0x42: {  	p0 =	sne.s32 s1, $0x0;
	_ =	strace $0x90000047  }
0x43: {  	s0 =	sadd.s32 @!p0 $0x100000, s0;
	[bflag:$0x2] =	sbarrier.arrive $0xFFFF  }
0x44: {  	[sflag:s0] =	ssyncadd.tile.s32 @!p0 $0x1;
	_ =	shalt  }
.Lfunc_end2:
_tile_overlayer_lowered:
.L_overlay_start_2:
0x45: {  	(tag) =	ssettag $0x2  }
0x46: {  	s0 =	rddreg [dreg:$0x0];
	s2 =	stileid.u32  }
0x47: {  	s1 =	rddreg [dreg:$0x1];
	p0 =	sne.s32 s2, $0x0  }
0x48: {  	s3 =	rddreg [dreg:$0x2];
	[bflag:$0x3] =	sbarrier.arrive $0xFFFF;
	s2 =	simm.s32 @!p0 $0x1C01  }
0x49: {  	[timem:s3], [sflag:s2] =	dma.local @!p0 [hbm:s0], s1  }
0x4a: {  	s0 =	simm.s32 @!p0 $0x1  }
0x4b: {  	_ =	swait.ge @!p0 [sflag:s0], s1  }
0x4c: {  	s1 =	ssub.s32 @!p0 $0x0, s1;
	[sflag:s0] =	ssyncset.done @!p0 $0x0  }
0x4d: {  	[sflag:s0] =	ssyncadd.s32 @!p0 s1  }
0x4e: {  	[bflag:$0x3] =	sbarrier.arrive $0xFFFF  }
0x4f: {  	_ =	shalt  }

// kernel: gather_offload_async_start.3
scs
__scs_entry_jumppad:
0x0: {  	(pc) =	sbr.rel $0x88, $3  }
0x1: {  	(tag) =	ssettag $0x0;
	lr =	simm.s32 $0x1  }
0x2: {  	[smem:$0x3F9E] =	sst lr;
	_ =	strace $0xD0000000  }
0x3: {  	_ = 	snop  }
0x4: {  	_ = 	snop  }
0x5: {  	_ = 	snop  }
0x6: {  	_ = 	snop  }
0x7: {  	_ = 	snop  }
__scs_overlays_trampoline_lowered:
0x8: {  	[smem:$0x3FAD] =	sst s0  }
0x9: {  	[smem:$0x3FAE] =	sst s1  }
0xa: {  	[smem:$0x3FAF] =	sst s2  }
0xb: {  	[smem:$0x3FB0] =	sst s3  }
0xc: {  	[smem:$0x3FB1] =	sst s4  }
0xd: {  	[smem:$0x3FB2] =	sst s5  }
0xe: {  	[smem:$0x3FB3] =	sst s6  }
0xf: {  	[smem:$0x3FB4] =	sst s7  }
0x10: {  	[smem:$0x3FB5] =	sst s8  }
0x11: {  	[smem:$0x3FB6] =	sst s9;
	s0 =	simm.s32 @!p0 $0x0  }
0x12: {  	s1 =	sld [smem:$0x3F9C];
	s0 =	simm.s32 @p0 $0x1  }
0x13: {  	[smem:$0x3FB7] =	sst s0;
	s0 =	simm.s32 @!p1 $0x0  }
0x14: {  	s2 =	sld [smem:$0x3F9B];
	s0 =	simm.s32 @p1 $0x1  }
0x15: {  	[smem:$0x3FB8] =	sst s0;
	s0 =	simm.s32 @!p2 $0x0  }
0x16: {  	s3 =	sld [smem:$0x3FDB];
	s0 =	simm.s32 @p2 $0x1  }
0x17: {  	s4 =	simm.s32 $0x1BF5;
	[smem:$0x3FBA] =	sst s0  }
0x18: {  	s0 =	sld [smem:$0x3F9D];
	_ =	swait.ge [sflag:s4], $0x0  }
0x19: {  	s7 =	sld [smem:$0x3F9E]  }
0x1a: {  	s8 =	sadd.s32 $0xFFFFE003, lr  }
0x1b: {  	s9 =	sadd.s32 $0xFFFFFEF7, lr;
	s5 =	simm.s32 $0xFFFFFFFF;
	p2 =	slt.u32 s8, $0xFFFFF086  }
0x1c: {  	p1 =	slt.u32 s9, $0xF7A;
	s5 =	simm.s32 @!p2 $0x0  }
0x1d: {  	s5 =	simm.s32 @p1 $0x1;
	p0 =	seq.s32 s7, s2  }
0x1e: {  	s7 =	smul.u32 @!p0 $0xF7A, s2;
	p2 =	seq.s32 @!p0 s5, $0x0  }
0x1f: {  	s9 =	smul.u32 $0xF7A, s1;
	s8 =	simm.s32 @!p0 $0x1BF5;
	p2 =	por !p2, p0  }
0x20: {  	[sflag:s8] =	ssyncset.s32 @!p0 $0xFFFFF086;
	s6 =	sadd.s32 @!p0 s3, s7;
	s7 =	simm.s32 @!p0 $0x108  }
0x21: {  	s3 =	sadd.s32 s3, s9;
	s6 =	sadd.s32 @!p0 $0x88, s6;
	s7 =	simm.s32 @p2 $0x1082  }
0x22: {  	[simem:s7], [sflag:s8] =	dma.local @!p0 [hbm:s6], $0xF7A  }
0x23: {  	s9 =	sor.u32 $0xD0000000, s2;
	s6 =	simm.s32 $0x108;
	_ =	swait.ge @!p0 [sflag:s8], $0x0  }
0x24: {  	s3 =	sadd.s32 $0x88, s3;
	s6 =	simm.s32 @!p1 $0x1082;
	[sflag:s4] =	ssyncset.s32 $0xFFFFF086  }
0x25: {  	[simem:s6], [sflag:s4] =	dma.local [hbm:s3], $0xF7A  }
0x26: {  	[smem:$0x3F9E] =	sst s1;
	(tag) =	ssettag s2;
	_ =	strace s9  }
0x27: {  	s1 =	sld [smem:$0x3FAE]  }
0x28: {  	s2 =	sld [smem:$0x3FAF]  }
0x29: {  	s4 =	sld [smem:$0x3FB1]  }
0x2a: {  	p0 =	seq.s32 s5, $0x0;
	s5 =	sld [smem:$0x3FB2]  }
0x2b: {  	s6 =	sld [smem:$0x3FB3]  }
0x2c: {  	s7 =	sld [smem:$0x3FB4]  }
0x2d: {  	s3 =	simm.s32 $0x108;
	s8 =	sld [smem:$0x3FB5]  }
0x2e: {  	s3 =	simm.s32 @!p0 $0x1082;
	s9 =	sld [smem:$0x3FB6]  }
0x2f: {  	lr =	sadd.s32 s0, s3;
	s0 =	sld [smem:$0x3FAD]  }
0x30: {  	s3 =	sld [smem:$0x3FB0]  }
0x31: {  	[smem:$0x3FB9] =	sst s10  }
0x32: {  	s10 =	sld [smem:$0x3FB7];
	_ =	sdelay $0x3  }
0x33: {  	p0 =	seq.s32 s10, $0x1;
	s10 =	sld [smem:$0x3FB9];
	_ =	sdelay $0x3  }
0x34: {  	[smem:$0x3FB9] =	sst s10  }
0x35: {  	s10 =	sld [smem:$0x3FB8];
	_ =	sdelay $0x3  }
0x36: {  	p1 =	seq.s32 s10, $0x1;
	s10 =	sld [smem:$0x3FB9];
	_ =	sdelay $0x3  }
0x37: {  	[smem:$0x3FB9] =	sst s10  }
0x38: {  	s10 =	sld [smem:$0x3FBA]  }
0x39: {  	_ = 	snop;
	(pc) =	sbr.ind lr, $3  }
0x3a: {  	_ = 	snop  }
0x3b: {  	_ = 	snop  }
0x3c: {  	p2 =	seq.s32 s10, $0x1;
	s10 =	sld [smem:$0x3FB9]  }
0x3d: {  	_ =	shalt  }
0x3e: {  	_ =	shalt  }
0x3f: {  	_ =	shalt  }
0x40: {  	_ =	shalt  }
0x41: {  	_ =	shalt  }
0x42: {  	_ =	shalt  }
0x43: {  	_ =	shalt  }
0x44: {  	_ =	shalt  }
0x45: {  	_ =	shalt  }
0x46: {  	_ =	shalt  }
0x47: {  	_ =	shalt  }
0x48: {  	_ =	shalt  }
0x49: {  	_ =	shalt  }
0x4a: {  	_ =	shalt  }
0x4b: {  	_ =	shalt  }
0x4c: {  	_ =	shalt  }
0x4d: {  	_ =	shalt  }
0x4e: {  	_ =	shalt  }
0x4f: {  	_ =	shalt  }
0x50: {  	_ =	shalt  }
0x51: {  	_ =	shalt  }
0x52: {  	_ =	shalt  }
0x53: {  	_ =	shalt  }
0x54: {  	_ =	shalt  }
0x55: {  	_ =	shalt  }
0x56: {  	_ =	shalt  }
0x57: {  	_ =	shalt  }
0x58: {  	_ =	shalt  }
0x59: {  	_ =	shalt  }
0x5a: {  	_ =	shalt  }
0x5b: {  	_ =	shalt  }
0x5c: {  	_ =	shalt  }
0x5d: {  	_ =	shalt  }
0x5e: {  	_ =	shalt  }
0x5f: {  	_ =	shalt  }
0x60: {  	_ =	shalt  }
0x61: {  	_ =	shalt  }
0x62: {  	_ =	shalt  }
0x63: {  	_ =	shalt  }
0x64: {  	_ =	shalt  }
0x65: {  	_ =	shalt  }
0x66: {  	_ =	shalt  }
0x67: {  	_ =	shalt  }
0x68: {  	_ =	shalt  }
0x69: {  	_ =	shalt  }
0x6a: {  	_ =	shalt  }
0x6b: {  	_ =	shalt  }
0x6c: {  	_ =	shalt  }
0x6d: {  	_ =	shalt  }
0x6e: {  	_ =	shalt  }
0x6f: {  	_ =	shalt  }
0x70: {  	_ =	shalt  }
0x71: {  	_ =	shalt  }
0x72: {  	_ =	shalt  }
0x73: {  	_ =	shalt  }
0x74: {  	_ =	shalt  }
0x75: {  	_ =	shalt  }
0x76: {  	_ =	shalt  }
0x77: {  	_ =	shalt  }
0x78: {  	_ =	shalt  }
0x79: {  	_ =	shalt  }
0x7a: {  	_ =	shalt  }
0x7b: {  	_ =	shalt  }
0x7c: {  	_ =	shalt  }
0x7d: {  	_ =	shalt  }
0x7e: {  	_ =	shalt  }
0x7f: {  	_ =	shalt  }
0x80: {  	_ =	shalt  }
0x81: {  	_ =	shalt  }
0x82: {  	_ =	shalt  }
0x83: {  	_ =	shalt  }
0x84: {  	_ =	shalt  }
0x85: {  	_ =	shalt  }
0x86: {  	_ =	shalt  }
0x87: {  	_ =	shalt  }
.Lfunc_end0:
.L_simem_size_0:
called_computation.5_lowered:
.L_overlay_start_0:
0x88: {  	s2 =	sld [smem:$0x3FD9]  }
0x89: {  	s3 =	sld [smem:$0x3FFE];
	_ =	sdelay $0x1  }
0x8a: {  	s1 =	srdreg.scid  }
0x8b: {  	s0 =	sand.u32 $0x1, s1  }
0x8c: {  	s17 =	sshll.u32 s0, $0xA;
	s2 =	sadd.s32 s3, s2  }
0x8d: {  	s2 =	sadd.s32 s2, s17  }
0x8e: {  	[smem:$0x3FC5] =	sst s2  }
0x8f: {  	_ = 	snop  }
0x90: {  	(tm) =	ssettm $0x1  }
0x91: {  	s18 =	sld [smem:$0x3FFB];
	_ =	sdelay $0x3  }
0x92: {  	_ =	strace s18  }
0x93: {  	s2 =	sld [smem:$0x3FFC];
	_ =	sdelay $0x3  }
0x94: {  	_ =	strace s2  }
0x95: {  	s2 =	sld [smem:$0x3FFD];
	_ =	sdelay $0x3  }
0x96: {  	_ =	strace s2  }
0x97: {  	_ =	strace $0x8FFFFFFF  }
0x98: {  	s19 =	sld [smem:$0x3FDB];
	_ =	sdelay $0x1  }
0x99: {  	s20 =	simm.s32 $_scs_section_size  }
0x9a: {  	s4 =	simm.s32 $_size__tile_overlayer_lowered;
	s5 =	simm.s32 $_tile_overlayer_lowered  }
0x9b: {  	s6 =	simm.s32 $0x1BFF;
	s21 =	sshll.u32 s5, $0x1;
	s3 =	sadd.s32 s20, s19  }
0x9c: {  	s22 =	simm.s32 $0x0;
	s4 =	sshll.u32 s4, $0x1;
	s5 =	sadd.s32 s21, s3  }
0x9d: {  	[timem:s22], [sflag:s6] =	dma.local [hbm:s5], s4  }
0x9e: {  	_ =	swait.ge [sflag:s6], s4  }
0x9f: {  	s4 =	ssub.s32 $0x0, s4;
	[sflag:s6] =	ssyncset.done $0x0  }
0xa0: {  	[sflag:s6] =	ssyncadd.s32 s4;
	_ =	sdelay $0x1  }
0xa1: {  	s23 =	simm.s32 $0x1B8B  }
0xa2: {  	_ =	swait.ge [sflag:s23], $0x1  }
0xa3: {  	[sflag:s23] =	ssyncset.done $0x0  }
0xa4: {  	[sflag:s23] =	ssyncadd.s32 $0xFFFFFFFF  }
0xa5: {  	s4 =	sld [smem:$0x0]  }
0xa6: {  	s5 =	sand.u32 $0xFFFFFFFE, s1  }
0xa7: {  	p0 =	sne.s32 s1, s5  }
0xa8: {  	s5 =	sshll.u32 @p0 s5, $0xE  }
0xa9: {  	s5 =	sadd.s32 @p0 $0x11B8D, s5;
	s6 =	sshll.u32 @p0 s4, $0x11  }
0xaa: {  	s5 =	sor.u32 @p0 s6, s5  }
0xab: {  	[sflag:s5] =	ssyncadd.remote.s32 @p0 $0x1;
	_ =	sdelay $0x1  }
0xac: {  	s5 =	simm.s32 @p0 $0x1B8D  }
0xad: {  	_ =	swait.eq @p0 [sflag:s5], $0x1  }
0xae: {  	[sflag:s5] =	ssyncadd.s32 @p0 $0xFFFFFFFF  }
0xaf: {  	s6 =	sshll.u32 @!p0 s1, $0xE  }
0xb0: {  	s6 =	sor.u32 @!p0 $0x4000, s6;
	s5 =	simm.s32 @!p0 $0x1B8D  }
0xb1: {  	s4 =	sshll.u32 @!p0 s4, $0x11;
	s6 =	sadd.s32 @!p0 $0x11B8D, s6;
	_ =	swait.eq @!p0 [sflag:s5], $0x1  }
0xb2: {  	s4 =	sor.u32 @!p0 s4, s6;
	[sflag:s5] =	ssyncadd.s32 @!p0 $0xFFFFFFFF  }
0xb3: {  	s25 =	simm.s32 $0x1B8E;
	s24 =	sld [smem:$0x3FFE];
	[sflag:s4] =	ssyncadd.remote.s32 @!p0 $0x1  }
0xb4: {  	s26 =	simm.s32 $execute0_lowered;
	[smem:$0x3FD2] =	sst s25  }
0xb5: {  	s5 =	sshll.u32 s26, $0x1;
	_ =	strace $0x8000005B;
	[dreg:$0x1] =	wrdreg $0xFFFFFFFF  }
0xb6: {  	s28 =	simm.s32 $_size_execute0_lowered;
	s3 =	sadd.s32 s3, s5;
	[dreg:$0x0] =	wrdreg $0x0  }
0xb7: {  	s5 =	sshll.u32 s28, $0x1;
	[dreg:$0x2] =	wrdreg s3  }
0xb8: {  	[dreg:$0x3] =	wrdreg s5  }
0xb9: {  	[dreg:$0x4] =	wrdreg $0xC0  }
0xba: {  	_ =	task [dreg:s22], $0x5FFFF  }
0xbb: {  	[dreg:$0x1] =	wrdreg $0xFFFFFFFF  }
0xbc: {  	[dreg:$0x0] =	wrdreg $0x60  }
0xbd: {  	[dreg:$0x2] =	wrdreg s24  }
0xbe: {  	[dreg:$0x3] =	wrdreg $0xA  }
0xbf: {  	_ =	task.clear_ibuf [dreg:s22], $0x4FFFF;
	_ =	strace $0x9000005B  }
0xc0: {  	s29 =	simm.s32 $0xA;
	_ =	strace $0x8000005D  }
0xc1: {  	_ =	swait.ge [sflag:s29], $0x1  }
0xc2: {  	[sflag:s29] =	ssyncadd.s32 $0xFFFFFFFF  }
0xc3: {  	_ =	strace $0x9000005D  }
0xc4: {  	_ =	sfence  }
0xc5: {  	s30 =	sld [smem:$0x0];
	_ =	sdelay $0x2  }
0xc6: {  	s31 =	sshll.u32 s1, $0xD;
	s1 =	sshrl.u32 s1, $0x2  }
0xc7: {  	s4 =	sand.u32 $0x4000, s31;
	s1 =	sadd.s32 s1, s30  }
0xc8: {  	s0 =	sor.u32 s4, s0;
	s1 =	sshll.u32 s1, $0x11  }
0xc9: {  	s0 =	sor.u32 s1, s0  }
0xca: {  	s0 =	sadd.s32 $0x8F2B, s0  }
0xcb: {  	[sflag:s0] =	ssyncadd.remote.s32 $0x1  }
0xcc: {  	_ =	sfence.sel $0xFFFF  }
0xcd: {  	[dreg:$0x0] =	wrdreg $0xFFFFFFFF;
	(pc) =	sbr.abs _section_cstart, $3  }
0xce: {  	[dreg:$0x1] =	wrdreg $0xFFFFFFFF  }
0xcf: {  	_ =	task.clear_ibuf [dreg:s22], $0x2FFFF;
	_ =	strace $0x9FFFFFFF  }
0xd0: {  	(tm) =	ssettm $0x7FFFFFFF  }
0xd1: {  	_ =	shalt  }
tec
execute0_lowered:
.L_overlay_start_1:
0x0: {  	(tag) =	ssettag $0x1  }
0x1: {  	s0 =	srdreg.scid  }
0x2: {  	s1 =	sshll.u32 s0, $0x4  }
0x3: {  	s0 =	stileid.u32;
	s1 =	sand.u32 $0x10, s1  }
0x4: {  	s2 =	sor.u32 s0, s1  }
0x5: {  	s1 =	smin.u32 s2, $0x12  }
0x6: {  	s1 =	sadd.s32 s2, s1  }
0x7: {  	p0 =	slt.u32 s2, $0x12;
	s2 =	simm.s32 $0x320;
	s1 =	smul.u32 $0x190, s1  }
0x8: {  	s2 =	simm.s32 @!p0 $0x190  }
0x9: {  	s2 =	sadd.s32 s2, s1  }
0xa: {  	s3 =	smin.u32 s2, $0x4E20  }
0xb: {  	s7 =	ssub.s32 s3, s1  }
0xc: {  	p0 =	sgt.s32 s7, $0x0  }
0xd: {  	s7 =	simm.s32 @!p0 $0x0  }
0xe: {  	s31 =	sand.u32 $0xFFF0, s7  }
0xf: {  	s2 =	sshrl.u32 s31, $0x4  }
0x10: {  	s2 =	smul.u32 $0xA3E, s2  }
0x11: {  	s4 =	rddreg [dreg:$0x0];
	s6 =	simm.s32 $0x1  }
0x12: {  	s10 =	simm.s32 $0x3;
	s13 =	simm.s32 $0x0;
	s8 =	sshrl.u32 s2, $0x10  }
0x13: {  	s12 =	simm.s32 $0x0;
	s5 =	sadd.s32 $0x54000, s4;
	s9 =	smul.u32 $0x190, s8  }
.Ltmp0:
0x14: {  	s11 =	smov.u32 s1;
	s2 =	rddreg [dreg:$0x1];
	(pc) =	sbr.rel .LBB2_1-.Ltmp0, $4  }
0x15: {  	_ =	strace $0x8000005C;
	p0 =	sne.s32 s7, s9;
	s9 =	simm.s32 $0x1  }
0x16: {  	[sflag:s6] =	ssyncpa.u1 $0x0;
	s7 =	simm.s32 $0x2;
	s9 =	simm.s32 @!p0 $0x0  }
0x17: {  	[sflag:s7] =	ssyncpa.u1 $0x0;
	p0 =	por $0x0, $0x0;
	s8 =	sadd.s32 s8, s9  }
0x18: {  	vm0 =	vmmov $0xff;
	vm1 =	vcmask $0x3F20;
	s9 =	sadd.s32 $0x4F600, s4;
	[sflag:s10] =	ssyncpa.u1 $0x0;
	s10 =	sadd.s32 $0x1, s8  }
.LBB2_6:
0x19: {  	[hbm:s17] =	stream.linear.scatter [tilespmem:s14], [sflag:$0x3], $0x400, $0x38;
	[tilespmem:$0x19320] =	vst v63  }
.LBB2_7:
0x1a: {  	s13 =	sadd.s32 $0x190, s11  }
0x1b: {  	s15 =	smov.u32 s1;
	p2 =	slt.s32 s13, s3  }
0x1c: {  	s15 =	smov.u32 @p2 s13;
	p2 =	sne.s32 s12, s10  }
.Ltmp1:
0x1d: {  	p1 =	slt.u32 s12, $0x2;
	(pc) =	sbr.rel @!p2 .LBB2_8-.Ltmp1, $4  }
0x1e: {  	s14 =	simm.s32 @!p1 $0x3  }
0x1f: {  	s16 =	sadd.s32 $0x1, s12;
	_ =	swait.ge @!p1 [sflag:s14], $0xC800  }
0x20: {  	p0 =	por !p0, !p0;
	s13 =	smov.u32 s11;
	[sflag:s14] =	ssyncset.done @!p1 $0x0  }
0x21: {  	s12 =	smov.u32 s16;
	s11 =	smov.u32 s15;
	[sflag:s14] =	ssyncadd.s32 @!p1 $0xFFFF3800  }
.LBB2_1:
0x22: {  	p1 =	sge.u32 s12, s8  }
0x23: {  	s14 =	sxor.u32 @!p1 $0xFFFFFFFF, s12  }
0x24: {  	s14 =	sand.u32 @!p1 $0x1, s14  }
0x25: {  	s14 =	smul.u32 @!p1 $0x640, s14  }
0x26: {  	s31 =	sadd.s32 $0xFFFFFFFF, s12;
	s15 =	sshrl.u32 @!p1 s11, $0x3  }
0x27: {  	s16 =	sand.u32 @!p1 $0x7, s11;
	s15 =	sadd.s32 @!p1 s9, s15;
	s14 =	sshrl.u32 @!p1 s14, $0x2  }
0x28: {  	[tilespmem:s14], [sflag:$0x2] =	stream.linear.gather @!p1 [hbm4b:s15+s16], $0x190, $0x38;
	[tilespmem:$0x19320] =	vst v63  }
0x29: {  	p1 =	sge.u32 s31, s8  }
.Ltmp2:
0x2a: {  	_ = 	snop;
	(pc) =	sbr.rel @p1 .LBB2_7-.Ltmp2, $1  }
0x2b: {  	_ =	sdelay $0x3  }
0x2c: {  	s14 =	simm.s32 $0x1  }
0x2d: {  	s14 =	simm.s32 @!p0 $0x0  }
0x2e: {  	s15 =	smul.u32 $0x640, s14  }
0x2f: {  	_ =	swait.ge [sflag:s7], $0x190  }
0x30: {  	[sflag:s7] =	ssyncset.done $0x0;
	s16 =	sshrl.u32 s15, $0x2  }
0x31: {  	[sflag:s7] =	ssyncadd.s32 $0xFFFFFE70;
	s15 =	sadd.s32 $0x0, s16  }
0x32: {  	v0 =	vld.msk [tilespmem:s15+$0x0 ss:$0x1], $0xffff;
	_ =	sdelay $0x4  }
0x33: {  	vm2 =	vgt.s32 v0, $0x0  }
0x34: {  	v0 =	vnsel vm2, $0x0, v0  }
0x35: {  	v0 =	vmin.u32 v0, $0x4E1F  }
0x36: {  	v0 =	vshll.u32 v0, $0x4  }
0x37: {  	s14 =	smul.u32 $0x32000, s14;
	_ =	sdelay $0x1  }
0x38: {  	s14 =	sshrl.u32 s14, $0x2  }
0x39: {  	s14 =	sor.u32 $0x320, s14  }
0x3a: {  	[tilespmem:s14], [sflag:$0x1] =	stream.indirect_vreg.gather [hbm:s5], $0x80, v0, vm0, $0x38;
	[tilespmem:$0x19320] =	vst v63  }
0x3b: {  	s17 =	sadd.s32 $0x10, s16;
	s15 =	sadd.s32 $0x400, s14  }
0x3c: {  	[tilespmem:s15], [sflag:$0x1] =	stream.indirect_vreg.gather [hbm:s5], $0x80, v0, vm1, $0x38;
	[tilespmem:$0x19320] =	vst v63  }
0x3d: {  	s18 =	simm.s32 $0x80;
	v0 =	vld.msk [tilespmem:s17+$0x0 ss:$0x1], $0xffff;
	s17 =	smov.u32 s14  }
.LBB2_3:
0x3e: {  	p1 =	sne.s32 s18, $0x600;
	_ =	sdelay $0x4  }
0x3f: {  	vm2 =	vgt.s32 v0, $0x0  }
0x40: {  	v0 =	vnsel vm2, $0x0, v0  }
0x41: {  	v0 =	vmin.u32 v0, $0x4E1F  }
0x42: {  	v0 =	vshll.u32 v0, $0x4;
	_ =	sdelay $0x3  }
.Ltmp3:
0x43: {  	s19 =	sshra.s32 s18, $0x2;
	s17 =	sadd.s32 $0x800, s17;
	(pc) =	sbr.rel @p1 .LBB2_3-.Ltmp3, $4  }
0x44: {  	[tilespmem:s17], [sflag:$0x1] =	stream.indirect_vreg.gather [hbm:s5], $0x80, v0, vm0, $0x38;
	[tilespmem:$0x19320] =	vst v63  }
0x45: {  	s19 =	sadd.s32 s19, s16;
	s20 =	sadd.s32 $0x400, s17  }
0x46: {  	[tilespmem:s20], [sflag:$0x1] =	stream.indirect_vreg.gather [hbm:s5], $0x80, v0, vm1, $0x38;
	[tilespmem:$0x19320] =	vst v63  }
0x47: {  	s18 =	sadd.s32 $0x40, s18;
	v0 =	vld.msk [tilespmem:s19+$0x0 ss:$0x1], $0xffff  }
0x48: {  	_ =	sdelay $0x3  }
0x49: {  	vm2 =	vgt.s32 v0, $0x0  }
0x4a: {  	v0 =	vnsel vm2, $0x0, v0  }
0x4b: {  	v0 =	vmin.u32 v0, $0x4E1F  }
0x4c: {  	v0 =	vshll.u32 v0, $0x4;
	_ =	sdelay $0x3  }
0x4d: {  	s16 =	sadd.s32 $0x800, s17  }
0x4e: {  	[tilespmem:s16], [sflag:$0x1] =	stream.indirect_vreg.gather [hbm:s5], $0x80, v0, vm0, $0x38;
	[tilespmem:$0x19320] =	vst v63  }
0x4f: {  	s16 =	sadd.s32 $0x400, s16  }
0x50: {  	[tilespmem:s16], [sflag:$0x1] =	stream.indirect_vreg.gather [hbm:s5], $0x80, v0, vm1, $0x38;
	[tilespmem:$0x19320] =	vst v63  }
0x51: {  	s13 =	sshll.u32 s13, $0x4;
	_ =	swait.ge [sflag:s6], $0xC800  }
0x52: {  	s13 =	sadd.s32 s13, s4;
	[sflag:s6] =	ssyncset.done $0x0  }
0x53: {  	s17 =	sadd.s32 $0x0, s13;
	s16 =	simm.s32 $0x80;
	[sflag:s6] =	ssyncadd.s32 $0xFFFF3800  }
.LBB2_5:
0x54: {  	[hbm:s17] =	stream.linear.scatter [tilespmem:s14], [sflag:$0x3], $0x400, $0x38;
	[tilespmem:$0x19320] =	vst v63  }
0x55: {  	s17 =	smov.u32 s16;
	s14 =	smov.u32 s15;
	p1 =	sne.s32 s16, $0x1880  }
.Ltmp4:
0x56: {  	s16 =	sadd.s32 $0x80, s16;
	(pc) =	sbr.rel @p1 .LBB2_5-.Ltmp4, $2  }
0x57: {  	_ =	sdelay $0x2  }
0x58: {  	s15 =	sadd.s32 $0x400, s15;
	s17 =	sadd.s32 s17, s13  }
.Ltmp5:
0x59: {  	_ = 	snop;
	(pc) =	sbr.rel .LBB2_6-.Ltmp5, $1  }
0x5a: {  	_ =	sdelay $0x3  }
.LBB2_8:
0x5b: {  	_ =	sfence.sel $0x180000  }
0x5c: {  	s1 =	simm.s32 $0x2;
	[bflag:$0x0] =	sbarrier.arrive $0xFFFF  }
0x5d: {  	s30 =	simm.s32 $0x3;
	[sflag:s1] =	ssyncpa.u1 $0x1  }
0x5e: {  	s31 =	simm.s32 $0x1;
	[sflag:s30] =	ssyncpa.u1 $0x1  }
0x5f: {  	[sflag:s31] =	ssyncpa.u1 $0x1  }
0x60: {  	p0 =	sne.s32 s0, $0x0;
	_ =	strace $0x9000005C  }
0x61: {  	s0 =	sadd.s32 @!p0 $0x100000, s2;
	[bflag:$0x2] =	sbarrier.arrive $0xFFFF  }
0x62: {  	[sflag:s0] =	ssyncadd.tile.s32 @!p0 $0x1;
	_ =	shalt  }
.Lfunc_end2:
_tile_overlayer_lowered:
.L_overlay_start_2:
0x63: {  	(tag) =	ssettag $0x2  }
0x64: {  	s0 =	rddreg [dreg:$0x0];
	s2 =	stileid.u32  }
0x65: {  	s1 =	rddreg [dreg:$0x1];
	p0 =	sne.s32 s2, $0x0  }
0x66: {  	s3 =	rddreg [dreg:$0x2];
	[bflag:$0x3] =	sbarrier.arrive $0xFFFF;
	s2 =	simm.s32 @!p0 $0x1C01  }
0x67: {  	[timem:s3], [sflag:s2] =	dma.local @!p0 [hbm:s0], s1  }
0x68: {  	s0 =	simm.s32 @!p0 $0x1  }
0x69: {  	_ =	swait.ge @!p0 [sflag:s0], s1  }
0x6a: {  	s1 =	ssub.s32 @!p0 $0x0, s1;
	[sflag:s0] =	ssyncset.done @!p0 $0x0  }
0x6b: {  	[sflag:s0] =	ssyncadd.s32 @!p0 s1  }
0x6c: {  	[bflag:$0x3] =	sbarrier.arrive $0xFFFF  }
0x6d: {  	_ =	shalt  }

// kernel: gather_offload_async_start.4
scs
__scs_entry_jumppad:
0x0: {  	(pc) =	sbr.rel $0x88, $3  }
0x1: {  	(tag) =	ssettag $0x0;
	lr =	simm.s32 $0x1  }
0x2: {  	[smem:$0x3F9E] =	sst lr;
	_ =	strace $0xD0000000  }
0x3: {  	_ = 	snop  }
0x4: {  	_ = 	snop  }
0x5: {  	_ = 	snop  }
0x6: {  	_ = 	snop  }
0x7: {  	_ = 	snop  }
__scs_overlays_trampoline_lowered:
0x8: {  	[smem:$0x3FAD] =	sst s0  }
0x9: {  	[smem:$0x3FAE] =	sst s1  }
0xa: {  	[smem:$0x3FAF] =	sst s2  }
0xb: {  	[smem:$0x3FB0] =	sst s3  }
0xc: {  	[smem:$0x3FB1] =	sst s4  }
0xd: {  	[smem:$0x3FB2] =	sst s5  }
0xe: {  	[smem:$0x3FB3] =	sst s6  }
0xf: {  	[smem:$0x3FB4] =	sst s7  }
0x10: {  	[smem:$0x3FB5] =	sst s8  }
0x11: {  	[smem:$0x3FB6] =	sst s9;
	s0 =	simm.s32 @!p0 $0x0  }
0x12: {  	s1 =	sld [smem:$0x3F9C];
	s0 =	simm.s32 @p0 $0x1  }
0x13: {  	[smem:$0x3FB7] =	sst s0;
	s0 =	simm.s32 @!p1 $0x0  }
0x14: {  	s2 =	sld [smem:$0x3F9B];
	s0 =	simm.s32 @p1 $0x1  }
0x15: {  	[smem:$0x3FB8] =	sst s0;
	s0 =	simm.s32 @!p2 $0x0  }
0x16: {  	s3 =	sld [smem:$0x3FDB];
	s0 =	simm.s32 @p2 $0x1  }
0x17: {  	s4 =	simm.s32 $0x1BF5;
	[smem:$0x3FBA] =	sst s0  }
0x18: {  	s0 =	sld [smem:$0x3F9D];
	_ =	swait.ge [sflag:s4], $0x0  }
0x19: {  	s7 =	sld [smem:$0x3F9E]  }
0x1a: {  	s8 =	sadd.s32 $0xFFFFE003, lr  }
0x1b: {  	s9 =	sadd.s32 $0xFFFFFEF7, lr;
	s5 =	simm.s32 $0xFFFFFFFF;
	p2 =	slt.u32 s8, $0xFFFFF086  }
0x1c: {  	p1 =	slt.u32 s9, $0xF7A;
	s5 =	simm.s32 @!p2 $0x0  }
0x1d: {  	s5 =	simm.s32 @p1 $0x1;
	p0 =	seq.s32 s7, s2  }
0x1e: {  	s7 =	smul.u32 @!p0 $0xF7A, s2;
	p2 =	seq.s32 @!p0 s5, $0x0  }
0x1f: {  	s9 =	smul.u32 $0xF7A, s1;
	s8 =	simm.s32 @!p0 $0x1BF5;
	p2 =	por !p2, p0  }
0x20: {  	[sflag:s8] =	ssyncset.s32 @!p0 $0xFFFFF086;
	s6 =	sadd.s32 @!p0 s3, s7;
	s7 =	simm.s32 @!p0 $0x108  }
0x21: {  	s3 =	sadd.s32 s3, s9;
	s6 =	sadd.s32 @!p0 $0x88, s6;
	s7 =	simm.s32 @p2 $0x1082  }
0x22: {  	[simem:s7], [sflag:s8] =	dma.local @!p0 [hbm:s6], $0xF7A  }
0x23: {  	s9 =	sor.u32 $0xD0000000, s2;
	s6 =	simm.s32 $0x108;
	_ =	swait.ge @!p0 [sflag:s8], $0x0  }
0x24: {  	s3 =	sadd.s32 $0x88, s3;
	s6 =	simm.s32 @!p1 $0x1082;
	[sflag:s4] =	ssyncset.s32 $0xFFFFF086  }
0x25: {  	[simem:s6], [sflag:s4] =	dma.local [hbm:s3], $0xF7A  }
0x26: {  	[smem:$0x3F9E] =	sst s1;
	(tag) =	ssettag s2;
	_ =	strace s9  }
0x27: {  	s1 =	sld [smem:$0x3FAE]  }
0x28: {  	s2 =	sld [smem:$0x3FAF]  }
0x29: {  	s4 =	sld [smem:$0x3FB1]  }
0x2a: {  	p0 =	seq.s32 s5, $0x0;
	s5 =	sld [smem:$0x3FB2]  }
0x2b: {  	s6 =	sld [smem:$0x3FB3]  }
0x2c: {  	s7 =	sld [smem:$0x3FB4]  }
0x2d: {  	s3 =	simm.s32 $0x108;
	s8 =	sld [smem:$0x3FB5]  }
0x2e: {  	s3 =	simm.s32 @!p0 $0x1082;
	s9 =	sld [smem:$0x3FB6]  }
0x2f: {  	lr =	sadd.s32 s0, s3;
	s0 =	sld [smem:$0x3FAD]  }
0x30: {  	s3 =	sld [smem:$0x3FB0]  }
0x31: {  	[smem:$0x3FB9] =	sst s10  }
0x32: {  	s10 =	sld [smem:$0x3FB7];
	_ =	sdelay $0x3  }
0x33: {  	p0 =	seq.s32 s10, $0x1;
	s10 =	sld [smem:$0x3FB9];
	_ =	sdelay $0x3  }
0x34: {  	[smem:$0x3FB9] =	sst s10  }
0x35: {  	s10 =	sld [smem:$0x3FB8];
	_ =	sdelay $0x3  }
0x36: {  	p1 =	seq.s32 s10, $0x1;
	s10 =	sld [smem:$0x3FB9];
	_ =	sdelay $0x3  }
0x37: {  	[smem:$0x3FB9] =	sst s10  }
0x38: {  	s10 =	sld [smem:$0x3FBA]  }
0x39: {  	_ = 	snop;
	(pc) =	sbr.ind lr, $3  }
0x3a: {  	_ = 	snop  }
0x3b: {  	_ = 	snop  }
0x3c: {  	p2 =	seq.s32 s10, $0x1;
	s10 =	sld [smem:$0x3FB9]  }
0x3d: {  	_ =	shalt  }
0x3e: {  	_ =	shalt  }
0x3f: {  	_ =	shalt  }
0x40: {  	_ =	shalt  }
0x41: {  	_ =	shalt  }
0x42: {  	_ =	shalt  }
0x43: {  	_ =	shalt  }
0x44: {  	_ =	shalt  }
0x45: {  	_ =	shalt  }
0x46: {  	_ =	shalt  }
0x47: {  	_ =	shalt  }
0x48: {  	_ =	shalt  }
0x49: {  	_ =	shalt  }
0x4a: {  	_ =	shalt  }
0x4b: {  	_ =	shalt  }
0x4c: {  	_ =	shalt  }
0x4d: {  	_ =	shalt  }
0x4e: {  	_ =	shalt  }
0x4f: {  	_ =	shalt  }
0x50: {  	_ =	shalt  }
0x51: {  	_ =	shalt  }
0x52: {  	_ =	shalt  }
0x53: {  	_ =	shalt  }
0x54: {  	_ =	shalt  }
0x55: {  	_ =	shalt  }
0x56: {  	_ =	shalt  }
0x57: {  	_ =	shalt  }
0x58: {  	_ =	shalt  }
0x59: {  	_ =	shalt  }
0x5a: {  	_ =	shalt  }
0x5b: {  	_ =	shalt  }
0x5c: {  	_ =	shalt  }
0x5d: {  	_ =	shalt  }
0x5e: {  	_ =	shalt  }
0x5f: {  	_ =	shalt  }
0x60: {  	_ =	shalt  }
0x61: {  	_ =	shalt  }
0x62: {  	_ =	shalt  }
0x63: {  	_ =	shalt  }
0x64: {  	_ =	shalt  }
0x65: {  	_ =	shalt  }
0x66: {  	_ =	shalt  }
0x67: {  	_ =	shalt  }
0x68: {  	_ =	shalt  }
0x69: {  	_ =	shalt  }
0x6a: {  	_ =	shalt  }
0x6b: {  	_ =	shalt  }
0x6c: {  	_ =	shalt  }
0x6d: {  	_ =	shalt  }
0x6e: {  	_ =	shalt  }
0x6f: {  	_ =	shalt  }
0x70: {  	_ =	shalt  }
0x71: {  	_ =	shalt  }
0x72: {  	_ =	shalt  }
0x73: {  	_ =	shalt  }
0x74: {  	_ =	shalt  }
0x75: {  	_ =	shalt  }
0x76: {  	_ =	shalt  }
0x77: {  	_ =	shalt  }
0x78: {  	_ =	shalt  }
0x79: {  	_ =	shalt  }
0x7a: {  	_ =	shalt  }
0x7b: {  	_ =	shalt  }
0x7c: {  	_ =	shalt  }
0x7d: {  	_ =	shalt  }
0x7e: {  	_ =	shalt  }
0x7f: {  	_ =	shalt  }
0x80: {  	_ =	shalt  }
0x81: {  	_ =	shalt  }
0x82: {  	_ =	shalt  }
0x83: {  	_ =	shalt  }
0x84: {  	_ =	shalt  }
0x85: {  	_ =	shalt  }
0x86: {  	_ =	shalt  }
0x87: {  	_ =	shalt  }
.Lfunc_end0:
.L_simem_size_0:
called_computation.6_lowered:
.L_overlay_start_0:
0x88: {  	s2 =	sld [smem:$0x3FD9]  }
0x89: {  	s3 =	sld [smem:$0x3FFE];
	_ =	sdelay $0x1  }
0x8a: {  	s1 =	srdreg.scid  }
0x8b: {  	s0 =	sand.u32 $0x1, s1  }
0x8c: {  	s16 =	sshll.u32 s0, $0xA;
	s2 =	sadd.s32 s3, s2  }
0x8d: {  	s2 =	sadd.s32 s2, s16  }
0x8e: {  	[smem:$0x3FC5] =	sst s2  }
0x8f: {  	_ = 	snop  }
0x90: {  	(tm) =	ssettm $0x1  }
0x91: {  	s17 =	sld [smem:$0x3FFB];
	_ =	sdelay $0x3  }
0x92: {  	_ =	strace s17  }
0x93: {  	s2 =	sld [smem:$0x3FFC];
	_ =	sdelay $0x3  }
0x94: {  	_ =	strace s2  }
0x95: {  	s2 =	sld [smem:$0x3FFD];
	_ =	sdelay $0x3  }
0x96: {  	_ =	strace s2  }
0x97: {  	_ =	strace $0x8FFFFFFF  }
0x98: {  	s18 =	sld [smem:$0x3FDB];
	_ =	sdelay $0x1  }
0x99: {  	s19 =	simm.s32 $_scs_section_size  }
0x9a: {  	s4 =	simm.s32 $_size__tile_overlayer_lowered;
	s5 =	simm.s32 $_tile_overlayer_lowered  }
0x9b: {  	s22 =	simm.s32 $0x1BFF;
	s21 =	sshll.u32 s5, $0x1;
	s2 =	sadd.s32 s19, s18  }
0x9c: {  	s6 =	simm.s32 $0x0;
	s20 =	sshll.u32 s4, $0x1;
	s4 =	sadd.s32 s21, s2  }
0x9d: {  	[timem:s6], [sflag:s22] =	dma.local [hbm:s4], s20  }
0x9e: {  	_ =	swait.ge [sflag:s22], s20  }
0x9f: {  	s3 =	ssub.s32 $0x0, s20;
	[sflag:s22] =	ssyncset.done $0x0  }
0xa0: {  	[sflag:s22] =	ssyncadd.s32 s3;
	_ =	sdelay $0x1  }
0xa1: {  	s23 =	simm.s32 $0x1B8B  }
0xa2: {  	_ =	swait.ge [sflag:s23], $0x1  }
0xa3: {  	[sflag:s23] =	ssyncset.done $0x0  }
0xa4: {  	s25 =	simm.s32 $0x1B8E;
	s24 =	sld [smem:$0x3FFE];
	[sflag:s23] =	ssyncadd.s32 $0xFFFFFFFF  }
0xa5: {  	s26 =	simm.s32 $execute0_lowered;
	[smem:$0x3FD2] =	sst s25  }
0xa6: {  	s4 =	sshll.u32 s26, $0x1;
	_ =	strace $0x8000004C;
	[dreg:$0x1] =	wrdreg $0xFFFFFFFF  }
0xa7: {  	s28 =	simm.s32 $_size_execute0_lowered;
	s2 =	sadd.s32 s2, s4;
	[dreg:$0x0] =	wrdreg $0x0  }
0xa8: {  	s4 =	sshll.u32 s28, $0x1;
	[dreg:$0x2] =	wrdreg s2  }
0xa9: {  	[dreg:$0x3] =	wrdreg s4  }
0xaa: {  	[dreg:$0x4] =	wrdreg $0xC0  }
0xab: {  	_ =	task [dreg:s6], $0x5FFFF  }
0xac: {  	[dreg:$0x1] =	wrdreg $0xFFFFFFFF  }
0xad: {  	[dreg:$0x0] =	wrdreg $0x60  }
0xae: {  	[dreg:$0x2] =	wrdreg s24  }
0xaf: {  	[dreg:$0x3] =	wrdreg $0x9  }
0xb0: {  	_ =	task.clear_ibuf [dreg:s6], $0x4FFFF;
	_ =	strace $0x9000004C  }
0xb1: {  	s29 =	simm.s32 $0x9;
	_ =	strace $0x8000004E  }
0xb2: {  	_ =	swait.ge [sflag:s29], $0x1  }
0xb3: {  	[sflag:s29] =	ssyncadd.s32 $0xFFFFFFFF  }
0xb4: {  	_ =	strace $0x9000004E  }
0xb5: {  	_ =	sfence  }
0xb6: {  	s30 =	sld [smem:$0x0];
	_ =	sdelay $0x2  }
0xb7: {  	s31 =	sshll.u32 s1, $0xD;
	s1 =	sshrl.u32 s1, $0x2  }
0xb8: {  	s3 =	sand.u32 $0x4000, s31;
	s1 =	sadd.s32 s1, s30  }
0xb9: {  	s0 =	sor.u32 s3, s0;
	s1 =	sshll.u32 s1, $0x11  }
0xba: {  	s0 =	sor.u32 s1, s0  }
0xbb: {  	s0 =	sadd.s32 $0x8F2B, s0  }
0xbc: {  	[sflag:s0] =	ssyncadd.remote.s32 $0x1  }
0xbd: {  	_ =	sfence.sel $0xFFFF  }
0xbe: {  	[dreg:$0x0] =	wrdreg $0xFFFFFFFF;
	(pc) =	sbr.abs _section_cstart, $3  }
0xbf: {  	[dreg:$0x1] =	wrdreg $0xFFFFFFFF  }
0xc0: {  	_ =	task.clear_ibuf [dreg:s6], $0x2FFFF;
	_ =	strace $0x9FFFFFFF  }
0xc1: {  	(tm) =	ssettm $0x7FFFFFFF  }
tec
execute0_lowered:
.L_overlay_start_1:
0x0: {  	(tag) =	ssettag $0x1  }
0x1: {  	s8 =	rddreg [dreg:$0x0]  }
0x2: {  	s0 =	rddreg [dreg:$0x1];
	_ =	strace $0x8000004D;
	s1 =	stileid.u32  }
0x3: {  	s3 =	srdreg.scid;
	s4 =	simm.s32 $0x1;
	s7 =	simm.s32 $0x1  }
0x4: {  	s9 =	simm.s32 $0x1;
	s10 =	simm.s32 $0x3;
	s13 =	simm.s32 $0x0  }
0x5: {  	s12 =	simm.s32 $0x0;
	s5 =	sand.u32 $0x1, s3;
	s6 =	sshll.u32 s1, $0x1  }
0x6: {  	s2 =	sadd.s32 $0x4E200, s8;
	s3 =	sadd.s32 $0x4F600, s8;
	s5 =	sor.u32 s6, s5  }
.Ltmp0:
0x7: {  	[sflag:s4] =	ssyncpa.u1 $0x0;
	p0 =	slt.u32 s5, $0x13;
	(pc) =	sbr.rel .LBB2_1-.Ltmp0, $4  }
0x8: {  	s6 =	simm.s32 $0x2;
	s7 =	simm.s32 @!p0 $0x0;
	p0 =	sne.s32 s5, $0x12  }
0x9: {  	[sflag:s6] =	ssyncpa.u1 $0x0;
	s5 =	smul.u32 $0x190, s5;
	s9 =	simm.s32 @!p0 $0x0  }
0xa: {  	s8 =	sadd.s32 $0x52200, s8;
	[sflag:s10] =	ssyncpa.u1 $0x0;
	s7 =	sadd.s32 s9, s7  }
0xb: {  	vm0 =	vmmov $0xffff;
	s10 =	simm.s32 $0x0;
	s11 =	smov.u32 s5;
	s9 =	sadd.s32 $0x1, s7  }
.LBB2_4:
0xc: {  	v2 =	vnsel vm1, $0x0, v2  }
0xd: {  	vm1 =	vgt.s32 v0, $0x0;
	v2 =	vmin.u32 v2, $0x4E1F  }
0xe: {  	v0 =	vnsel vm1, $0x0, v0  }
0xf: {  	v0 =	vmin.u32 v0, $0x4E1F  }
0x10: {  	[tilespmem:s18], [sflag:$0x1] =	stream.indirect_vreg.gather [hbm4b:s2+s10], $0x1, v1, vm0, $0x4038;
	[tilespmem:$0x640] =	vst v63  }
0x11: {  	(ifvalue) =	ssetifvalue $0x7FFFFFFF  }
0x12: {  	[tilespmem:s15], [sflag:$0x1] =	stream.indirect_vreg.gather [hbm4b:s2+s10], $0x1, v2, vm0, $0x4038;
	[tilespmem:$0x640] =	vst v63  }
0x13: {  	s29 =	sadd.s32 $0x10, s15;
	(ifvalue) =	ssetifvalue $0x7FFFFFFF  }
0x14: {  	[tilespmem:s29], [sflag:$0x1] =	stream.indirect_vreg.gather [hbm4b:s2+s10], $0x1, v0, vm0, $0x4038;
	[tilespmem:$0x640] =	vst v63  }
0x15: {  	_ =	swait.ge [sflag:s4], $0x190  }
0x16: {  	s30 =	sshrl.u32 s13, $0x3;
	[sflag:s4] =	ssyncset.done $0x0  }
0x17: {  	s31 =	sand.u32 $0x7, s13;
	s15 =	sadd.s32 s8, s30;
	[sflag:s4] =	ssyncadd.s32 $0xFFFFFE70  }
0x18: {  	[hbm4b:s15+s31] =	stream.linear.scatter [tilespmem:s14], [sflag:$0x3], $0x190, $0x38;
	[tilespmem:$0x640] =	vst v63  }
.LBB2_5:
0x19: {  	s15 =	sadd.s32 $0x3200, s11  }
0x1a: {  	p1 =	sgt.s32 s15, $0x4E1F  }
0x1b: {  	s15 =	smov.u32 @p1 s5;
	p1 =	sne.s32 s12, s9  }
.Ltmp1:
0x1c: {  	p0 =	slt.u32 s12, $0x2;
	(pc) =	sbr.rel @!p1 .LBB2_6-.Ltmp1, $4  }
0x1d: {  	s14 =	simm.s32 @!p0 $0x3  }
0x1e: {  	_ =	swait.ge @!p0 [sflag:s14], $0x190  }
0x1f: {  	s16 =	sadd.s32 $0x1, s12;
	s13 =	smov.u32 s11;
	[sflag:s14] =	ssyncset.done @!p0 $0x0  }
0x20: {  	s12 =	smov.u32 s16;
	s11 =	smov.u32 s15;
	[sflag:s14] =	ssyncadd.s32 @!p0 $0xFFFFFE70  }
.LBB2_1:
0x21: {  	p0 =	sge.u32 s12, s7  }
0x22: {  	s14 =	sxor.u32 @!p0 $0x1, s12  }
0x23: {  	s14 =	smul.u32 @!p0 $0x640, s14  }
0x24: {  	s31 =	sadd.s32 $0xFFFFFFFF, s12;
	s15 =	sshrl.u32 @!p0 s11, $0x3  }
0x25: {  	s16 =	sand.u32 @!p0 $0x7, s11;
	s15 =	sadd.s32 @!p0 s3, s15;
	s14 =	sshra.s32 @!p0 s14, $0x2  }
0x26: {  	[tilespmem:s14], [sflag:$0x2] =	stream.linear.gather @!p0 [hbm4b:s15+s16], $0x190, $0x38;
	[tilespmem:$0x640] =	vst v63  }
0x27: {  	p0 =	sge.u32 s31, s7  }
.Ltmp2:
0x28: {  	_ = 	snop;
	(pc) =	sbr.rel @p0 .LBB2_5-.Ltmp2, $1  }
0x29: {  	_ =	sdelay $0x3  }
0x2a: {  	s14 =	sand.u32 $0x1, s12  }
0x2b: {  	_ =	swait.ge [sflag:s6], $0x190;
	p0 =	seq.s32 s14, $0x1;
	s14 =	simm.s32 $0x190  }
0x2c: {  	[sflag:s6] =	ssyncset.done $0x0;
	s14 =	simm.s32 @!p0 $0x0  }
0x2d: {  	[sflag:s6] =	ssyncadd.s32 $0xFFFFFE70;
	(ifvalue) =	ssetifvalue $0x7FFFFFFF;
	v0 =	vld.msk [tilespmem:s14+$0x0 ss:$0x1], $0xffff;
	_ =	sdelay $0x4  }
0x2e: {  	s15 =	sadd.s32 $0x10, s14;
	vm1 =	vgt.s32 v0, $0x0  }
0x2f: {  	v2 =	vld.msk [tilespmem:s15+$0x0 ss:$0x1], $0xffff;
	v1 =	vnsel vm1, $0x0, v0  }
0x30: {  	v1 =	vmin.u32 v1, $0x4E1F;
	_ =	sdelay $0x2  }
0x31: {  	s17 =	simm.s32 $0x20;
	s14 =	sadd.s32 $0x320, s14;
	s16 =	sadd.s32 $0x10, s15  }
0x32: {  	s15 =	sadd.s32 $0x10, s14;
	s18 =	smov.u32 s14;
	v0 =	vld.msk [tilespmem:s16+$0x0 ss:$0x1], $0xffff;
	vm1 =	vgt.s32 v2, $0x0;
	(ifvalue) =	ssetifvalue $0x7FFFFFFF  }
.LBB2_3:
0x33: {  	[tilespmem:s18], [sflag:$0x1] =	stream.indirect_vreg.gather [hbm4b:s2+s10], $0x1, v1, vm0, $0x4038;
	[tilespmem:$0x640] =	vst v63  }
0x34: {  	s17 =	sadd.s32 $0x10, s17  }
0x35: {  	v2 =	vnsel vm1, $0x0, v2;
	p0 =	slt.u32 s17, $0x180  }
.Ltmp3:
0x36: {  	s18 =	smov.u32 s15;
	v1 =	vmin.u32 v2, $0x4E1F;
	(pc) =	sbr.rel @p0 .LBB2_3-.Ltmp3, $3  }
0x37: {  	_ =	sdelay $0x1  }
0x38: {  	s16 =	sadd.s32 $0x10, s16  }
0x39: {  	vm1 =	vgt.s32 v0, $0x0;
	s15 =	sadd.s32 $0x10, s15;
	v2 =	vmov v0;
	(ifvalue) =	ssetifvalue $0x7FFFFFFF;
	v0 =	vld.msk [tilespmem:s16+$0x0 ss:$0x1], $0xffff  }
.Ltmp4:
0x3a: {  	_ = 	snop;
	(pc) =	sbr.rel .LBB2_4-.Ltmp4, $1  }
0x3b: {  	_ =	sdelay $0x3  }
.LBB2_6:
0x3c: {  	_ =	sfence.sel $0x180000  }
0x3d: {  	s2 =	simm.s32 $0x2;
	[bflag:$0x0] =	sbarrier.arrive $0xFFFF  }
0x3e: {  	s30 =	simm.s32 $0x3;
	[sflag:s2] =	ssyncpa.u1 $0x1  }
0x3f: {  	s31 =	simm.s32 $0x1;
	[sflag:s30] =	ssyncpa.u1 $0x1  }
0x40: {  	[sflag:s31] =	ssyncpa.u1 $0x1  }
0x41: {  	p0 =	sne.s32 s1, $0x0;
	_ =	strace $0x9000004D  }
0x42: {  	s0 =	sadd.s32 @!p0 $0x100000, s0;
	[bflag:$0x2] =	sbarrier.arrive $0xFFFF  }
0x43: {  	[sflag:s0] =	ssyncadd.tile.s32 @!p0 $0x1;
	_ =	shalt  }
.Lfunc_end2:
_tile_overlayer_lowered:
.L_overlay_start_2:
0x44: {  	(tag) =	ssettag $0x2  }
0x45: {  	s0 =	rddreg [dreg:$0x0];
	s2 =	stileid.u32  }
0x46: {  	s1 =	rddreg [dreg:$0x1];
	p0 =	sne.s32 s2, $0x0  }
0x47: {  	s3 =	rddreg [dreg:$0x2];
	[bflag:$0x3] =	sbarrier.arrive $0xFFFF;
	s2 =	simm.s32 @!p0 $0x1C01  }
0x48: {  	[timem:s3], [sflag:s2] =	dma.local @!p0 [hbm:s0], s1  }
0x49: {  	s0 =	simm.s32 @!p0 $0x1  }
0x4a: {  	_ =	swait.ge @!p0 [sflag:s0], s1  }
0x4b: {  	s1 =	ssub.s32 @!p0 $0x0, s1;
	[sflag:s0] =	ssyncset.done @!p0 $0x0  }
0x4c: {  	[sflag:s0] =	ssyncadd.s32 @!p0 s1  }
0x4d: {  	[bflag:$0x3] =	sbarrier.arrive $0xFFFF  }
0x4e: {  	_ =	shalt  }

// kernel: gather_offload_async_start
scs
__scs_entry_jumppad:
0x0: {  	(pc) =	sbr.rel $0x88, $3  }
0x1: {  	(tag) =	ssettag $0x0;
	lr =	simm.s32 $0x1  }
0x2: {  	[smem:$0x3F9E] =	sst lr;
	_ =	strace $0xD0000000  }
0x3: {  	_ = 	snop  }
0x4: {  	_ = 	snop  }
0x5: {  	_ = 	snop  }
0x6: {  	_ = 	snop  }
0x7: {  	_ = 	snop  }
__scs_overlays_trampoline_lowered:
0x8: {  	[smem:$0x3FAD] =	sst s0  }
0x9: {  	[smem:$0x3FAE] =	sst s1  }
0xa: {  	[smem:$0x3FAF] =	sst s2  }
0xb: {  	[smem:$0x3FB0] =	sst s3  }
0xc: {  	[smem:$0x3FB1] =	sst s4  }
0xd: {  	[smem:$0x3FB2] =	sst s5  }
0xe: {  	[smem:$0x3FB3] =	sst s6  }
0xf: {  	[smem:$0x3FB4] =	sst s7  }
0x10: {  	[smem:$0x3FB5] =	sst s8  }
0x11: {  	[smem:$0x3FB6] =	sst s9;
	s0 =	simm.s32 @!p0 $0x0  }
0x12: {  	s1 =	sld [smem:$0x3F9C];
	s0 =	simm.s32 @p0 $0x1  }
0x13: {  	[smem:$0x3FB7] =	sst s0;
	s0 =	simm.s32 @!p1 $0x0  }
0x14: {  	s2 =	sld [smem:$0x3F9B];
	s0 =	simm.s32 @p1 $0x1  }
0x15: {  	[smem:$0x3FB8] =	sst s0;
	s0 =	simm.s32 @!p2 $0x0  }
0x16: {  	s3 =	sld [smem:$0x3FDB];
	s0 =	simm.s32 @p2 $0x1  }
0x17: {  	s4 =	simm.s32 $0x1BF5;
	[smem:$0x3FBA] =	sst s0  }
0x18: {  	s0 =	sld [smem:$0x3F9D];
	_ =	swait.ge [sflag:s4], $0x0  }
0x19: {  	s7 =	sld [smem:$0x3F9E]  }
0x1a: {  	s8 =	sadd.s32 $0xFFFFE003, lr  }
0x1b: {  	s9 =	sadd.s32 $0xFFFFFEF7, lr;
	s5 =	simm.s32 $0xFFFFFFFF;
	p2 =	slt.u32 s8, $0xFFFFF086  }
0x1c: {  	p1 =	slt.u32 s9, $0xF7A;
	s5 =	simm.s32 @!p2 $0x0  }
0x1d: {  	s5 =	simm.s32 @p1 $0x1;
	p0 =	seq.s32 s7, s2  }
0x1e: {  	s7 =	smul.u32 @!p0 $0xF7A, s2;
	p2 =	seq.s32 @!p0 s5, $0x0  }
0x1f: {  	s9 =	smul.u32 $0xF7A, s1;
	s8 =	simm.s32 @!p0 $0x1BF5;
	p2 =	por !p2, p0  }
0x20: {  	[sflag:s8] =	ssyncset.s32 @!p0 $0xFFFFF086;
	s6 =	sadd.s32 @!p0 s3, s7;
	s7 =	simm.s32 @!p0 $0x108  }
0x21: {  	s3 =	sadd.s32 s3, s9;
	s6 =	sadd.s32 @!p0 $0x88, s6;
	s7 =	simm.s32 @p2 $0x1082  }
0x22: {  	[simem:s7], [sflag:s8] =	dma.local @!p0 [hbm:s6], $0xF7A  }
0x23: {  	s9 =	sor.u32 $0xD0000000, s2;
	s6 =	simm.s32 $0x108;
	_ =	swait.ge @!p0 [sflag:s8], $0x0  }
0x24: {  	s3 =	sadd.s32 $0x88, s3;
	s6 =	simm.s32 @!p1 $0x1082;
	[sflag:s4] =	ssyncset.s32 $0xFFFFF086  }
0x25: {  	[simem:s6], [sflag:s4] =	dma.local [hbm:s3], $0xF7A  }
0x26: {  	[smem:$0x3F9E] =	sst s1;
	(tag) =	ssettag s2;
	_ =	strace s9  }
0x27: {  	s1 =	sld [smem:$0x3FAE]  }
0x28: {  	s2 =	sld [smem:$0x3FAF]  }
0x29: {  	s4 =	sld [smem:$0x3FB1]  }
0x2a: {  	p0 =	seq.s32 s5, $0x0;
	s5 =	sld [smem:$0x3FB2]  }
0x2b: {  	s6 =	sld [smem:$0x3FB3]  }
0x2c: {  	s7 =	sld [smem:$0x3FB4]  }
0x2d: {  	s3 =	simm.s32 $0x108;
	s8 =	sld [smem:$0x3FB5]  }
0x2e: {  	s3 =	simm.s32 @!p0 $0x1082;
	s9 =	sld [smem:$0x3FB6]  }
0x2f: {  	lr =	sadd.s32 s0, s3;
	s0 =	sld [smem:$0x3FAD]  }
0x30: {  	s3 =	sld [smem:$0x3FB0]  }
0x31: {  	[smem:$0x3FB9] =	sst s10  }
0x32: {  	s10 =	sld [smem:$0x3FB7];
	_ =	sdelay $0x3  }
0x33: {  	p0 =	seq.s32 s10, $0x1;
	s10 =	sld [smem:$0x3FB9];
	_ =	sdelay $0x3  }
0x34: {  	[smem:$0x3FB9] =	sst s10  }
0x35: {  	s10 =	sld [smem:$0x3FB8];
	_ =	sdelay $0x3  }
0x36: {  	p1 =	seq.s32 s10, $0x1;
	s10 =	sld [smem:$0x3FB9];
	_ =	sdelay $0x3  }
0x37: {  	[smem:$0x3FB9] =	sst s10  }
0x38: {  	s10 =	sld [smem:$0x3FBA]  }
0x39: {  	_ = 	snop;
	(pc) =	sbr.ind lr, $3  }
0x3a: {  	_ = 	snop  }
0x3b: {  	_ = 	snop  }
0x3c: {  	p2 =	seq.s32 s10, $0x1;
	s10 =	sld [smem:$0x3FB9]  }
0x3d: {  	_ =	shalt  }
0x3e: {  	_ =	shalt  }
0x3f: {  	_ =	shalt  }
0x40: {  	_ =	shalt  }
0x41: {  	_ =	shalt  }
0x42: {  	_ =	shalt  }
0x43: {  	_ =	shalt  }
0x44: {  	_ =	shalt  }
0x45: {  	_ =	shalt  }
0x46: {  	_ =	shalt  }
0x47: {  	_ =	shalt  }
0x48: {  	_ =	shalt  }
0x49: {  	_ =	shalt  }
0x4a: {  	_ =	shalt  }
0x4b: {  	_ =	shalt  }
0x4c: {  	_ =	shalt  }
0x4d: {  	_ =	shalt  }
0x4e: {  	_ =	shalt  }
0x4f: {  	_ =	shalt  }
0x50: {  	_ =	shalt  }
0x51: {  	_ =	shalt  }
0x52: {  	_ =	shalt  }
0x53: {  	_ =	shalt  }
0x54: {  	_ =	shalt  }
0x55: {  	_ =	shalt  }
0x56: {  	_ =	shalt  }
0x57: {  	_ =	shalt  }
0x58: {  	_ =	shalt  }
0x59: {  	_ =	shalt  }
0x5a: {  	_ =	shalt  }
0x5b: {  	_ =	shalt  }
0x5c: {  	_ =	shalt  }
0x5d: {  	_ =	shalt  }
0x5e: {  	_ =	shalt  }
0x5f: {  	_ =	shalt  }
0x60: {  	_ =	shalt  }
0x61: {  	_ =	shalt  }
0x62: {  	_ =	shalt  }
0x63: {  	_ =	shalt  }
0x64: {  	_ =	shalt  }
0x65: {  	_ =	shalt  }
0x66: {  	_ =	shalt  }
0x67: {  	_ =	shalt  }
0x68: {  	_ =	shalt  }
0x69: {  	_ =	shalt  }
0x6a: {  	_ =	shalt  }
0x6b: {  	_ =	shalt  }
0x6c: {  	_ =	shalt  }
0x6d: {  	_ =	shalt  }
0x6e: {  	_ =	shalt  }
0x6f: {  	_ =	shalt  }
0x70: {  	_ =	shalt  }
0x71: {  	_ =	shalt  }
0x72: {  	_ =	shalt  }
0x73: {  	_ =	shalt  }
0x74: {  	_ =	shalt  }
0x75: {  	_ =	shalt  }
0x76: {  	_ =	shalt  }
0x77: {  	_ =	shalt  }
0x78: {  	_ =	shalt  }
0x79: {  	_ =	shalt  }
0x7a: {  	_ =	shalt  }
0x7b: {  	_ =	shalt  }
0x7c: {  	_ =	shalt  }
0x7d: {  	_ =	shalt  }
0x7e: {  	_ =	shalt  }
0x7f: {  	_ =	shalt  }
0x80: {  	_ =	shalt  }
0x81: {  	_ =	shalt  }
0x82: {  	_ =	shalt  }
0x83: {  	_ =	shalt  }
0x84: {  	_ =	shalt  }
0x85: {  	_ =	shalt  }
0x86: {  	_ =	shalt  }
0x87: {  	_ =	shalt  }
.Lfunc_end0:
.L_simem_size_0:
called_computation.2_lowered:
.L_overlay_start_0:
0x88: {  	s2 =	sld [smem:$0x3FD9]  }
0x89: {  	s3 =	sld [smem:$0x3FFE];
	_ =	sdelay $0x1  }
0x8a: {  	s1 =	srdreg.scid  }
0x8b: {  	s0 =	sand.u32 $0x1, s1  }
0x8c: {  	s17 =	sshll.u32 s0, $0xA;
	s2 =	sadd.s32 s3, s2  }
0x8d: {  	s2 =	sadd.s32 s2, s17  }
0x8e: {  	[smem:$0x3FC5] =	sst s2  }
0x8f: {  	_ = 	snop  }
0x90: {  	s2 =	sld [smem:$0x3FD0];
	(tm) =	ssettm $0x1  }
0x91: {  	s18 =	sld [smem:$0x3FFB];
	_ =	sdelay $0x3  }
0x92: {  	_ =	strace s18  }
0x93: {  	s3 =	sld [smem:$0x3FFC];
	_ =	sdelay $0x3  }
0x94: {  	_ =	strace s3  }
0x95: {  	s3 =	sld [smem:$0x3FFD];
	_ =	sdelay $0x3  }
0x96: {  	_ =	strace s3  }
0x97: {  	_ =	strace $0x8FFFFFFF  }
0x98: {  	s19 =	sld [smem:$0x3FDB];
	_ =	sdelay $0x1  }
0x99: {  	s4 =	simm.s32 $_scs_section_size  }
0x9a: {  	s5 =	simm.s32 $_size__tile_overlayer_lowered;
	s6 =	simm.s32 $_tile_overlayer_lowered  }
0x9b: {  	s22 =	simm.s32 $0x1BFF;
	s21 =	sshll.u32 s6, $0x1;
	s3 =	sadd.s32 s4, s19  }
0x9c: {  	s7 =	simm.s32 $0x0;
	s20 =	sshll.u32 s5, $0x1;
	s5 =	sadd.s32 s21, s3  }
0x9d: {  	[timem:s7], [sflag:s22] =	dma.local [hbm:s5], s20  }
0x9e: {  	_ =	swait.ge [sflag:s22], s20  }
0x9f: {  	s4 =	ssub.s32 $0x0, s20;
	[sflag:s22] =	ssyncset.done $0x0  }
0xa0: {  	[sflag:s22] =	ssyncadd.s32 s4;
	_ =	sdelay $0x1  }
0xa1: {  	s23 =	simm.s32 $0x1B8B  }
0xa2: {  	_ =	swait.ge [sflag:s23], $0x1  }
0xa3: {  	[sflag:s23] =	ssyncset.done $0x0  }
0xa4: {  	s25 =	simm.s32 $0x1B8E;
	s24 =	sld [smem:$0x3FFE];
	[sflag:s23] =	ssyncadd.s32 $0xFFFFFFFF  }
0xa5: {  	s26 =	simm.s32 $execute0_lowered;
	[smem:$0x3FD2] =	sst s25  }
0xa6: {  	s5 =	sshll.u32 s26, $0x1;
	_ =	strace $0x80000055;
	[dreg:$0x1] =	wrdreg $0xFFFFFFFF  }
0xa7: {  	s28 =	simm.s32 $_size_execute0_lowered;
	s3 =	sadd.s32 s3, s5;
	[dreg:$0x0] =	wrdreg $0x0  }
0xa8: {  	s5 =	sshll.u32 s28, $0x1;
	[dreg:$0x2] =	wrdreg s3  }
0xa9: {  	[dreg:$0x3] =	wrdreg s5  }
0xaa: {  	[dreg:$0x4] =	wrdreg $0xC0  }
0xab: {  	_ =	task [dreg:s7], $0x5FFFF  }
0xac: {  	[dreg:$0x1] =	wrdreg $0xFFFFFFFF  }
0xad: {  	[dreg:$0x0] =	wrdreg $0x60  }
0xae: {  	[dreg:$0x2] =	wrdreg s24  }
0xaf: {  	[dreg:$0x3] =	wrdreg s2  }
0xb0: {  	[dreg:$0x4] =	wrdreg $0xA  }
0xb1: {  	_ =	task.clear_ibuf [dreg:s7], $0x5FFFF;
	_ =	strace $0x90000055  }
0xb2: {  	s29 =	simm.s32 $0xA;
	_ =	strace $0x80000057  }
0xb3: {  	_ =	swait.ge [sflag:s29], $0x1  }
0xb4: {  	[sflag:s29] =	ssyncadd.s32 $0xFFFFFFFF  }
0xb5: {  	_ =	strace $0x90000057  }
0xb6: {  	_ =	sfence  }
0xb7: {  	s30 =	sld [smem:$0x0];
	_ =	sdelay $0x2  }
0xb8: {  	s31 =	sshll.u32 s1, $0xD;
	s1 =	sshrl.u32 s1, $0x2  }
0xb9: {  	s3 =	sand.u32 $0x4000, s31;
	s1 =	sadd.s32 s1, s30  }
0xba: {  	s0 =	sor.u32 s3, s0;
	s1 =	sshll.u32 s1, $0x11  }
0xbb: {  	s0 =	sor.u32 s1, s0  }
0xbc: {  	s0 =	sadd.s32 $0x8F2B, s0  }
0xbd: {  	[sflag:s0] =	ssyncadd.remote.s32 $0x1  }
0xbe: {  	_ =	sfence.sel $0xFFFF  }
0xbf: {  	[dreg:$0x0] =	wrdreg $0xFFFFFFFF;
	(pc) =	sbr.abs _section_cstart, $3  }
0xc0: {  	[dreg:$0x1] =	wrdreg $0xFFFFFFFF  }
0xc1: {  	_ =	task.clear_ibuf [dreg:s7], $0x2FFFF;
	_ =	strace $0x9FFFFFFF  }
0xc2: {  	(tm) =	ssettm $0x7FFFFFFF  }
0xc3: {  	_ =	shalt  }
tec
execute0_lowered:
.L_overlay_start_1:
0x0: {  	(tag) =	ssettag $0x1  }
0x1: {  	s0 =	srdreg.scid  }
0x2: {  	s1 =	sshll.u32 s0, $0x4  }
0x3: {  	s0 =	stileid.u32;
	s1 =	sand.u32 $0x10, s1  }
0x4: {  	s2 =	sor.u32 s0, s1  }
0x5: {  	s1 =	smin.u32 s2, $0x12  }
0x6: {  	s1 =	sadd.s32 s2, s1  }
0x7: {  	p0 =	slt.u32 s2, $0x12;
	s2 =	simm.s32 $0x320;
	s1 =	smul.u32 $0x190, s1  }
0x8: {  	s2 =	simm.s32 @!p0 $0x190  }
0x9: {  	s2 =	sadd.s32 s2, s1  }
0xa: {  	s3 =	smin.u32 s2, $0x4E20  }
0xb: {  	s7 =	ssub.s32 s3, s1  }
0xc: {  	p0 =	sgt.s32 s7, $0x0  }
0xd: {  	s7 =	simm.s32 @!p0 $0x0  }
0xe: {  	s31 =	sand.u32 $0xFFF0, s7  }
0xf: {  	s2 =	sshrl.u32 s31, $0x4  }
0x10: {  	s4 =	rddreg [dreg:$0x0];
	s2 =	smul.u32 $0xA3E, s2  }
0x11: {  	s5 =	rddreg [dreg:$0x1]  }
0x12: {  	s6 =	simm.s32 $0x1;
	s10 =	simm.s32 $0x3;
	s8 =	sshrl.u32 s2, $0x10  }
0x13: {  	s13 =	simm.s32 $0x0;
	s12 =	simm.s32 $0x0;
	s9 =	smul.u32 $0x190, s8  }
.Ltmp0:
0x14: {  	s11 =	smov.u32 s1;
	s2 =	rddreg [dreg:$0x2];
	(pc) =	sbr.rel .LBB2_1-.Ltmp0, $4  }
0x15: {  	_ =	strace $0x80000056;
	p0 =	sne.s32 s7, s9;
	s9 =	simm.s32 $0x1  }
0x16: {  	[sflag:s6] =	ssyncpa.u1 $0x0;
	s7 =	simm.s32 $0x2;
	s9 =	simm.s32 @!p0 $0x0  }
0x17: {  	[sflag:s7] =	ssyncpa.u1 $0x0;
	p0 =	por $0x0, $0x0;
	s8 =	sadd.s32 s8, s9  }
0x18: {  	vm0 =	vmmov $0xff;
	vm1 =	vcmask $0x3F20;
	s9 =	sadd.s32 $0x54000, s4;
	[sflag:s10] =	ssyncpa.u1 $0x0;
	s10 =	sadd.s32 $0x1, s8  }
.LBB2_6:
0x19: {  	[hbm:s17] =	stream.linear.scatter [tilespmem:s14], [sflag:$0x3], $0x400, $0x38;
	[tilespmem:$0x19320] =	vst v63  }
.LBB2_7:
0x1a: {  	s13 =	sadd.s32 $0x190, s11  }
0x1b: {  	s15 =	smov.u32 s1;
	p2 =	slt.s32 s13, s3  }
0x1c: {  	s15 =	smov.u32 @p2 s13;
	p2 =	sne.s32 s12, s10  }
.Ltmp1:
0x1d: {  	p1 =	slt.u32 s12, $0x2;
	(pc) =	sbr.rel @!p2 .LBB2_8-.Ltmp1, $4  }
0x1e: {  	s14 =	simm.s32 @!p1 $0x3  }
0x1f: {  	s16 =	sadd.s32 $0x1, s12;
	_ =	swait.ge @!p1 [sflag:s14], $0xC800  }
0x20: {  	p0 =	por !p0, !p0;
	s13 =	smov.u32 s11;
	[sflag:s14] =	ssyncset.done @!p1 $0x0  }
0x21: {  	s12 =	smov.u32 s16;
	s11 =	smov.u32 s15;
	[sflag:s14] =	ssyncadd.s32 @!p1 $0xFFFF3800  }
.LBB2_1:
0x22: {  	p1 =	sge.u32 s12, s8  }
0x23: {  	s14 =	sxor.u32 @!p1 $0xFFFFFFFF, s12  }
0x24: {  	s14 =	sand.u32 @!p1 $0x1, s14  }
0x25: {  	s14 =	smul.u32 @!p1 $0x640, s14  }
0x26: {  	s31 =	sadd.s32 $0xFFFFFFFF, s12;
	s15 =	sshrl.u32 @!p1 s11, $0x3  }
0x27: {  	s16 =	sand.u32 @!p1 $0x7, s11;
	s15 =	sadd.s32 @!p1 s5, s15;
	s14 =	sshrl.u32 @!p1 s14, $0x2  }
0x28: {  	[tilespmem:s14], [sflag:$0x2] =	stream.linear.gather @!p1 [hbm4b:s15+s16], $0x190, $0x38;
	[tilespmem:$0x19320] =	vst v63  }
0x29: {  	p1 =	sge.u32 s31, s8  }
.Ltmp2:
0x2a: {  	_ = 	snop;
	(pc) =	sbr.rel @p1 .LBB2_7-.Ltmp2, $1  }
0x2b: {  	_ =	sdelay $0x3  }
0x2c: {  	s14 =	simm.s32 $0x1  }
0x2d: {  	s14 =	simm.s32 @!p0 $0x0  }
0x2e: {  	s15 =	smul.u32 $0x640, s14  }
0x2f: {  	_ =	swait.ge [sflag:s7], $0x190  }
0x30: {  	[sflag:s7] =	ssyncset.done $0x0;
	s16 =	sshrl.u32 s15, $0x2  }
0x31: {  	[sflag:s7] =	ssyncadd.s32 $0xFFFFFE70;
	s15 =	sadd.s32 $0x0, s16  }
0x32: {  	v0 =	vld.msk [tilespmem:s15+$0x0 ss:$0x1], $0xffff;
	_ =	sdelay $0x4  }
0x33: {  	vm2 =	vgt.s32 v0, $0x0  }
0x34: {  	v0 =	vnsel vm2, $0x0, v0  }
0x35: {  	v0 =	vmin.u32 v0, $0x4E1F  }
0x36: {  	v0 =	vshll.u32 v0, $0x4  }
0x37: {  	s14 =	smul.u32 $0x32000, s14;
	_ =	sdelay $0x1  }
0x38: {  	s14 =	sshrl.u32 s14, $0x2  }
0x39: {  	s14 =	sor.u32 $0x320, s14  }
0x3a: {  	[tilespmem:s14], [sflag:$0x1] =	stream.indirect_vreg.gather [hbm:s4], $0x80, v0, vm0, $0x38;
	[tilespmem:$0x19320] =	vst v63  }
0x3b: {  	s17 =	sadd.s32 $0x10, s16;
	s15 =	sadd.s32 $0x400, s14  }
0x3c: {  	[tilespmem:s15], [sflag:$0x1] =	stream.indirect_vreg.gather [hbm:s4], $0x80, v0, vm1, $0x38;
	[tilespmem:$0x19320] =	vst v63  }
0x3d: {  	s18 =	simm.s32 $0x80;
	v0 =	vld.msk [tilespmem:s17+$0x0 ss:$0x1], $0xffff;
	s17 =	smov.u32 s14  }
.LBB2_3:
0x3e: {  	p1 =	sne.s32 s18, $0x600;
	_ =	sdelay $0x4  }
0x3f: {  	vm2 =	vgt.s32 v0, $0x0  }
0x40: {  	v0 =	vnsel vm2, $0x0, v0  }
0x41: {  	v0 =	vmin.u32 v0, $0x4E1F  }
0x42: {  	v0 =	vshll.u32 v0, $0x4;
	_ =	sdelay $0x3  }
.Ltmp3:
0x43: {  	s19 =	sshra.s32 s18, $0x2;
	s17 =	sadd.s32 $0x800, s17;
	(pc) =	sbr.rel @p1 .LBB2_3-.Ltmp3, $4  }
0x44: {  	[tilespmem:s17], [sflag:$0x1] =	stream.indirect_vreg.gather [hbm:s4], $0x80, v0, vm0, $0x38;
	[tilespmem:$0x19320] =	vst v63  }
0x45: {  	s19 =	sadd.s32 s19, s16;
	s20 =	sadd.s32 $0x400, s17  }
0x46: {  	[tilespmem:s20], [sflag:$0x1] =	stream.indirect_vreg.gather [hbm:s4], $0x80, v0, vm1, $0x38;
	[tilespmem:$0x19320] =	vst v63  }
0x47: {  	s18 =	sadd.s32 $0x40, s18;
	v0 =	vld.msk [tilespmem:s19+$0x0 ss:$0x1], $0xffff  }
0x48: {  	_ =	sdelay $0x3  }
0x49: {  	vm2 =	vgt.s32 v0, $0x0  }
0x4a: {  	v0 =	vnsel vm2, $0x0, v0  }
0x4b: {  	v0 =	vmin.u32 v0, $0x4E1F  }
0x4c: {  	v0 =	vshll.u32 v0, $0x4;
	_ =	sdelay $0x3  }
0x4d: {  	s16 =	sadd.s32 $0x800, s17  }
0x4e: {  	[tilespmem:s16], [sflag:$0x1] =	stream.indirect_vreg.gather [hbm:s4], $0x80, v0, vm0, $0x38;
	[tilespmem:$0x19320] =	vst v63  }
0x4f: {  	s16 =	sadd.s32 $0x400, s16  }
0x50: {  	[tilespmem:s16], [sflag:$0x1] =	stream.indirect_vreg.gather [hbm:s4], $0x80, v0, vm1, $0x38;
	[tilespmem:$0x19320] =	vst v63  }
0x51: {  	s13 =	sshll.u32 s13, $0x4;
	_ =	swait.ge [sflag:s6], $0xC800  }
0x52: {  	s13 =	sadd.s32 s13, s9;
	[sflag:s6] =	ssyncset.done $0x0  }
0x53: {  	s17 =	sadd.s32 $0x0, s13;
	s16 =	simm.s32 $0x80;
	[sflag:s6] =	ssyncadd.s32 $0xFFFF3800  }
.LBB2_5:
0x54: {  	[hbm:s17] =	stream.linear.scatter [tilespmem:s14], [sflag:$0x3], $0x400, $0x38;
	[tilespmem:$0x19320] =	vst v63  }
0x55: {  	s17 =	smov.u32 s16;
	s14 =	smov.u32 s15;
	p1 =	sne.s32 s16, $0x1880  }
.Ltmp4:
0x56: {  	s16 =	sadd.s32 $0x80, s16;
	(pc) =	sbr.rel @p1 .LBB2_5-.Ltmp4, $2  }
0x57: {  	_ =	sdelay $0x2  }
0x58: {  	s15 =	sadd.s32 $0x400, s15;
	s17 =	sadd.s32 s17, s13  }
.Ltmp5:
0x59: {  	_ = 	snop;
	(pc) =	sbr.rel .LBB2_6-.Ltmp5, $1  }
0x5a: {  	_ =	sdelay $0x3  }
.LBB2_8:
0x5b: {  	_ =	sfence.sel $0x180000  }
0x5c: {  	s1 =	simm.s32 $0x2;
	[bflag:$0x0] =	sbarrier.arrive $0xFFFF  }
0x5d: {  	s30 =	simm.s32 $0x3;
	[sflag:s1] =	ssyncpa.u1 $0x1  }
0x5e: {  	s31 =	simm.s32 $0x1;
	[sflag:s30] =	ssyncpa.u1 $0x1  }
0x5f: {  	[sflag:s31] =	ssyncpa.u1 $0x1  }
0x60: {  	p0 =	sne.s32 s0, $0x0;
	_ =	strace $0x90000056  }
0x61: {  	s0 =	sadd.s32 @!p0 $0x100000, s2;
	[bflag:$0x2] =	sbarrier.arrive $0xFFFF  }
0x62: {  	[sflag:s0] =	ssyncadd.tile.s32 @!p0 $0x1;
	_ =	shalt  }
.Lfunc_end2:
_tile_overlayer_lowered:
.L_overlay_start_2:
0x63: {  	(tag) =	ssettag $0x2  }
0x64: {  	s0 =	rddreg [dreg:$0x0];
	s2 =	stileid.u32  }
0x65: {  	s1 =	rddreg [dreg:$0x1];
	p0 =	sne.s32 s2, $0x0  }
0x66: {  	s3 =	rddreg [dreg:$0x2];
	[bflag:$0x3] =	sbarrier.arrive $0xFFFF;
	s2 =	simm.s32 @!p0 $0x1C01  }
0x67: {  	[timem:s3], [sflag:s2] =	dma.local @!p0 [hbm:s0], s1  }
0x68: {  	s0 =	simm.s32 @!p0 $0x1  }
0x69: {  	_ =	swait.ge @!p0 [sflag:s0], s1  }
0x6a: {  	s1 =	ssub.s32 @!p0 $0x0, s1;
	[sflag:s0] =	ssyncset.done @!p0 $0x0  }
0x6b: {  	[sflag:s0] =	ssyncadd.s32 @!p0 s1  }
0x6c: {  	[bflag:$0x3] =	sbarrier.arrive $0xFFFF  }
0x6d: {  	_ =	shalt  }

// kernel: kernel.3.cloned.1.call-start
scs
__scs_entry_jumppad:
0x0: {  	(pc) =	sbr.rel $0x88, $3  }
0x1: {  	(tag) =	ssettag $0x0;
	lr =	simm.s32 $0x1  }
0x2: {  	[smem:$0x3F9E] =	sst lr;
	_ =	strace $0xD0000000  }
0x3: {  	_ = 	snop  }
0x4: {  	_ = 	snop  }
0x5: {  	_ = 	snop  }
0x6: {  	_ = 	snop  }
0x7: {  	_ = 	snop  }
__scs_overlays_trampoline_lowered:
0x8: {  	[smem:$0x3FAD] =	sst s0  }
0x9: {  	[smem:$0x3FAE] =	sst s1  }
0xa: {  	[smem:$0x3FAF] =	sst s2  }
0xb: {  	[smem:$0x3FB0] =	sst s3  }
0xc: {  	[smem:$0x3FB1] =	sst s4  }
0xd: {  	[smem:$0x3FB2] =	sst s5  }
0xe: {  	[smem:$0x3FB3] =	sst s6  }
0xf: {  	[smem:$0x3FB4] =	sst s7  }
0x10: {  	[smem:$0x3FB5] =	sst s8  }
0x11: {  	[smem:$0x3FB6] =	sst s9;
	s0 =	simm.s32 @!p0 $0x0  }
0x12: {  	s1 =	sld [smem:$0x3F9C];
	s0 =	simm.s32 @p0 $0x1  }
0x13: {  	[smem:$0x3FB7] =	sst s0;
	s0 =	simm.s32 @!p1 $0x0  }
0x14: {  	s2 =	sld [smem:$0x3F9B];
	s0 =	simm.s32 @p1 $0x1  }
0x15: {  	[smem:$0x3FB8] =	sst s0;
	s0 =	simm.s32 @!p2 $0x0  }
0x16: {  	s3 =	sld [smem:$0x3FDB];
	s0 =	simm.s32 @p2 $0x1  }
0x17: {  	s4 =	simm.s32 $0x1BF5;
	[smem:$0x3FBA] =	sst s0  }
0x18: {  	s0 =	sld [smem:$0x3F9D];
	_ =	swait.ge [sflag:s4], $0x0  }
0x19: {  	s7 =	sld [smem:$0x3F9E]  }
0x1a: {  	s8 =	sadd.s32 $0xFFFFE003, lr  }
0x1b: {  	s9 =	sadd.s32 $0xFFFFFEF7, lr;
	s5 =	simm.s32 $0xFFFFFFFF;
	p2 =	slt.u32 s8, $0xFFFFF086  }
0x1c: {  	p1 =	slt.u32 s9, $0xF7A;
	s5 =	simm.s32 @!p2 $0x0  }
0x1d: {  	s5 =	simm.s32 @p1 $0x1;
	p0 =	seq.s32 s7, s2  }
0x1e: {  	s7 =	smul.u32 @!p0 $0xF7A, s2;
	p2 =	seq.s32 @!p0 s5, $0x0  }
0x1f: {  	s9 =	smul.u32 $0xF7A, s1;
	s8 =	simm.s32 @!p0 $0x1BF5;
	p2 =	por !p2, p0  }
0x20: {  	[sflag:s8] =	ssyncset.s32 @!p0 $0xFFFFF086;
	s6 =	sadd.s32 @!p0 s3, s7;
	s7 =	simm.s32 @!p0 $0x108  }
0x21: {  	s3 =	sadd.s32 s3, s9;
	s6 =	sadd.s32 @!p0 $0x88, s6;
	s7 =	simm.s32 @p2 $0x1082  }
0x22: {  	[simem:s7], [sflag:s8] =	dma.local @!p0 [hbm:s6], $0xF7A  }
0x23: {  	s9 =	sor.u32 $0xD0000000, s2;
	s6 =	simm.s32 $0x108;
	_ =	swait.ge @!p0 [sflag:s8], $0x0  }
0x24: {  	s3 =	sadd.s32 $0x88, s3;
	s6 =	simm.s32 @!p1 $0x1082;
	[sflag:s4] =	ssyncset.s32 $0xFFFFF086  }
0x25: {  	[simem:s6], [sflag:s4] =	dma.local [hbm:s3], $0xF7A  }
0x26: {  	[smem:$0x3F9E] =	sst s1;
	(tag) =	ssettag s2;
	_ =	strace s9  }
0x27: {  	s1 =	sld [smem:$0x3FAE]  }
0x28: {  	s2 =	sld [smem:$0x3FAF]  }
0x29: {  	s4 =	sld [smem:$0x3FB1]  }
0x2a: {  	p0 =	seq.s32 s5, $0x0;
	s5 =	sld [smem:$0x3FB2]  }
0x2b: {  	s6 =	sld [smem:$0x3FB3]  }
0x2c: {  	s7 =	sld [smem:$0x3FB4]  }
0x2d: {  	s3 =	simm.s32 $0x108;
	s8 =	sld [smem:$0x3FB5]  }
0x2e: {  	s3 =	simm.s32 @!p0 $0x1082;
	s9 =	sld [smem:$0x3FB6]  }
0x2f: {  	lr =	sadd.s32 s0, s3;
	s0 =	sld [smem:$0x3FAD]  }
0x30: {  	s3 =	sld [smem:$0x3FB0]  }
0x31: {  	[smem:$0x3FB9] =	sst s10  }
0x32: {  	s10 =	sld [smem:$0x3FB7];
	_ =	sdelay $0x3  }
0x33: {  	p0 =	seq.s32 s10, $0x1;
	s10 =	sld [smem:$0x3FB9];
	_ =	sdelay $0x3  }
0x34: {  	[smem:$0x3FB9] =	sst s10  }
0x35: {  	s10 =	sld [smem:$0x3FB8];
	_ =	sdelay $0x3  }
0x36: {  	p1 =	seq.s32 s10, $0x1;
	s10 =	sld [smem:$0x3FB9];
	_ =	sdelay $0x3  }
0x37: {  	[smem:$0x3FB9] =	sst s10  }
0x38: {  	s10 =	sld [smem:$0x3FBA]  }
0x39: {  	_ = 	snop;
	(pc) =	sbr.ind lr, $3  }
0x3a: {  	_ = 	snop  }
0x3b: {  	_ = 	snop  }
0x3c: {  	p2 =	seq.s32 s10, $0x1;
	s10 =	sld [smem:$0x3FB9]  }
0x3d: {  	_ =	shalt  }
0x3e: {  	_ =	shalt  }
0x3f: {  	_ =	shalt  }
0x40: {  	_ =	shalt  }
0x41: {  	_ =	shalt  }
0x42: {  	_ =	shalt  }
0x43: {  	_ =	shalt  }
0x44: {  	_ =	shalt  }
0x45: {  	_ =	shalt  }
0x46: {  	_ =	shalt  }
0x47: {  	_ =	shalt  }
0x48: {  	_ =	shalt  }
0x49: {  	_ =	shalt  }
0x4a: {  	_ =	shalt  }
0x4b: {  	_ =	shalt  }
0x4c: {  	_ =	shalt  }
0x4d: {  	_ =	shalt  }
0x4e: {  	_ =	shalt  }
0x4f: {  	_ =	shalt  }
0x50: {  	_ =	shalt  }
0x51: {  	_ =	shalt  }
0x52: {  	_ =	shalt  }
0x53: {  	_ =	shalt  }
0x54: {  	_ =	shalt  }
0x55: {  	_ =	shalt  }
0x56: {  	_ =	shalt  }
0x57: {  	_ =	shalt  }
0x58: {  	_ =	shalt  }
0x59: {  	_ =	shalt  }
0x5a: {  	_ =	shalt  }
0x5b: {  	_ =	shalt  }
0x5c: {  	_ =	shalt  }
0x5d: {  	_ =	shalt  }
0x5e: {  	_ =	shalt  }
0x5f: {  	_ =	shalt  }
0x60: {  	_ =	shalt  }
0x61: {  	_ =	shalt  }
0x62: {  	_ =	shalt  }
0x63: {  	_ =	shalt  }
0x64: {  	_ =	shalt  }
0x65: {  	_ =	shalt  }
0x66: {  	_ =	shalt  }
0x67: {  	_ =	shalt  }
0x68: {  	_ =	shalt  }
0x69: {  	_ =	shalt  }
0x6a: {  	_ =	shalt  }
0x6b: {  	_ =	shalt  }
0x6c: {  	_ =	shalt  }
0x6d: {  	_ =	shalt  }
0x6e: {  	_ =	shalt  }
0x6f: {  	_ =	shalt  }
0x70: {  	_ =	shalt  }
0x71: {  	_ =	shalt  }
0x72: {  	_ =	shalt  }
0x73: {  	_ =	shalt  }
0x74: {  	_ =	shalt  }
0x75: {  	_ =	shalt  }
0x76: {  	_ =	shalt  }
0x77: {  	_ =	shalt  }
0x78: {  	_ =	shalt  }
0x79: {  	_ =	shalt  }
0x7a: {  	_ =	shalt  }
0x7b: {  	_ =	shalt  }
0x7c: {  	_ =	shalt  }
0x7d: {  	_ =	shalt  }
0x7e: {  	_ =	shalt  }
0x7f: {  	_ =	shalt  }
0x80: {  	_ =	shalt  }
0x81: {  	_ =	shalt  }
0x82: {  	_ =	shalt  }
0x83: {  	_ =	shalt  }
0x84: {  	_ =	shalt  }
0x85: {  	_ =	shalt  }
0x86: {  	_ =	shalt  }
0x87: {  	_ =	shalt  }
.Lfunc_end0:
.L_simem_size_0:
called_computation.7_lowered:
.L_overlay_start_0:
0x88: {  	s2 =	sld [smem:$0x3FD9]  }
0x89: {  	s3 =	sld [smem:$0x3FFE];
	_ =	sdelay $0x1  }
0x8a: {  	s1 =	srdreg.scid  }
0x8b: {  	s0 =	sand.u32 $0x1, s1  }
0x8c: {  	s17 =	sshll.u32 s0, $0xA;
	s2 =	sadd.s32 s3, s2  }
0x8d: {  	s2 =	sadd.s32 s2, s17  }
0x8e: {  	[smem:$0x3FC5] =	sst s2  }
0x8f: {  	_ = 	snop  }
0x90: {  	s2 =	sld [smem:$0x3FD0];
	(tm) =	ssettm $0x1  }
0x91: {  	s18 =	sld [smem:$0x3FFB];
	_ =	sdelay $0x3  }
0x92: {  	_ =	strace s18  }
0x93: {  	s3 =	sld [smem:$0x3FFC];
	_ =	sdelay $0x3  }
0x94: {  	_ =	strace s3  }
0x95: {  	s3 =	sld [smem:$0x3FFD];
	_ =	sdelay $0x3  }
0x96: {  	_ =	strace s3  }
0x97: {  	_ =	strace $0x8FFFFFFF  }
0x98: {  	s19 =	sld [smem:$0x3FDB];
	_ =	sdelay $0x1  }
0x99: {  	s4 =	simm.s32 $_scs_section_size  }
0x9a: {  	s5 =	simm.s32 $_size__tile_overlayer_lowered;
	s6 =	simm.s32 $_tile_overlayer_lowered  }
0x9b: {  	s22 =	simm.s32 $0x1BFF;
	s21 =	sshll.u32 s6, $0x1;
	s3 =	sadd.s32 s4, s19  }
0x9c: {  	s7 =	simm.s32 $0x0;
	s20 =	sshll.u32 s5, $0x1;
	s5 =	sadd.s32 s21, s3  }
0x9d: {  	[timem:s7], [sflag:s22] =	dma.local [hbm:s5], s20  }
0x9e: {  	_ =	swait.ge [sflag:s22], s20  }
0x9f: {  	s4 =	ssub.s32 $0x0, s20;
	[sflag:s22] =	ssyncset.done $0x0  }
0xa0: {  	[sflag:s22] =	ssyncadd.s32 s4;
	_ =	sdelay $0x1  }
0xa1: {  	s23 =	simm.s32 $0x1B8B  }
0xa2: {  	_ =	swait.ge [sflag:s23], $0x1  }
0xa3: {  	[sflag:s23] =	ssyncset.done $0x0  }
0xa4: {  	s25 =	simm.s32 $0x1B8E;
	s24 =	sld [smem:$0x3FFE];
	[sflag:s23] =	ssyncadd.s32 $0xFFFFFFFF  }
0xa5: {  	s26 =	simm.s32 $execute0_lowered;
	[smem:$0x3FD2] =	sst s25  }
0xa6: {  	s5 =	sshll.u32 s26, $0x1;
	_ =	strace $0x8000005E;
	[dreg:$0x1] =	wrdreg $0xFFFFFFFF  }
0xa7: {  	s28 =	simm.s32 $_size_execute0_lowered;
	s3 =	sadd.s32 s3, s5;
	[dreg:$0x0] =	wrdreg $0x0  }
0xa8: {  	s5 =	sshll.u32 s28, $0x1;
	[dreg:$0x2] =	wrdreg s3  }
0xa9: {  	[dreg:$0x3] =	wrdreg s5  }
0xaa: {  	[dreg:$0x4] =	wrdreg $0xC0  }
0xab: {  	_ =	task [dreg:s7], $0x5FFFF  }
0xac: {  	[dreg:$0x1] =	wrdreg $0xFFFFFFFF  }
0xad: {  	[dreg:$0x0] =	wrdreg $0x60  }
0xae: {  	[dreg:$0x2] =	wrdreg s2  }
0xaf: {  	[dreg:$0x3] =	wrdreg s24  }
0xb0: {  	[dreg:$0x4] =	wrdreg $0x9  }
0xb1: {  	_ =	task.clear_ibuf [dreg:s7], $0x5FFFF;
	_ =	strace $0x9000005E  }
0xb2: {  	s29 =	simm.s32 $0x9;
	_ =	strace $0x80000060  }
0xb3: {  	_ =	swait.ge [sflag:s29], $0x1  }
0xb4: {  	[sflag:s29] =	ssyncadd.s32 $0xFFFFFFFF  }
0xb5: {  	_ =	strace $0x90000060  }
0xb6: {  	_ =	sfence  }
0xb7: {  	s30 =	sld [smem:$0x0];
	_ =	sdelay $0x2  }
0xb8: {  	s31 =	sshll.u32 s1, $0xD;
	s1 =	sshrl.u32 s1, $0x2  }
0xb9: {  	s3 =	sand.u32 $0x4000, s31;
	s1 =	sadd.s32 s1, s30  }
0xba: {  	s0 =	sor.u32 s3, s0;
	s1 =	sshll.u32 s1, $0x11  }
0xbb: {  	s0 =	sor.u32 s1, s0  }
0xbc: {  	s0 =	sadd.s32 $0x8F2B, s0  }
0xbd: {  	[sflag:s0] =	ssyncadd.remote.s32 $0x1  }
0xbe: {  	_ =	sfence.sel $0xFFFF  }
0xbf: {  	[dreg:$0x0] =	wrdreg $0xFFFFFFFF;
	(pc) =	sbr.abs _section_cstart, $3  }
0xc0: {  	[dreg:$0x1] =	wrdreg $0xFFFFFFFF  }
0xc1: {  	_ =	task.clear_ibuf [dreg:s7], $0x2FFFF;
	_ =	strace $0x9FFFFFFF  }
0xc2: {  	(tm) =	ssettm $0x7FFFFFFF  }
0xc3: {  	_ =	shalt  }
tec
execute0_lowered:
.L_overlay_start_1:
0x0: {  	(tag) =	ssettag $0x1  }
0x1: {  	s2 =	rddreg [dreg:$0x0]  }
0x2: {  	s0 =	rddreg [dreg:$0x1];
	s1 =	srdreg.scid  }
0x3: {  	s4 =	stileid.u32;
	s3 =	simm.s32 $0x0;
	s11 =	simm.s32 $0x2  }
0x4: {  	s13 =	simm.s32 $0x1;
	s1 =	sand.u32 $0x1, s1;
	s4 =	sshll.u32 s4, $0x1  }
0x5: {  	[smem:$0x7FF] =	sst s3;
	s5 =	sadd.s32 $0x4E400, s0;
	s4 =	sor.u32 s1, s4  }
0x6: {  	s28 =	sadd.s32 $0x4E600, s0;
	s1 =	ssub.s32 $0x2, s1;
	s4 =	smul.u32 $0x50, s4  }
.Ltmp0:
0x7: {  	s6 =	sadd.s32 $0x50A00, s0;
	s29 =	sshrl.u32 s1, $0x1;
	(pc) =	sbr.rel .LBB2_1-.Ltmp0, $4  }
0x8: {  	_ =	strace $0x8000005F;
	[dreg:$0x3] =	wrdreg s5;
	s30 =	ssub.s32 s1, s29  }
0x9: {  	[dreg:$0x4] =	wrdreg s28;
	s31 =	sadd.s32 $0x50, s4;
	s0 =	smax.u32 s30, $0x1  }
0xa: {  	v0 =	vlaneseq.u32;
	s4 =	sshrl.u32 s4, $0x5;
	s8 =	sshrl.u32 s31, $0x5;
	[dreg:$0x6] =	wrdreg s0  }
0xb: {  	v1 =	vimm.f32 $0.0e+00;
	vm0 =	vmmov $0xffff;
	s14 =	simm.s32 $0x0;
	v2 =	vmul.u32 $0xFFFFFFFF, v0;
	[dreg:$0x5] =	wrdreg s4;
	p0 =	slt.u32 s4, s8  }
.LBB2_33:
0xc: {  	[sflag:s13] =	ssyncadd.s32 $0xFFFFFFF0  }
.LBB2_34:
0xd: {  	s14 =	sadd.s32 $0x1, s14;
	s0 =	rddreg [dreg:$0x6]  }
0xe: {  	p1 =	sne.s32 s14, s0  }
.Ltmp1:
0xf: {  	_ = 	snop;
	(pc) =	sbr.rel @!p1 .LBB2_35-.Ltmp1, $1  }
0x10: {  	_ =	sdelay $0x3  }
.LBB2_1:
0x11: {  	s0 =	rddreg [dreg:$0x3];
	s1 =	simm.s32 $0x1FB00  }
0x12: {  	[tilespmem:s1], [sflag:$0x2] =	stream.linear.gather [hbm4b:s0+s3], $0x80, $0x38;
	[tilespmem:$0x1FC00] =	vst v63  }
0x13: {  	_ =	swait.ge [sflag:s11], $0x80  }
0x14: {  	[sflag:s11] =	ssyncset.done $0x0  }
0x15: {  	s25 =	simm.s32 $0x1FB80;
	s24 =	rddreg [dreg:$0x4];
	[sflag:s11] =	ssyncadd.s32 $0xFFFFFF80  }
0x16: {  	[tilespmem:s25], [sflag:$0x2] =	stream.linear.gather [hbm4b:s24+s3], $0x80, $0x38;
	[tilespmem:$0x1FC00] =	vst v63  }
0x17: {  	_ =	swait.ge [sflag:s11], $0x80  }
0x18: {  	[sflag:s11] =	ssyncset.done $0x0  }
0x19: {  	s26 =	rddreg [dreg:$0x5];
	[sflag:s11] =	ssyncadd.s32 $0xFFFFFF80  }
0x1a: {  	v3 =	vld [tilespmem:s26+$0x1FB00]  }
0x1b: {  	v4 =	vld [tilespmem:s8+$0x1FB00];
	_ =	sdelay $0x3  }
0x1c: {  	(v2sf) =	vpush v3, $0x0  }
0x1d: {  	(v2sf) =	vpush v4, $0x0;
	_ =	sdelay $0xd  }
0x1e: {  	s17 =	spop (v2sf)  }
0x1f: {  	s18 =	spop (v2sf)  }
0x20: {  	s15 =	ssub.s32 s18, s17  }
0x21: {  	s28 =	sadd.s32 $0xFF, s15  }
0x22: {  	s29 =	sand.u32 $0xFF, s28  }
0x23: {  	s30 =	sshra.s32 s28, $0x1F;
	p2 =	slt.s32 s28, $0x1;
	p1 =	sne.s32 s29, $0x0  }
0x24: {  	s1 =	sshrl.u32 s30, $0x18;
	p1 =	por !p2, !p1  }
0x25: {  	s0 =	sadd.s32 s1, s28;
	s1 =	simm.s32 $0x1;
	p1 =	por !p1, !p1  }
0x26: {  	s0 =	sshra.s32 s0, $0x8;
	s1 =	simm.s32 @!p1 $0x0  }
0x27: {  	s0 =	ssub.s32 s0, s1  }
0x28: {  	p1 =	slt.s32 s0, $0x1  }
.Ltmp2:
0x29: {  	_ = 	snop;
	(pc) =	sbr.rel @p1 .LBB2_10-.Ltmp2, $3  }
0x2a: {  	_ =	sdelay $0x1  }
0x2b: {  	s31 =	sshll.u32 s17, $0x2  }
0x2c: {  	s16 =	sshra.s32 s31, $0x2  }
0x2d: {  	p2 =	sne.s32 s0, $0x1  }
.Ltmp3:
0x2e: {  	_ = 	snop;
	(pc) =	sbr.rel @!p2 .LBB2_3-.Ltmp3, $4  }
0x2f: {  	s1 =	sshrl.u32 s17, $0x3;
	s19 =	sadd.s32 $0x15200, s16  }
0x30: {  	s20 =	sadd.s32 $0xFD80, s16;
	s21 =	sadd.s32 $0xA900, s16;
	s1 =	sadd.s32 s2, s1  }
0x31: {  	[tilespmem:s16], [sflag:$0x1] =	stream.linear.gather [hbm4b:s1+s3], $0x100, $0x38;
	[tilespmem:$0x1FC00] =	vst v63  }
0x32: {  	s5 =	sadd.s32 $0xFFFFFFFF, s0;
	p1 =	por $0x0, $0x0;
	s1 =	sadd.s32 $0x5480, s16  }
0x33: {  	s4 =	sadd.s32 $0x5320, s17;
	s7 =	sadd.s32 $0xA640, s17;
	s9 =	sadd.s32 $0xF960, s17  }
0x34: {  	s30 =	sadd.s32 $0x14C80, s17;
	s10 =	sadd.s32 $0x100, s16;
	s4 =	sshrl.u32 s4, $0x3  }
0x35: {  	p2 =	sne.s32 s5, $0x1;
	s7 =	sshrl.u32 s7, $0x3;
	s4 =	sadd.s32 s2, s4  }
0x36: {  	[tilespmem:s1], [sflag:$0x1] =	stream.linear.gather [hbm4b:s4+s3], $0x100, $0x38;
	[tilespmem:$0x1FC00] =	vst v63  }
0x37: {  	s12 =	sadd.s32 $0xFFFFFFFF, s5;
	s29 =	sshrl.u32 s9, $0x3;
	s28 =	sadd.s32 s2, s7  }
0x38: {  	[tilespmem:s21], [sflag:$0x1] =	stream.linear.gather [hbm4b:s28+s3], $0x100, $0x38;
	[tilespmem:$0x1FC00] =	vst v63  }
0x39: {  	s9 =	sshrl.u32 s30, $0x3;
	s7 =	sadd.s32 s2, s29;
	s4 =	sadd.s32 $0x100, s17  }
0x3a: {  	[tilespmem:s20], [sflag:$0x1] =	stream.linear.gather [hbm4b:s7+s3], $0x100, $0x38;
	[tilespmem:$0x1FC00] =	vst v63  }
.Ltmp4:
0x3b: {  	s9 =	sadd.s32 s2, s9;
	s31 =	sshrl.u32 s4, $0x3;
	(pc) =	sbr.rel @!p2 .LBB2_5-.Ltmp4, $4  }
0x3c: {  	[tilespmem:s19], [sflag:$0x1] =	stream.linear.gather [hbm4b:s9+s3], $0x100, $0x38;
	[tilespmem:$0x1FC00] =	vst v63  }
0x3d: {  	p1 =	por $0x1, $0x1;
	s5 =	smov.u32 s19;
	s7 =	sadd.s32 s2, s31  }
0x3e: {  	[tilespmem:s10], [sflag:$0x1] =	stream.linear.gather [hbm4b:s7+s3], $0x100, $0x38;
	[tilespmem:$0x1FC00] =	vst v63  }
0x3f: {  	s20 =	sadd.s32 $0x100, s20;
	s9 =	smov.u32 s1;
	s7 =	smov.u32 s21  }
.LBB2_6:
0x40: {  	p2 =	sne.s32 s12, $0x1  }
0x41: {  	s22 =	sadd.s32 $0x5320, s4;
	s7 =	sadd.s32 $0x100, s7;
	s23 =	sadd.s32 $0xA640, s4  }
0x42: {  	s9 =	sadd.s32 $0x100, s9;
	s24 =	sadd.s32 $0xF960, s4;
	s22 =	sshrl.u32 s22, $0x3  }
0x43: {  	s5 =	sadd.s32 $0x100, s5;
	s23 =	sshrl.u32 s23, $0x3;
	s22 =	sadd.s32 s2, s22  }
0x44: {  	[tilespmem:s9], [sflag:$0x1] =	stream.linear.gather [hbm4b:s22+s3], $0x100, $0x38;
	[tilespmem:$0x1FC00] =	vst v63  }
0x45: {  	s22 =	sadd.s32 s2, s23;
	s23 =	sshrl.u32 s24, $0x3;
	s24 =	sadd.s32 $0x14C80, s4  }
0x46: {  	[tilespmem:s7], [sflag:$0x1] =	stream.linear.gather [hbm4b:s22+s3], $0x100, $0x38;
	[tilespmem:$0x1FC00] =	vst v63  }
0x47: {  	s4 =	sadd.s32 $0x100, s4;
	s22 =	sadd.s32 s2, s23;
	s23 =	sshrl.u32 s24, $0x3  }
0x48: {  	[tilespmem:s20], [sflag:$0x1] =	stream.linear.gather [hbm4b:s22+s3], $0x100, $0x38;
	[tilespmem:$0x1FC00] =	vst v63  }
.Ltmp5:
0x49: {  	s23 =	sadd.s32 s2, s23;
	s22 =	sshrl.u32 s4, $0x3;
	(pc) =	sbr.rel @p2 .LBB2_6-.Ltmp5, $4  }
0x4a: {  	[tilespmem:s5], [sflag:$0x1] =	stream.linear.gather [hbm4b:s23+s3], $0x100, $0x38;
	[tilespmem:$0x1FC00] =	vst v63  }
0x4b: {  	s10 =	sadd.s32 $0x100, s10;
	s22 =	sadd.s32 s2, s22  }
0x4c: {  	[tilespmem:s10], [sflag:$0x1] =	stream.linear.gather [hbm4b:s22+s3], $0x100, $0x38;
	[tilespmem:$0x1FC00] =	vst v63  }
0x4d: {  	s12 =	sadd.s32 $0xFFFFFFFF, s12;
	s20 =	sadd.s32 $0x100, s20  }
.LBB2_7:
0x4e: {  	s10 =	sadd.s32 $0x5320, s4;
	s7 =	sadd.s32 @p1 $0x100, s7;
	s12 =	sadd.s32 $0xA640, s4  }
0x4f: {  	s9 =	sadd.s32 @p1 $0x100, s9;
	s22 =	sadd.s32 $0xF960, s4;
	s30 =	sadd.s32 $0x14C80, s4  }
0x50: {  	s4 =	sadd.s32 @p1 $0x100, s5;
	s0 =	smul.u32 $0x5, s0;
	s10 =	sshrl.u32 s10, $0x3  }
0x51: {  	s12 =	sshrl.u32 s12, $0x3;
	s1 =	smov.u32 @p1 s9;
	s10 =	sadd.s32 s2, s10  }
0x52: {  	[tilespmem:s1], [sflag:$0x1] =	stream.linear.gather [hbm4b:s10+s3], $0x100, $0x38;
	[tilespmem:$0x1FC00] =	vst v63  }
0x53: {  	s29 =	sshrl.u32 s22, $0x3;
	s21 =	smov.u32 @p1 s7;
	s28 =	sadd.s32 s2, s12  }
0x54: {  	[tilespmem:s21], [sflag:$0x1] =	stream.linear.gather [hbm4b:s28+s3], $0x100, $0x38;
	[tilespmem:$0x1FC00] =	vst v63  }
0x55: {  	s19 =	smov.u32 @p1 s4;
	s31 =	sadd.s32 s2, s29;
	p1 =	seq.s32 s0, $0x1  }
0x56: {  	[tilespmem:s20], [sflag:$0x1] =	stream.linear.gather [hbm4b:s31+s3], $0x100, $0x38;
	[tilespmem:$0x1FC00] =	vst v63  }
.Ltmp6:
0x57: {  	s1 =	sshrl.u32 s30, $0x3;
	(pc) =	sbr.rel @p1 .LBB2_9-.Ltmp6, $4  }
0x58: {  	s1 =	sadd.s32 s2, s1  }
0x59: {  	[tilespmem:s19], [sflag:$0x1] =	stream.linear.gather [hbm4b:s1+s3], $0x100, $0x38;
	[tilespmem:$0x1FC00] =	vst v63  }
0x5a: {  	_ =	swait.ge [sflag:s13], $0x100  }
0x5b: {  	s0 =	sadd.s32 $0xFFFFFFFF, s0;
	[sflag:s13] =	ssyncset.done $0x0  }
.LBB2_8:
0x5c: {  	p1 =	seq.s32 s0, $0x1;
	s0 =	sadd.s32 $0xFFFFFFFF, s0;
	[sflag:s13] =	ssyncadd.s32 $0xFFFFFF00  }
.Ltmp7:
0x5d: {  	(pc) =	sbr.rel @!p1 .LBB2_8-.Ltmp7, $3  }
0x5e: {  	_ =	sdelay $0x1  }
0x5f: {  	_ =	swait.ge [sflag:s13], $0x100  }
0x60: {  	[sflag:s13] =	ssyncset.done $0x0  }
.LBB2_9:
0x61: {  	[sflag:s13] =	ssyncadd.s32 $0xFFFFFF00  }
.LBB2_10:
.Ltmp8:
0x62: {  	(pc) =	sbr.rel @p0 .LBB2_15-.Ltmp8, $2  }
0x63: {  	_ =	sdelay $0x2  }
0x64: {  	s19 =	rddreg [dreg:$0x5]  }
.LBB2_11:
0x65: {  	p1 =	sne.s32 s18, s17;
	s0 =	simm.s32 $0x1  }
0x66: {  	s1 =	sshra.s32 s15, $0x1F;
	s0 =	simm.s32 @!p1 $0x0  }
0x67: {  	s4 =	sand.u32 $0xF, s15;
	s0 =	sor.u32 s0, s1  }
0x68: {  	p2 =	sne.s32 s4, $0x0;
	p6 =	sne.s32 s0, $0x1  }
0x69: {  	s31 =	sshrl.u32 s1, $0x1C;
	p1 =	por !p2, !p6  }
0x6a: {  	s1 =	simm.s32 $0x1;
	s0 =	sadd.s32 s31, s15;
	p1 =	por !p1, !p1  }
0x6b: {  	s0 =	sshra.s32 s0, $0x4;
	s1 =	simm.s32 @!p1 $0x0  }
0x6c: {  	s0 =	ssub.s32 s0, s1  }
0x6d: {  	p1 =	slt.s32 s0, $0x1  }
.Ltmp9:
0x6e: {  	_ = 	snop;
	(pc) =	sbr.rel @p1 .LBB2_34-.Ltmp9, $1  }
0x6f: {  	_ =	sdelay $0x3  }
0x70: {  	p1 =	sne.s32 s0, $0x1  }
.Ltmp10:
0x71: {  	_ = 	snop;
	(pc) =	sbr.rel @!p1 .LBB2_13-.Ltmp10, $3  }
0x72: {  	_ =	sdelay $0x1  }
0x73: {  	s4 =	sadd.s32 $0x15200, s16  }
0x74: {  	s1 =	sadd.s32 $0x1A680, s16;
	s0 =	sadd.s32 $0xFFFFFFFF, s0;
	p2 =	por $0x0, $0x0;
	v3 =	vld [tilespmem:s4+$0x0]  }
0x75: {  	_ =	sdelay $0x3  }
0x76: {  	v3 =	vtrunc.f32 v3  }
0x77: {  	v3 =	vcvt.f32.s32 v3;
	_ =	sdelay $0x1  }
0x78: {  	p3 =	sne.s32 s0, $0x1  }
.Ltmp11:
0x79: {  	_ = 	snop;
	(pc) =	sbr.rel @!p3 .LBB2_29-.Ltmp11, $4  }
0x7a: {  	_ = 	snop  }
0x7b: {  	s5 =	sadd.s32 $0x10, s4  }
0x7c: {  	[hbm4b:s6+s3] =	stream.indirect_vreg.scatter [tilespmem:s1], [sflag:$0x1], $0x1, v3, vm0, $0xb8;
	[tilespmem:$0x1FC00] =	vst v63  }
0x7d: {  	s7 =	sadd.s32 $0xFFFFFFFF, s0;
	p2 =	por $0x1, $0x1;
	s4 =	smov.u32 s1;
	v3 =	vld [tilespmem:s5+$0x0]  }
.LBB2_30:
0x7e: {  	p3 =	sne.s32 s7, $0x1;
	_ =	sdelay $0x3  }
0x7f: {  	v3 =	vtrunc.f32 v3  }
0x80: {  	v3 =	vcvt.f32.s32 v3;
	_ =	sdelay $0x2  }
.Ltmp12:
0x81: {  	(pc) =	sbr.rel @p3 .LBB2_30-.Ltmp12, $4  }
0x82: {  	_ = 	snop  }
0x83: {  	s5 =	sadd.s32 $0x10, s5;
	s4 =	sadd.s32 $0x10, s4  }
0x84: {  	[hbm4b:s6+s3] =	stream.indirect_vreg.scatter [tilespmem:s4], [sflag:$0x1], $0x1, v3, vm0, $0xb8;
	[tilespmem:$0x1FC00] =	vst v63  }
0x85: {  	s7 =	sadd.s32 $0xFFFFFFFF, s7;
	v3 =	vld [tilespmem:s5+$0x0]  }
.LBB2_31:
0x86: {  	_ =	sdelay $0x3  }
0x87: {  	v3 =	vtrunc.f32 v3  }
0x88: {  	v3 =	vcvt.f32.s32 v3;
	_ =	sdelay $0x3  }
.Ltmp13:
0x89: {  	s4 =	sadd.s32 @p2 $0x10, s4;
	(pc) =	sbr.rel @!p1 .LBB2_33-.Ltmp13, $4  }
0x8a: {  	s1 =	smov.u32 @p2 s4  }
0x8b: {  	[hbm4b:s6+s3] =	stream.indirect_vreg.scatter [tilespmem:s1], [sflag:$0x1], $0x1, v3, vm0, $0xb8;
	[tilespmem:$0x1FC00] =	vst v63  }
0x8c: {  	_ =	swait.ge [sflag:s13], $0x10  }
0x8d: {  	[sflag:s13] =	ssyncset.done $0x0  }
.LBB2_32:
0x8e: {  	p1 =	sne.s32 s0, $0x1;
	s0 =	sadd.s32 $0xFFFFFFFF, s0;
	[sflag:s13] =	ssyncadd.s32 $0xFFFFFFF0  }
.Ltmp14:
0x8f: {  	(pc) =	sbr.rel @p1 .LBB2_32-.Ltmp14, $3  }
0x90: {  	_ =	sdelay $0x1  }
0x91: {  	_ =	swait.ge [sflag:s13], $0x10  }
0x92: {  	[sflag:s13] =	ssyncset.done $0x0  }
.Ltmp15:
0x93: {  	_ = 	snop;
	(pc) =	sbr.rel .LBB2_33-.Ltmp15, $1  }
0x94: {  	_ =	sdelay $0x3  }
.LBB2_14:
0x95: {  	s19 =	sadd.s32 $0x1, s19  }
0x96: {  	p1 =	sge.u32 s19, s8  }
.Ltmp16:
0x97: {  	_ = 	snop;
	(pc) =	sbr.rel @p1 .LBB2_11-.Ltmp16, $1  }
0x98: {  	_ =	sdelay $0x3  }
.LBB2_15:
0x99: {  	v3 =	vld [tilespmem:s19+$0x1FB00]  }
0x9a: {  	v4 =	vld [tilespmem:s19+$0x1FB01];
	_ =	sdelay $0x3  }
0x9b: {  	(v2sf) =	vpush v3, $0x0  }
0x9c: {  	(v2sf) =	vpush v4, $0x0;
	_ =	sdelay $0x8  }
0x9d: {  	v3 =	vld [tilespmem:s19+$0x1FB80];
	_ =	sdelay $0x4  }
0x9e: {  	(v2sf) =	vpush v3, $0x0;
	s20 =	spop (v2sf)  }
0x9f: {  	s0 =	spop (v2sf)  }
0xa0: {  	s1 =	ssub.s32 s0, s20;
	p1 =	sne.s32 s0, s20;
	s0 =	simm.s32 $0x1  }
0xa1: {  	s4 =	sshra.s32 s1, $0x1F;
	s0 =	simm.s32 @!p1 $0x0  }
0xa2: {  	s5 =	sand.u32 $0xF, s1;
	s0 =	sor.u32 s0, s4  }
0xa3: {  	p2 =	sne.s32 s5, $0x0;
	p6 =	sne.s32 s0, $0x1  }
0xa4: {  	s31 =	sshrl.u32 s4, $0x1C;
	p1 =	por !p2, !p6  }
0xa5: {  	s0 =	sadd.s32 s31, s1;
	s1 =	simm.s32 $0x1;
	p1 =	por !p1, !p1  }
0xa6: {  	s0 =	sshra.s32 s0, $0x4;
	s1 =	simm.s32 @!p1 $0x0  }
0xa7: {  	s1 =	ssub.s32 s0, s1  }
0xa8: {  	p1 =	slt.s32 s1, $0x1  }
.Ltmp17:
0xa9: {  	_ = 	snop;
	(pc) =	sbr.rel @p1 .LBB2_18-.Ltmp17, $2  }
0xaa: {  	_ =	sdelay $0x2  }
0xab: {  	s21 =	spop (v2sf)  }
0xac: {  	p1 =	seq.s32 s1, $0x1  }
.Ltmp18:
0xad: {  	v3 =	vbroadcast v3, $0x0;
	s4 =	simm.s32 $0x0;
	(pc) =	sbr.rel @p1 .LBB2_18-.Ltmp18, $4  }
0xae: {  	v4 =	vor.u32 s4, v0  }
0xaf: {  	vm1 =	vlt.s32 v4, v3  }
0xb0: {  	s0 =	sadd.s32 $0x1A680, s20;
	v4 =	vsel vm1, $0x3F800000, v1  }
0xb1: {  	s1 =	sadd.s32 $0xFFFFFFFF, s1;
	s4 =	simm.s32 $0x10;
	[tilespmem:s0+$0x0] =	vst v4  }
.LBB2_17:
0xb2: {  	v4 =	vor.u32 s4, v0;
	p1 =	seq.s32 s1, $0x1;
	s1 =	sadd.s32 $0xFFFFFFFF, s1  }
.Ltmp19:
0xb3: {  	vm1 =	vlt.s32 v4, v3;
	(pc) =	sbr.rel @!p1 .LBB2_17-.Ltmp19, $3  }
0xb4: {  	s0 =	sadd.s32 $0x10, s0;
	v4 =	vsel vm1, $0x3F800000, v1  }
0xb5: {  	[tilespmem:s0+$0x0] =	vst v4;
	_ =	sdelay $0x1  }
0xb6: {  	s4 =	sadd.s32 $0x10, s4  }
.LBB2_18:
0xb7: {  	p1 =	slt.s32 s21, $0x1  }
.Ltmp20:
0xb8: {  	_ = 	snop;
	(pc) =	sbr.rel @p1 .LBB2_14-.Ltmp20, $1  }
0xb9: {  	_ =	sdelay $0x3  }
0xba: {  	s0 =	sadd.s32 $0xF, s21;
	s5 =	sshll.u32 s20, $0x2;
	s30 =	simm.s32 $0x0  }
0xbb: {  	s1 =	sshra.s32 s0, $0x1F;
	s4 =	sand.u32 $0xF, s0;
	p1 =	slt.s32 s0, $0x1  }
0xbc: {  	s23 =	sshra.s32 s5, $0x2;
	s1 =	sshrl.u32 s1, $0x1C;
	p2 =	sne.s32 s4, $0x0  }
.Ltmp21:
0xbd: {  	s4 =	simm.s32 $0xFFFFFFFF;
	s25 =	sadd.s32 $0x5480, s23;
	(pc) =	sbr.rel .LBB2_21-.Ltmp21, $4  }
0xbe: {  	s26 =	sadd.s32 $0xA900, s23;
	s28 =	sadd.s32 $0xFD80, s23;
	p1 =	por !p1, !p2  }
0xbf: {  	s0 =	sadd.s32 s1, s0;
	s1 =	simm.s32 $0x1;
	p1 =	por !p1, !p1  }
0xc0: {  	s0 =	sshra.s32 s0, $0x4;
	s1 =	simm.s32 @!p1 $0x0;
	s4 =	simm.s32 @!p1 $0x0  }
0xc1: {  	v3 =	vmov s20;
	s29 =	sadd.s32 $0x1A680, s23;
	s22 =	ssub.s32 s0, s1;
	s24 =	sadd.s32 s4, s0  }
.LBB2_23:
0xc2: {  	s31 =	smov.u32 s10;
	s0 =	smov.u32 s1  }
.LBB2_27:
0xc3: {  	v7 =	vmax.f32 v7, v10;
	v8 =	vmin.f32 v8, v11;
	v58 =	vsub.f32 v11, v10  }
0xc4: {  	v5 =	vmax.f32 v5, v12;
	v6 =	vmin.f32 v6, v13;
	v59 =	vsub.f32 v13, v12  }
0xc5: {  	v7 =	vsub.f32 v8, v7;
	v5 =	vsub.f32 v6, v5  }
0xc6: {  	v60 =	vmul.f32 v59, v58  }
0xc7: {  	v7 =	vmax.f32 v7, $0.0e+00;
	v5 =	vmax.f32 v5, $0.0e+00  }
0xc8: {  	v5 =	vmul.f32 v5, v7;
	v6 =	vadd.f32 v60, v9;
	_ =	sdelay $0x1  }
0xc9: {  	v6 =	vsub.f32 v6, v5;
	_ =	sdelay $0x1  }
0xca: {  	v6 =	vadd.f32 $9.999999970e-07, v6;
	_ =	sdelay $0x1  }
0xcb: {  	(erf) = vrcp.f32 v6;
	_ =	sdelay $0x6  }
0xcc: {  	s4 =	sadd.s32 @p1 $0x10, s31  }
0xcd: {  	s10 =	smov.u32 @p1 s4  }
0xce: {  	s0 =	sadd.s32 @p1 $0x10, s0;
	v61 =	vld [tilespmem:s10+$0x0];
	v62 =	vpop (erf)  }
0xcf: {  	s1 =	smov.u32 @p1 s0;
	v5 =	vmul.f32 v62, v5  }
0xd0: {  	v63 =	vmov s1  }
0xd1: {  	vm2 =	vgt.s32 v63, v4;
	vm1 =	vge.f32 v5, $5.000000000e-01  }
0xd2: {  	vm1 =	vmand vm2, vm1  }
0xd3: {  	v4 =	vsel vm1, $0x0, v61  }
0xd4: {  	[tilespmem:s10+$0x0] =	vst v4  }
.LBB2_20:
0xd5: {  	p1 =	seq.s32 s30, s21  }
.Ltmp22:
0xd6: {  	_ = 	snop;
	(pc) =	sbr.rel @p1 .LBB2_14-.Ltmp22, $1  }
0xd7: {  	_ =	sdelay $0x3  }
.LBB2_21:
0xd8: {  	_ =	sdelay $0x3  }
0xd9: {  	v4 =	vld.idx.msk [tilespmem:v3+s30+$0x1A680 ss:$0x1], $0xffff;
	_ =	sdelay $0x4  }
0xda: {  	(v2sf) =	vpush v4, $0x0;
	_ =	sdelay $0xe  }
0xdb: {  	s0 =	spop (v2sf)  }
0xdc: {  	s1 =	smov.u32 s30;
	s30 =	sadd.s32 $0x1, s30;
	p1 =	sgt.f32 s0, $0.0e+00  }
0xdd: {  	s9 =	smov.u32 s22;
	s0 =	sshrl.u32 s30, $0x4  }
0xde: {  	s9 =	smov.u32 @p1 s0  }
0xdf: {  	p1 =	sge.s32 s9, s22  }
.Ltmp23:
0xe0: {  	_ = 	snop;
	(pc) =	sbr.rel @p1 .LBB2_20-.Ltmp23, $2  }
0xe1: {  	_ =	sdelay $0x2  }
0xe2: {  	s0 =	sadd.s32 s20, s1  }
0xe3: {  	v7 =	vld.msk [tilespmem:s0+$0x0 ss:$0x0], $0xffff  }
0xe4: {  	v5 =	vld.msk [tilespmem:s0+$0x5480 ss:$0x0], $0xffff  }
0xe5: {  	v8 =	vld.msk [tilespmem:s0+$0xA900 ss:$0x0], $0xffff  }
0xe6: {  	v6 =	vld.msk [tilespmem:s0+$0xFD80 ss:$0x0], $0xffff  }
0xe7: {  	s12 =	sshll.u32 s9, $0x6  }
0xe8: {  	s10 =	sshra.s32 s12, $0x2  }
0xe9: {  	s4 =	sadd.s32 s10, s23  }
0xea: {  	s12 =	ssub.s32 s24, s9;
	s0 =	sadd.s32 s10, s26;
	v10 =	vld [tilespmem:s4+$0x0]  }
0xeb: {  	s5 =	sadd.s32 s10, s25;
	p2 =	seq.s32 s12, $0x1;
	v11 =	vld [tilespmem:s0+$0x0];
	v9 =	vsub.f32 v8, v7;
	v13 =	vsub.f32 v6, v5  }
.Ltmp24:
0xec: {  	s7 =	sadd.s32 s10, s28;
	v12 =	vld [tilespmem:s5+$0x0];
	(pc) =	sbr.rel @p2 .LBB2_23-.Ltmp24, $3  }
0xed: {  	v9 =	vmul.f32 v13, v9;
	v13 =	vld [tilespmem:s7+$0x0];
	_ =	sdelay $0x1  }
0xee: {  	v4 =	vadd.s32 s1, v2;
	s1 =	sshll.u32 s9, $0x4  }
0xef: {  	p1 =	por $0x0, $0x0;
	s10 =	sadd.s32 s10, s29;
	s31 =	sadd.s32 $0xFFFFFFFF, s12  }
0xf0: {  	v14 =	vmax.f32 v7, v10;
	v15 =	vmin.f32 v8, v11;
	v10 =	vsub.f32 v11, v10  }
0xf1: {  	v11 =	vmax.f32 v5, v12;
	v16 =	vmin.f32 v6, v13;
	v12 =	vsub.f32 v13, v12  }
0xf2: {  	v13 =	vsub.f32 v15, v14;
	v11 =	vsub.f32 v16, v11  }
0xf3: {  	v10 =	vmul.f32 v12, v10  }
0xf4: {  	v12 =	vmax.f32 v13, $0.0e+00;
	v11 =	vmax.f32 v11, $0.0e+00  }
0xf5: {  	v11 =	vmul.f32 v11, v12;
	v10 =	vadd.f32 v10, v9;
	_ =	sdelay $0x1  }
0xf6: {  	v10 =	vsub.f32 v10, v11;
	_ =	sdelay $0x1  }
0xf7: {  	v10 =	vadd.f32 $9.999999970e-07, v10;
	_ =	sdelay $0x1  }
0xf8: {  	(erf) = vrcp.f32 v10;
	_ =	sdelay $0x8  }
0xf9: {  	v10 =	vld [tilespmem:s10+$0x0];
	v12 =	vpop (erf)  }
0xfa: {  	v11 =	vmul.f32 v12, v11  }
0xfb: {  	v12 =	vmov s1  }
0xfc: {  	vm2 =	vgt.s32 v12, v4;
	vm1 =	vge.f32 v11, $5.000000000e-01  }
0xfd: {  	vm1 =	vmand vm2, vm1  }
0xfe: {  	v10 =	vsel vm1, $0x0, v10  }
0xff: {  	s12 =	sadd.s32 $0x10, s4;
	[tilespmem:s10+$0x0] =	vst v10  }
0x100: {  	s4 =	sadd.s32 $0x10, s0;
	v10 =	vld [tilespmem:s12+$0x0]  }
0x101: {  	s5 =	sadd.s32 $0x10, s5;
	p2 =	seq.s32 s31, $0x1;
	v11 =	vld [tilespmem:s4+$0x0]  }
.Ltmp25:
0x102: {  	s9 =	sadd.s32 $0x10, s7;
	v12 =	vld [tilespmem:s5+$0x0];
	(pc) =	sbr.rel @p2 .LBB2_25-.Ltmp25, $3  }
0x103: {  	v13 =	vld [tilespmem:s9+$0x0];
	_ =	sdelay $0x1  }
0x104: {  	s7 =	sadd.s32 $0xFFFFFFFF, s31  }
0x105: {  	p1 =	por $0x1, $0x1;
	s31 =	smov.u32 s10;
	s0 =	smov.u32 s1  }
.LBB2_26:
0x106: {  	p2 =	seq.s32 s7, $0x1;
	_ =	sdelay $0x2  }
0x107: {  	v14 =	vmax.f32 v7, v10;
	v15 =	vmin.f32 v8, v11;
	v10 =	vsub.f32 v11, v10  }
0x108: {  	v11 =	vmax.f32 v5, v12;
	v16 =	vmin.f32 v6, v13;
	v12 =	vsub.f32 v13, v12  }
0x109: {  	v13 =	vsub.f32 v15, v14;
	v11 =	vsub.f32 v16, v11  }
0x10a: {  	v10 =	vmul.f32 v12, v10  }
0x10b: {  	v12 =	vmax.f32 v13, $0.0e+00;
	v11 =	vmax.f32 v11, $0.0e+00  }
0x10c: {  	v11 =	vmul.f32 v11, v12;
	v10 =	vadd.f32 v10, v9;
	_ =	sdelay $0x1  }
0x10d: {  	v10 =	vsub.f32 v10, v11;
	_ =	sdelay $0x1  }
0x10e: {  	v10 =	vadd.f32 $9.999999970e-07, v10;
	_ =	sdelay $0x1  }
0x10f: {  	(erf) = vrcp.f32 v10;
	_ =	sdelay $0x7  }
0x110: {  	s31 =	sadd.s32 $0x10, s31  }
0x111: {  	v10 =	vld [tilespmem:s31+$0x0];
	v12 =	vpop (erf)  }
0x112: {  	s0 =	sadd.s32 $0x10, s0;
	v11 =	vmul.f32 v12, v11  }
0x113: {  	v12 =	vmov s0  }
0x114: {  	vm2 =	vgt.s32 v12, v4;
	vm1 =	vge.f32 v11, $5.000000000e-01  }
0x115: {  	vm1 =	vmand vm2, vm1  }
0x116: {  	v10 =	vsel vm1, $0x0, v10  }
.Ltmp26:
0x117: {  	s12 =	sadd.s32 $0x10, s12;
	[tilespmem:s31+$0x0] =	vst v10;
	(pc) =	sbr.rel @!p2 .LBB2_26-.Ltmp26, $4  }
0x118: {  	s4 =	sadd.s32 $0x10, s4;
	v10 =	vld [tilespmem:s12+$0x0]  }
0x119: {  	s5 =	sadd.s32 $0x10, s5;
	v11 =	vld [tilespmem:s4+$0x0]  }
0x11a: {  	s9 =	sadd.s32 $0x10, s9;
	v12 =	vld [tilespmem:s5+$0x0]  }
0x11b: {  	s7 =	sadd.s32 $0xFFFFFFFF, s7;
	v13 =	vld [tilespmem:s9+$0x0]  }
.Ltmp27:
0x11c: {  	_ = 	snop;
	(pc) =	sbr.rel .LBB2_27-.Ltmp27, $1  }
0x11d: {  	_ =	sdelay $0x3  }
.LBB2_25:
.Ltmp28:
0x11e: {  	(pc) =	sbr.rel .LBB2_27-.Ltmp28, $2  }
0x11f: {  	_ =	sdelay $0x2  }
0x120: {  	s31 =	smov.u32 s10;
	s0 =	smov.u32 s1  }
.LBB2_3:
.Ltmp29:
0x121: {  	(pc) =	sbr.rel .LBB2_7-.Ltmp29, $3  }
0x122: {  	_ =	sdelay $0x1  }
0x123: {  	s4 =	smov.u32 s17  }
0x124: {  	s7 =	smov.u32 s21;
	s9 =	smov.u32 s1;
	s5 =	smov.u32 s19  }
.LBB2_13:
.Ltmp30:
0x125: {  	(pc) =	sbr.rel .LBB2_31-.Ltmp30, $2  }
0x126: {  	_ =	sdelay $0x2  }
0x127: {  	s4 =	smov.u32 s1  }
.LBB2_5:
.Ltmp31:
0x128: {  	(pc) =	sbr.rel .LBB2_7-.Ltmp31, $2  }
0x129: {  	_ =	sdelay $0x2  }
0x12a: {  	s7 =	smov.u32 s21;
	s9 =	smov.u32 s1;
	s5 =	smov.u32 s19  }
.LBB2_29:
.Ltmp32:
0x12b: {  	(pc) =	sbr.rel .LBB2_31-.Ltmp32, $2  }
0x12c: {  	_ =	sdelay $0x2  }
0x12d: {  	s4 =	smov.u32 s1  }
.LBB2_35:
0x12e: {  	_ =	sfence.sel $0x180000  }
0x12f: {  	[bflag:$0x0] =	sbarrier.arrive $0xFFFF  }
0x130: {  	_ =	strace $0x9000005F  }
0x131: {  	s0 =	stileid.u32;
	[bflag:$0x2] =	sbarrier.arrive $0xFFFF  }
0x132: {  	p0 =	sne.s32 s0, $0x0;
	s0 =	rddreg [dreg:$0x2]  }
0x133: {  	s0 =	sadd.s32 @!p0 $0x100000, s0  }
0x134: {  	[sflag:s0] =	ssyncadd.tile.s32 @!p0 $0x1;
	_ =	shalt  }
.Lfunc_end2:
_tile_overlayer_lowered:
.L_overlay_start_2:
0x135: {  	(tag) =	ssettag $0x2  }
0x136: {  	s0 =	rddreg [dreg:$0x0];
	s2 =	stileid.u32  }
0x137: {  	s1 =	rddreg [dreg:$0x1];
	p0 =	sne.s32 s2, $0x0  }
0x138: {  	s3 =	rddreg [dreg:$0x2];
	[bflag:$0x3] =	sbarrier.arrive $0xFFFF;
	s2 =	simm.s32 @!p0 $0x1C02  }
0x139: {  	[timem:s3], [sflag:s2] =	dma.local @!p0 [hbm:s0], s1  }
0x13a: {  	s0 =	simm.s32 @!p0 $0x2  }
0x13b: {  	_ =	swait.ge @!p0 [sflag:s0], s1  }
0x13c: {  	s1 =	ssub.s32 @!p0 $0x0, s1;
	[sflag:s0] =	ssyncset.done @!p0 $0x0  }
0x13d: {  	[sflag:s0] =	ssyncadd.s32 @!p0 s1  }
0x13e: {  	[bflag:$0x3] =	sbarrier.arrive $0xFFFF  }
0x13f: {  	_ =	shalt  }

// kernel: scatter_offload_async_start.1
scs
__scs_entry_jumppad:
0x0: {  	(pc) =	sbr.rel $0x88, $3  }
0x1: {  	(tag) =	ssettag $0x0;
	lr =	simm.s32 $0x1  }
0x2: {  	[smem:$0x3F9E] =	sst lr;
	_ =	strace $0xD0000000  }
0x3: {  	_ = 	snop  }
0x4: {  	_ = 	snop  }
0x5: {  	_ = 	snop  }
0x6: {  	_ = 	snop  }
0x7: {  	_ = 	snop  }
__scs_overlays_trampoline_lowered:
0x8: {  	[smem:$0x3FAD] =	sst s0  }
0x9: {  	[smem:$0x3FAE] =	sst s1  }
0xa: {  	[smem:$0x3FAF] =	sst s2  }
0xb: {  	[smem:$0x3FB0] =	sst s3  }
0xc: {  	[smem:$0x3FB1] =	sst s4  }
0xd: {  	[smem:$0x3FB2] =	sst s5  }
0xe: {  	[smem:$0x3FB3] =	sst s6  }
0xf: {  	[smem:$0x3FB4] =	sst s7  }
0x10: {  	[smem:$0x3FB5] =	sst s8  }
0x11: {  	[smem:$0x3FB6] =	sst s9;
	s0 =	simm.s32 @!p0 $0x0  }
0x12: {  	s1 =	sld [smem:$0x3F9C];
	s0 =	simm.s32 @p0 $0x1  }
0x13: {  	[smem:$0x3FB7] =	sst s0;
	s0 =	simm.s32 @!p1 $0x0  }
0x14: {  	s2 =	sld [smem:$0x3F9B];
	s0 =	simm.s32 @p1 $0x1  }
0x15: {  	[smem:$0x3FB8] =	sst s0;
	s0 =	simm.s32 @!p2 $0x0  }
0x16: {  	s3 =	sld [smem:$0x3FDB];
	s0 =	simm.s32 @p2 $0x1  }
0x17: {  	s4 =	simm.s32 $0x1BF5;
	[smem:$0x3FBA] =	sst s0  }
0x18: {  	s0 =	sld [smem:$0x3F9D];
	_ =	swait.ge [sflag:s4], $0x0  }
0x19: {  	s7 =	sld [smem:$0x3F9E]  }
0x1a: {  	s8 =	sadd.s32 $0xFFFFE003, lr  }
0x1b: {  	s9 =	sadd.s32 $0xFFFFFEF7, lr;
	s5 =	simm.s32 $0xFFFFFFFF;
	p2 =	slt.u32 s8, $0xFFFFF086  }
0x1c: {  	p1 =	slt.u32 s9, $0xF7A;
	s5 =	simm.s32 @!p2 $0x0  }
0x1d: {  	s5 =	simm.s32 @p1 $0x1;
	p0 =	seq.s32 s7, s2  }
0x1e: {  	s7 =	smul.u32 @!p0 $0xF7A, s2;
	p2 =	seq.s32 @!p0 s5, $0x0  }
0x1f: {  	s9 =	smul.u32 $0xF7A, s1;
	s8 =	simm.s32 @!p0 $0x1BF5;
	p2 =	por !p2, p0  }
0x20: {  	[sflag:s8] =	ssyncset.s32 @!p0 $0xFFFFF086;
	s6 =	sadd.s32 @!p0 s3, s7;
	s7 =	simm.s32 @!p0 $0x108  }
0x21: {  	s3 =	sadd.s32 s3, s9;
	s6 =	sadd.s32 @!p0 $0x88, s6;
	s7 =	simm.s32 @p2 $0x1082  }
0x22: {  	[simem:s7], [sflag:s8] =	dma.local @!p0 [hbm:s6], $0xF7A  }
0x23: {  	s9 =	sor.u32 $0xD0000000, s2;
	s6 =	simm.s32 $0x108;
	_ =	swait.ge @!p0 [sflag:s8], $0x0  }
0x24: {  	s3 =	sadd.s32 $0x88, s3;
	s6 =	simm.s32 @!p1 $0x1082;
	[sflag:s4] =	ssyncset.s32 $0xFFFFF086  }
0x25: {  	[simem:s6], [sflag:s4] =	dma.local [hbm:s3], $0xF7A  }
0x26: {  	[smem:$0x3F9E] =	sst s1;
	(tag) =	ssettag s2;
	_ =	strace s9  }
0x27: {  	s1 =	sld [smem:$0x3FAE]  }
0x28: {  	s2 =	sld [smem:$0x3FAF]  }
0x29: {  	s4 =	sld [smem:$0x3FB1]  }
0x2a: {  	p0 =	seq.s32 s5, $0x0;
	s5 =	sld [smem:$0x3FB2]  }
0x2b: {  	s6 =	sld [smem:$0x3FB3]  }
0x2c: {  	s7 =	sld [smem:$0x3FB4]  }
0x2d: {  	s3 =	simm.s32 $0x108;
	s8 =	sld [smem:$0x3FB5]  }
0x2e: {  	s3 =	simm.s32 @!p0 $0x1082;
	s9 =	sld [smem:$0x3FB6]  }
0x2f: {  	lr =	sadd.s32 s0, s3;
	s0 =	sld [smem:$0x3FAD]  }
0x30: {  	s3 =	sld [smem:$0x3FB0]  }
0x31: {  	[smem:$0x3FB9] =	sst s10  }
0x32: {  	s10 =	sld [smem:$0x3FB7];
	_ =	sdelay $0x3  }
0x33: {  	p0 =	seq.s32 s10, $0x1;
	s10 =	sld [smem:$0x3FB9];
	_ =	sdelay $0x3  }
0x34: {  	[smem:$0x3FB9] =	sst s10  }
0x35: {  	s10 =	sld [smem:$0x3FB8];
	_ =	sdelay $0x3  }
0x36: {  	p1 =	seq.s32 s10, $0x1;
	s10 =	sld [smem:$0x3FB9];
	_ =	sdelay $0x3  }
0x37: {  	[smem:$0x3FB9] =	sst s10  }
0x38: {  	s10 =	sld [smem:$0x3FBA]  }
0x39: {  	_ = 	snop;
	(pc) =	sbr.ind lr, $3  }
0x3a: {  	_ = 	snop  }
0x3b: {  	_ = 	snop  }
0x3c: {  	p2 =	seq.s32 s10, $0x1;
	s10 =	sld [smem:$0x3FB9]  }
0x3d: {  	_ =	shalt  }
0x3e: {  	_ =	shalt  }
0x3f: {  	_ =	shalt  }
0x40: {  	_ =	shalt  }
0x41: {  	_ =	shalt  }
0x42: {  	_ =	shalt  }
0x43: {  	_ =	shalt  }
0x44: {  	_ =	shalt  }
0x45: {  	_ =	shalt  }
0x46: {  	_ =	shalt  }
0x47: {  	_ =	shalt  }
0x48: {  	_ =	shalt  }
0x49: {  	_ =	shalt  }
0x4a: {  	_ =	shalt  }
0x4b: {  	_ =	shalt  }
0x4c: {  	_ =	shalt  }
0x4d: {  	_ =	shalt  }
0x4e: {  	_ =	shalt  }
0x4f: {  	_ =	shalt  }
0x50: {  	_ =	shalt  }
0x51: {  	_ =	shalt  }
0x52: {  	_ =	shalt  }
0x53: {  	_ =	shalt  }
0x54: {  	_ =	shalt  }
0x55: {  	_ =	shalt  }
0x56: {  	_ =	shalt  }
0x57: {  	_ =	shalt  }
0x58: {  	_ =	shalt  }
0x59: {  	_ =	shalt  }
0x5a: {  	_ =	shalt  }
0x5b: {  	_ =	shalt  }
0x5c: {  	_ =	shalt  }
0x5d: {  	_ =	shalt  }
0x5e: {  	_ =	shalt  }
0x5f: {  	_ =	shalt  }
0x60: {  	_ =	shalt  }
0x61: {  	_ =	shalt  }
0x62: {  	_ =	shalt  }
0x63: {  	_ =	shalt  }
0x64: {  	_ =	shalt  }
0x65: {  	_ =	shalt  }
0x66: {  	_ =	shalt  }
0x67: {  	_ =	shalt  }
0x68: {  	_ =	shalt  }
0x69: {  	_ =	shalt  }
0x6a: {  	_ =	shalt  }
0x6b: {  	_ =	shalt  }
0x6c: {  	_ =	shalt  }
0x6d: {  	_ =	shalt  }
0x6e: {  	_ =	shalt  }
0x6f: {  	_ =	shalt  }
0x70: {  	_ =	shalt  }
0x71: {  	_ =	shalt  }
0x72: {  	_ =	shalt  }
0x73: {  	_ =	shalt  }
0x74: {  	_ =	shalt  }
0x75: {  	_ =	shalt  }
0x76: {  	_ =	shalt  }
0x77: {  	_ =	shalt  }
0x78: {  	_ =	shalt  }
0x79: {  	_ =	shalt  }
0x7a: {  	_ =	shalt  }
0x7b: {  	_ =	shalt  }
0x7c: {  	_ =	shalt  }
0x7d: {  	_ =	shalt  }
0x7e: {  	_ =	shalt  }
0x7f: {  	_ =	shalt  }
0x80: {  	_ =	shalt  }
0x81: {  	_ =	shalt  }
0x82: {  	_ =	shalt  }
0x83: {  	_ =	shalt  }
0x84: {  	_ =	shalt  }
0x85: {  	_ =	shalt  }
0x86: {  	_ =	shalt  }
0x87: {  	_ =	shalt  }
.Lfunc_end0:
.L_simem_size_0:
called_computation.1_lowered:
.L_overlay_start_0:
0x88: {  	s0 =	sld [smem:$0x3FD9]  }
0x89: {  	s1 =	sld [smem:$0x3FFE];
	_ =	sdelay $0x3  }
0x8a: {  	s0 =	sadd.s32 s1, s0  }
0x8b: {  	[smem:$0x3FC5] =	sst s0  }
0x8c: {  	_ = 	snop  }
0x8d: {  	(tm) =	ssettm $0x1  }
0x8e: {  	s15 =	sld [smem:$0x3FFB];
	_ =	sdelay $0x3  }
0x8f: {  	_ =	strace s15  }
0x90: {  	s0 =	sld [smem:$0x3FFC];
	_ =	sdelay $0x3  }
0x91: {  	_ =	strace s0  }
0x92: {  	s0 =	sld [smem:$0x3FFD];
	_ =	sdelay $0x3  }
0x93: {  	_ =	strace s0  }
0x94: {  	_ =	strace $0x8FFFFFFF  }
0x95: {  	s16 =	sld [smem:$0x3FDB];
	_ =	sdelay $0x1  }
0x96: {  	s17 =	simm.s32 $_scs_section_size  }
0x97: {  	s2 =	simm.s32 $_size__tile_overlayer_lowered;
	s3 =	simm.s32 $_tile_overlayer_lowered  }
0x98: {  	s20 =	simm.s32 $0x1BFF;
	s19 =	sshll.u32 s3, $0x1;
	s0 =	sadd.s32 s17, s16  }
0x99: {  	s4 =	simm.s32 $0x0;
	s18 =	sshll.u32 s2, $0x1;
	s2 =	sadd.s32 s19, s0  }
0x9a: {  	[timem:s4], [sflag:s20] =	dma.local [hbm:s2], s18  }
0x9b: {  	_ =	swait.ge [sflag:s20], s18  }
0x9c: {  	s1 =	ssub.s32 $0x0, s18;
	[sflag:s20] =	ssyncset.done $0x0  }
0x9d: {  	[sflag:s20] =	ssyncadd.s32 s1;
	_ =	sdelay $0x1  }
0x9e: {  	s21 =	simm.s32 $0x1B8B  }
0x9f: {  	_ =	swait.ge [sflag:s21], $0x1  }
0xa0: {  	[sflag:s21] =	ssyncset.done $0x0  }
0xa1: {  	s23 =	simm.s32 $0x1B8E;
	s22 =	sld [smem:$0x3FFE];
	[sflag:s21] =	ssyncadd.s32 $0xFFFFFFFF  }
0xa2: {  	s24 =	simm.s32 $execute0_lowered;
	[smem:$0x3FD2] =	sst s23  }
0xa3: {  	s2 =	sshll.u32 s24, $0x1;
	_ =	strace $0x80000058;
	[dreg:$0x1] =	wrdreg $0xFFFFFFFF  }
0xa4: {  	s25 =	simm.s32 $_size_execute0_lowered;
	s0 =	sadd.s32 s0, s2;
	[dreg:$0x0] =	wrdreg $0x0  }
0xa5: {  	s2 =	sshll.u32 s25, $0x1;
	[dreg:$0x2] =	wrdreg s0  }
0xa6: {  	[dreg:$0x3] =	wrdreg s2  }
0xa7: {  	[dreg:$0x4] =	wrdreg $0xC0  }
0xa8: {  	_ =	task [dreg:s4], $0x5FFFF  }
0xa9: {  	[dreg:$0x1] =	wrdreg $0xFFFFFFFF  }
0xaa: {  	[dreg:$0x0] =	wrdreg $0x60  }
0xab: {  	[dreg:$0x2] =	wrdreg s22  }
0xac: {  	[dreg:$0x3] =	wrdreg $0x9  }
0xad: {  	_ =	task.clear_ibuf [dreg:s4], $0x4FFFF;
	_ =	strace $0x90000058  }
0xae: {  	s26 =	simm.s32 $0x9;
	_ =	strace $0x8000005A  }
0xaf: {  	_ =	swait.ge [sflag:s26], $0x1  }
0xb0: {  	[sflag:s26] =	ssyncadd.s32 $0xFFFFFFFF  }
0xb1: {  	_ =	strace $0x9000005A  }
0xb2: {  	_ =	sfence  }
0xb3: {  	s28 =	sld [smem:$0x0];
	_ =	sdelay $0x1  }
0xb4: {  	s29 =	srdreg.scid  }
0xb5: {  	s30 =	sshll.u32 s29, $0xD;
	s31 =	sshrl.u32 s29, $0x2  }
0xb6: {  	s1 =	sand.u32 $0x1, s29;
	s2 =	sand.u32 $0x4000, s30;
	s0 =	sadd.s32 s31, s28  }
0xb7: {  	s1 =	sor.u32 s2, s1;
	s0 =	sshll.u32 s0, $0x11  }
0xb8: {  	s0 =	sor.u32 s0, s1  }
0xb9: {  	s0 =	sadd.s32 $0x8F2B, s0  }
0xba: {  	[sflag:s0] =	ssyncadd.remote.s32 $0x1  }
0xbb: {  	_ =	sfence.sel $0xFFFF  }
0xbc: {  	[dreg:$0x0] =	wrdreg $0xFFFFFFFF;
	(pc) =	sbr.abs _section_cstart, $3  }
0xbd: {  	[dreg:$0x1] =	wrdreg $0xFFFFFFFF  }
0xbe: {  	_ =	task.clear_ibuf [dreg:s4], $0x2FFFF;
	_ =	strace $0x9FFFFFFF  }
0xbf: {  	(tm) =	ssettm $0x7FFFFFFF  }
tec
execute0_lowered:
.L_overlay_start_1:
0x0: {  	(tag) =	ssettag $0x1  }
0x1: {  	s7 =	rddreg [dreg:$0x0]  }
0x2: {  	s0 =	rddreg [dreg:$0x1]  }
0x3: {  	_ =	strace $0x80000059;
	s3 =	stileid.u32;
	s4 =	simm.s32 $0x3E  }
0x4: {  	s1 =	sadd.s32 $0x4E200, s7;
	p0 =	sne.s32 s3, $0x0;
	[sflag:s4] =	ssyncpa.u1 $0x0  }
0x5: {  	s30 =	smin.u32 s3, $0x9;
	s2 =	simm.s32 @!p0 $0x1C3E;
	s5 =	simm.s32 @!p0 $0x0  }
0x6: {  	[spmem:s5], [sflag:s2] =	dma.local @!p0 [hbm:s1], $0x10  }
0x7: {  	s2 =	sadd.s32 s3, s30  }
0x8: {  	p1 =	slt.u32 s3, $0x9;
	s3 =	simm.s32 $0x640;
	s2 =	smul.u32 $0x320, s2  }
0x9: {  	s3 =	simm.s32 @!p1 $0x320  }
0xa: {  	s3 =	sadd.s32 s3, s2  }
0xb: {  	s3 =	smin.u32 s3, $0x4E20  }
0xc: {  	s8 =	ssub.s32 s3, s2  }
0xd: {  	p1 =	sgt.s32 s8, $0x0  }
0xe: {  	s8 =	simm.s32 @!p1 $0x0  }
0xf: {  	s6 =	sand.u32 $0xFFE0, s8  }
0x10: {  	s5 =	simm.s32 @!p0 $0x3E;
	s6 =	sshrl.u32 s6, $0x5  }
0x11: {  	_ =	swait.ge @!p0 [sflag:s5], $0x10;
	s31 =	smul.u32 $0xA3E, s6  }
0x12: {  	[sflag:s5] =	ssyncset.done @!p0 $0x0  }
0x13: {  	[sflag:s5] =	ssyncadd.s32 @!p0 $0xFFFFFFF0;
	s9 =	sshrl.u32 s31, $0x10  }
0x14: {  	s11 =	simm.s32 $0x0;
	[bflag:$0x0] =	sbarrier.arrive $0xFFFF;
	s10 =	smul.u32 $0x320, s9  }
.Ltmp0:
0x15: {  	[sflag:s4] =	ssyncpa.u1 $0x1;
	s4 =	simm.s32 $0x1;
	(pc) =	sbr.rel .LBB2_1-.Ltmp0, $4  }
0x16: {  	s5 =	sadd.s32 $0x50A00, s7;
	s7 =	sadd.s32 $0x51400, s7;
	[sflag:s4] =	ssyncpa.u1 $0x0  }
0x17: {  	s6 =	simm.s32 $0x2;
	p1 =	sne.s32 s8, s10;
	s8 =	simm.s32 $0x1  }
0x18: {  	(ifvalue) =	ssetifvalue $0x80;
	[sflag:s6] =	ssyncpa.u1 $0x0;
	s8 =	simm.s32 @!p1 $0x0  }
0x19: {  	vm0 =	vmmov $0xffff;
	s10 =	smov.u32 s2;
	s8 =	sadd.s32 s9, s8;
	s9 =	simm.s32 $0x0  }
.LBB2_5:
0x1a: {  	p2 =	sne.s32 s11, s8  }
.Ltmp1:
0x1b: {  	_ = 	snop;
	(pc) =	sbr.rel @!p2 .LBB2_6-.Ltmp1, $4  }
0x1c: {  	_ = 	snop  }
0x1d: {  	s12 =	sadd.s32 $0x320, s10  }
0x1e: {  	s10 =	smov.u32 s2;
	s13 =	sadd.s32 $0x1, s11;
	p1 =	slt.s32 s12, s3  }
0x1f: {  	s11 =	smov.u32 s13;
	s10 =	smov.u32 @p1 s12  }
.LBB2_1:
0x20: {  	p1 =	sge.u32 s11, s8  }
0x21: {  	s12 =	sxor.u32 @!p1 $0xFFFFFFFF, s11  }
0x22: {  	s12 =	sand.u32 @!p1 $0x1, s12  }
0x23: {  	s12 =	smul.u32 @!p1 $0x320, s12  }
0x24: {  	s13 =	sshrl.u32 @!p1 s10, $0x3  }
0x25: {  	s16 =	sand.u32 @!p1 $0x7, s10;
	s14 =	sadd.s32 @!p1 s5, s13;
	s15 =	sor.u32 @!p1 $0x8, s12  }
0x26: {  	[tilespmem:s15], [sflag:$0x2] =	stream.linear.gather @!p1 [hbm4b:s14+s16], $0x320, $0x38;
	[tilespmem:$0xC88] =	vst v63  }
0x27: {  	s13 =	sadd.s32 @!p1 s7, s13;
	s12 =	sadd.s32 @!p1 $0x648, s12  }
0x28: {  	[tilespmem:s12], [sflag:$0x2] =	stream.linear.gather @!p1 [hbm4b:s13+s16], $0x320, $0x38;
	[tilespmem:$0xC88] =	vst v63  }
0x29: {  	p1 =	seq.s32 s11, $0x0  }
.Ltmp2:
0x2a: {  	_ = 	snop;
	(pc) =	sbr.rel @p1 .LBB2_5-.Ltmp2, $1  }
0x2b: {  	_ =	sdelay $0x3  }
0x2c: {  	s12 =	sand.u32 $0x1, s11  }
0x2d: {  	_ =	swait.ge [sflag:s6], $0x640;
	p1 =	seq.s32 s12, $0x1;
	s12 =	simm.s32 $0x320  }
0x2e: {  	[sflag:s6] =	ssyncset.done $0x0;
	s12 =	simm.s32 @!p1 $0x0  }
0x2f: {  	[sflag:s6] =	ssyncadd.s32 $0xFFFFF9C0;
	s14 =	sor.u32 $0x8, s12  }
0x30: {  	v0 =	vld.msk [tilespmem:s14+$0x0 ss:$0x1], $0xffff;
	_ =	sdelay $0x4  }
0x31: {  	v0 =	vmin.u32 v0, $0x80;
	_ =	sdelay $0x3  }
0x32: {  	s13 =	simm.s32 $0x0;
	s12 =	sadd.s32 $0x648, s12;
	s14 =	sadd.s32 $0x10, s14  }
0x33: {  	[spmem:s9] =	stream.indirect_vreg.scatter.add.s32 [tilespmem:s12], [sflag:$0x1], $0x1, v0, vm0, $0x4038;
	[tilespmem:$0xC88] =	vst v63  }
.LBB2_3:
0x34: {  	v0 =	vld.msk [tilespmem:s14+$0x0 ss:$0x1], $0xffff;
	s13 =	sadd.s32 $0x10, s13  }
0x35: {  	p1 =	slt.u32 s13, $0x310;
	_ =	sdelay $0x4  }
0x36: {  	v0 =	vmin.u32 v0, $0x80  }
.Ltmp3:
0x37: {  	(pc) =	sbr.rel @p1 .LBB2_3-.Ltmp3, $3  }
0x38: {  	_ =	sdelay $0x1  }
0x39: {  	s14 =	sadd.s32 $0x10, s14;
	s12 =	sadd.s32 $0x10, s12  }
0x3a: {  	[spmem:s9] =	stream.indirect_vreg.scatter.add.s32 [tilespmem:s12], [sflag:$0x1], $0x1, v0, vm0, $0x4038;
	[tilespmem:$0xC88] =	vst v63  }
.Ltmp4:
0x3b: {  	(pc) =	sbr.rel .LBB2_5-.Ltmp4, $4  }
0x3c: {  	_ = 	snop  }
0x3d: {  	_ =	swait.ge [sflag:s4], $0x320  }
0x3e: {  	[sflag:s4] =	ssyncset.done $0x0  }
0x3f: {  	[sflag:s4] =	ssyncadd.s32 $0xFFFFFCE0  }
.LBB2_6:
0x40: {  	_ =	sfence.sel $0x180000  }
0x41: {  	s2 =	simm.s32 $0x2;
	[bflag:$0x0] =	sbarrier.arrive $0xFFFF  }
0x42: {  	s30 =	simm.s32 $0x1;
	[sflag:s2] =	ssyncpa.u1 $0x1  }
0x43: {  	[sflag:s30] =	ssyncpa.u1 $0x1  }
0x44: {  	_ =	sfence.stream.spmem  }
0x45: {  	s31 =	simm.s32 $0x3D;
	[bflag:$0x0] =	sbarrier.arrive $0xFFFF  }
0x46: {  	s2 =	simm.s32 @p0 $0x3D;
	[sflag:s31] =	ssyncpa.u1 $0x0  }
0x47: {  	[sflag:s2] =	ssyncpa.u1 @p0 $0x1  }
0x48: {  	[bflag:$0x0] =	sbarrier.arrive @p0 $0xFFFF  }
0x49: {  	_ =	strace @p0 $0x90000059  }
0x4a: {  	s3 =	simm.s32 @!p0 $0x1C3D;
	s2 =	simm.s32 @!p0 $0x0;
	[bflag:$0x2] =	sbarrier.arrive @p0 $0xFFFF  }
0x4b: {  	[hbm:s1], [sflag:s3] =	dma.local @!p0 [spmem:s2], $0x10  }
0x4c: {  	s1 =	simm.s32 @!p0 $0x3D  }
0x4d: {  	_ =	swait.ge @!p0 [sflag:s1], $0x10  }
0x4e: {  	[sflag:s1] =	ssyncset.done @!p0 $0x0  }
0x4f: {  	[sflag:s1] =	ssyncadd.s32 @!p0 $0xFFFFFFF0  }
0x50: {  	[sflag:s1] =	ssyncpa.u1 @!p0 $0x1  }
0x51: {  	[bflag:$0x0] =	sbarrier.arrive @!p0 $0xFFFF  }
0x52: {  	_ =	strace @!p0 $0x90000059  }
0x53: {  	s0 =	sadd.s32 @!p0 $0x100000, s0;
	[bflag:$0x2] =	sbarrier.arrive @!p0 $0xFFFF  }
0x54: {  	[sflag:s0] =	ssyncadd.tile.s32 @!p0 $0x1;
	_ =	shalt  }
.Lfunc_end2:
_tile_overlayer_lowered:
.L_overlay_start_2:
0x55: {  	(tag) =	ssettag $0x2  }
0x56: {  	s0 =	rddreg [dreg:$0x0];
	s2 =	stileid.u32  }
0x57: {  	s1 =	rddreg [dreg:$0x1];
	p0 =	sne.s32 s2, $0x0  }
0x58: {  	s3 =	rddreg [dreg:$0x2];
	[bflag:$0x3] =	sbarrier.arrive $0xFFFF;
	s2 =	simm.s32 @!p0 $0x1C01  }
0x59: {  	[timem:s3], [sflag:s2] =	dma.local @!p0 [hbm:s0], s1  }
0x5a: {  	s0 =	simm.s32 @!p0 $0x1  }
0x5b: {  	_ =	swait.ge @!p0 [sflag:s0], s1  }
0x5c: {  	s1 =	ssub.s32 @!p0 $0x0, s1;
	[sflag:s0] =	ssyncset.done @!p0 $0x0  }
0x5d: {  	[sflag:s0] =	ssyncadd.s32 @!p0 s1  }
0x5e: {  	[bflag:$0x3] =	sbarrier.arrive $0xFFFF  }
0x5f: {  	_ =	shalt  }

// kernel: scatter_offload_async_start
scs
__scs_entry_jumppad:
0x0: {  	(pc) =	sbr.rel $0x88, $3  }
0x1: {  	(tag) =	ssettag $0x0;
	lr =	simm.s32 $0x1  }
0x2: {  	[smem:$0x3F9E] =	sst lr;
	_ =	strace $0xD0000000  }
0x3: {  	_ = 	snop  }
0x4: {  	_ = 	snop  }
0x5: {  	_ = 	snop  }
0x6: {  	_ = 	snop  }
0x7: {  	_ = 	snop  }
__scs_overlays_trampoline_lowered:
0x8: {  	[smem:$0x3FAD] =	sst s0  }
0x9: {  	[smem:$0x3FAE] =	sst s1  }
0xa: {  	[smem:$0x3FAF] =	sst s2  }
0xb: {  	[smem:$0x3FB0] =	sst s3  }
0xc: {  	[smem:$0x3FB1] =	sst s4  }
0xd: {  	[smem:$0x3FB2] =	sst s5  }
0xe: {  	[smem:$0x3FB3] =	sst s6  }
0xf: {  	[smem:$0x3FB4] =	sst s7  }
0x10: {  	[smem:$0x3FB5] =	sst s8  }
0x11: {  	[smem:$0x3FB6] =	sst s9;
	s0 =	simm.s32 @!p0 $0x0  }
0x12: {  	s1 =	sld [smem:$0x3F9C];
	s0 =	simm.s32 @p0 $0x1  }
0x13: {  	[smem:$0x3FB7] =	sst s0;
	s0 =	simm.s32 @!p1 $0x0  }
0x14: {  	s2 =	sld [smem:$0x3F9B];
	s0 =	simm.s32 @p1 $0x1  }
0x15: {  	[smem:$0x3FB8] =	sst s0;
	s0 =	simm.s32 @!p2 $0x0  }
0x16: {  	s3 =	sld [smem:$0x3FDB];
	s0 =	simm.s32 @p2 $0x1  }
0x17: {  	s4 =	simm.s32 $0x1BF5;
	[smem:$0x3FBA] =	sst s0  }
0x18: {  	s0 =	sld [smem:$0x3F9D];
	_ =	swait.ge [sflag:s4], $0x0  }
0x19: {  	s7 =	sld [smem:$0x3F9E]  }
0x1a: {  	s8 =	sadd.s32 $0xFFFFE003, lr  }
0x1b: {  	s9 =	sadd.s32 $0xFFFFFEF7, lr;
	s5 =	simm.s32 $0xFFFFFFFF;
	p2 =	slt.u32 s8, $0xFFFFF086  }
0x1c: {  	p1 =	slt.u32 s9, $0xF7A;
	s5 =	simm.s32 @!p2 $0x0  }
0x1d: {  	s5 =	simm.s32 @p1 $0x1;
	p0 =	seq.s32 s7, s2  }
0x1e: {  	s7 =	smul.u32 @!p0 $0xF7A, s2;
	p2 =	seq.s32 @!p0 s5, $0x0  }
0x1f: {  	s9 =	smul.u32 $0xF7A, s1;
	s8 =	simm.s32 @!p0 $0x1BF5;
	p2 =	por !p2, p0  }
0x20: {  	[sflag:s8] =	ssyncset.s32 @!p0 $0xFFFFF086;
	s6 =	sadd.s32 @!p0 s3, s7;
	s7 =	simm.s32 @!p0 $0x108  }
0x21: {  	s3 =	sadd.s32 s3, s9;
	s6 =	sadd.s32 @!p0 $0x88, s6;
	s7 =	simm.s32 @p2 $0x1082  }
0x22: {  	[simem:s7], [sflag:s8] =	dma.local @!p0 [hbm:s6], $0xF7A  }
0x23: {  	s9 =	sor.u32 $0xD0000000, s2;
	s6 =	simm.s32 $0x108;
	_ =	swait.ge @!p0 [sflag:s8], $0x0  }
0x24: {  	s3 =	sadd.s32 $0x88, s3;
	s6 =	simm.s32 @!p1 $0x1082;
	[sflag:s4] =	ssyncset.s32 $0xFFFFF086  }
0x25: {  	[simem:s6], [sflag:s4] =	dma.local [hbm:s3], $0xF7A  }
0x26: {  	[smem:$0x3F9E] =	sst s1;
	(tag) =	ssettag s2;
	_ =	strace s9  }
0x27: {  	s1 =	sld [smem:$0x3FAE]  }
0x28: {  	s2 =	sld [smem:$0x3FAF]  }
0x29: {  	s4 =	sld [smem:$0x3FB1]  }
0x2a: {  	p0 =	seq.s32 s5, $0x0;
	s5 =	sld [smem:$0x3FB2]  }
0x2b: {  	s6 =	sld [smem:$0x3FB3]  }
0x2c: {  	s7 =	sld [smem:$0x3FB4]  }
0x2d: {  	s3 =	simm.s32 $0x108;
	s8 =	sld [smem:$0x3FB5]  }
0x2e: {  	s3 =	simm.s32 @!p0 $0x1082;
	s9 =	sld [smem:$0x3FB6]  }
0x2f: {  	lr =	sadd.s32 s0, s3;
	s0 =	sld [smem:$0x3FAD]  }
0x30: {  	s3 =	sld [smem:$0x3FB0]  }
0x31: {  	[smem:$0x3FB9] =	sst s10  }
0x32: {  	s10 =	sld [smem:$0x3FB7];
	_ =	sdelay $0x3  }
0x33: {  	p0 =	seq.s32 s10, $0x1;
	s10 =	sld [smem:$0x3FB9];
	_ =	sdelay $0x3  }
0x34: {  	[smem:$0x3FB9] =	sst s10  }
0x35: {  	s10 =	sld [smem:$0x3FB8];
	_ =	sdelay $0x3  }
0x36: {  	p1 =	seq.s32 s10, $0x1;
	s10 =	sld [smem:$0x3FB9];
	_ =	sdelay $0x3  }
0x37: {  	[smem:$0x3FB9] =	sst s10  }
0x38: {  	s10 =	sld [smem:$0x3FBA]  }
0x39: {  	_ = 	snop;
	(pc) =	sbr.ind lr, $3  }
0x3a: {  	_ = 	snop  }
0x3b: {  	_ = 	snop  }
0x3c: {  	p2 =	seq.s32 s10, $0x1;
	s10 =	sld [smem:$0x3FB9]  }
0x3d: {  	_ =	shalt  }
0x3e: {  	_ =	shalt  }
0x3f: {  	_ =	shalt  }
0x40: {  	_ =	shalt  }
0x41: {  	_ =	shalt  }
0x42: {  	_ =	shalt  }
0x43: {  	_ =	shalt  }
0x44: {  	_ =	shalt  }
0x45: {  	_ =	shalt  }
0x46: {  	_ =	shalt  }
0x47: {  	_ =	shalt  }
0x48: {  	_ =	shalt  }
0x49: {  	_ =	shalt  }
0x4a: {  	_ =	shalt  }
0x4b: {  	_ =	shalt  }
0x4c: {  	_ =	shalt  }
0x4d: {  	_ =	shalt  }
0x4e: {  	_ =	shalt  }
0x4f: {  	_ =	shalt  }
0x50: {  	_ =	shalt  }
0x51: {  	_ =	shalt  }
0x52: {  	_ =	shalt  }
0x53: {  	_ =	shalt  }
0x54: {  	_ =	shalt  }
0x55: {  	_ =	shalt  }
0x56: {  	_ =	shalt  }
0x57: {  	_ =	shalt  }
0x58: {  	_ =	shalt  }
0x59: {  	_ =	shalt  }
0x5a: {  	_ =	shalt  }
0x5b: {  	_ =	shalt  }
0x5c: {  	_ =	shalt  }
0x5d: {  	_ =	shalt  }
0x5e: {  	_ =	shalt  }
0x5f: {  	_ =	shalt  }
0x60: {  	_ =	shalt  }
0x61: {  	_ =	shalt  }
0x62: {  	_ =	shalt  }
0x63: {  	_ =	shalt  }
0x64: {  	_ =	shalt  }
0x65: {  	_ =	shalt  }
0x66: {  	_ =	shalt  }
0x67: {  	_ =	shalt  }
0x68: {  	_ =	shalt  }
0x69: {  	_ =	shalt  }
0x6a: {  	_ =	shalt  }
0x6b: {  	_ =	shalt  }
0x6c: {  	_ =	shalt  }
0x6d: {  	_ =	shalt  }
0x6e: {  	_ =	shalt  }
0x6f: {  	_ =	shalt  }
0x70: {  	_ =	shalt  }
0x71: {  	_ =	shalt  }
0x72: {  	_ =	shalt  }
0x73: {  	_ =	shalt  }
0x74: {  	_ =	shalt  }
0x75: {  	_ =	shalt  }
0x76: {  	_ =	shalt  }
0x77: {  	_ =	shalt  }
0x78: {  	_ =	shalt  }
0x79: {  	_ =	shalt  }
0x7a: {  	_ =	shalt  }
0x7b: {  	_ =	shalt  }
0x7c: {  	_ =	shalt  }
0x7d: {  	_ =	shalt  }
0x7e: {  	_ =	shalt  }
0x7f: {  	_ =	shalt  }
0x80: {  	_ =	shalt  }
0x81: {  	_ =	shalt  }
0x82: {  	_ =	shalt  }
0x83: {  	_ =	shalt  }
0x84: {  	_ =	shalt  }
0x85: {  	_ =	shalt  }
0x86: {  	_ =	shalt  }
0x87: {  	_ =	shalt  }
.Lfunc_end0:
.L_simem_size_0:
called_computation_lowered:
.L_overlay_start_0:
0x88: {  	s0 =	sld [smem:$0x3FD9]  }
0x89: {  	s1 =	sld [smem:$0x3FFE];
	_ =	sdelay $0x3  }
0x8a: {  	s0 =	sadd.s32 s1, s0  }
0x8b: {  	[smem:$0x3FC5] =	sst s0  }
0x8c: {  	_ = 	snop  }
0x8d: {  	(tm) =	ssettm $0x1  }
0x8e: {  	s14 =	sld [smem:$0x3FFB];
	_ =	sdelay $0x3  }
0x8f: {  	_ =	strace s14  }
0x90: {  	s0 =	sld [smem:$0x3FFC];
	_ =	sdelay $0x3  }
0x91: {  	_ =	strace s0  }
0x92: {  	s0 =	sld [smem:$0x3FFD];
	_ =	sdelay $0x3  }
0x93: {  	_ =	strace s0  }
0x94: {  	_ =	strace $0x8FFFFFFF  }
0x95: {  	s15 =	sld [smem:$0x3FDB];
	_ =	sdelay $0x1  }
0x96: {  	s16 =	simm.s32 $_scs_section_size  }
0x97: {  	s2 =	simm.s32 $_size__tile_overlayer_lowered;
	s3 =	simm.s32 $_tile_overlayer_lowered  }
0x98: {  	s4 =	simm.s32 $0x1BFF;
	s17 =	sshll.u32 s3, $0x1;
	s1 =	sadd.s32 s16, s15  }
0x99: {  	s18 =	simm.s32 $0x0;
	s2 =	sshll.u32 s2, $0x1;
	s3 =	sadd.s32 s17, s1  }
0x9a: {  	[timem:s18], [sflag:s4] =	dma.local [hbm:s3], s2  }
0x9b: {  	_ =	swait.ge [sflag:s4], s2  }
0x9c: {  	s2 =	ssub.s32 $0x0, s2;
	[sflag:s4] =	ssyncset.done $0x0  }
0x9d: {  	[sflag:s4] =	ssyncadd.s32 s2;
	_ =	sdelay $0x1  }
0x9e: {  	s19 =	simm.s32 $0x1B8B  }
0x9f: {  	_ =	swait.ge [sflag:s19], $0x1  }
0xa0: {  	[sflag:s19] =	ssyncset.done $0x0  }
0xa1: {  	s21 =	simm.s32 $0x1B8E;
	s20 =	sld [smem:$0x3FFE];
	[sflag:s19] =	ssyncadd.s32 $0xFFFFFFFF  }
0xa2: {  	s22 =	simm.s32 $execute0_lowered;
	[smem:$0x3FD2] =	sst s21  }
0xa3: {  	s3 =	sshll.u32 s22, $0x1;
	_ =	strace $0x8000004F;
	[dreg:$0x1] =	wrdreg $0xFFFFFFFF  }
0xa4: {  	s23 =	simm.s32 $_size_execute0_lowered;
	s3 =	sadd.s32 s1, s3;
	[dreg:$0x0] =	wrdreg $0x0  }
0xa5: {  	s4 =	sshll.u32 s23, $0x1;
	[dreg:$0x2] =	wrdreg s3  }
0xa6: {  	[dreg:$0x3] =	wrdreg s4  }
0xa7: {  	[dreg:$0x4] =	wrdreg $0xC0  }
0xa8: {  	s24 =	simm.s32 $execute1_lowered;
	_ =	task [dreg:s18], $0x5FFFF  }
0xa9: {  	s3 =	sshll.u32 s24, $0x1;
	[dreg:$0x1] =	wrdreg $0xFFFFFFFF  }
0xaa: {  	s1 =	sadd.s32 s1, s3;
	[dreg:$0x0] =	wrdreg $0x60  }
0xab: {  	[dreg:$0x2] =	wrdreg s1  }
0xac: {  	[dreg:$0x3] =	wrdreg s20  }
0xad: {  	[dreg:$0x4] =	wrdreg $0x9  }
0xae: {  	_ =	task.clear_ibuf [dreg:s18], $0x5FFFF;
	_ =	strace $0x9000004F  }
0xaf: {  	s25 =	simm.s32 $0x9;
	_ =	strace $0x80000051  }
0xb0: {  	_ =	swait.ge [sflag:s25], $0x1  }
0xb1: {  	[sflag:s25] =	ssyncadd.s32 $0xFFFFFFFF  }
0xb2: {  	_ =	strace $0x90000051  }
0xb3: {  	_ =	strace $0x80000052;
	[dreg:$0x1] =	wrdreg $0xFFFFFFFF  }
0xb4: {  	[dreg:$0x0] =	wrdreg $0x2030  }
0xb5: {  	[dreg:$0x2] =	wrdreg s20  }
0xb6: {  	[dreg:$0x3] =	wrdreg $0xA  }
0xb7: {  	_ =	task.clear_ibuf [dreg:s18], $0x4FFFF;
	_ =	strace $0x90000052  }
0xb8: {  	s26 =	simm.s32 $0xA;
	_ =	strace $0x80000054  }
0xb9: {  	_ =	swait.ge [sflag:s26], $0x1  }
0xba: {  	[sflag:s26] =	ssyncadd.s32 $0xFFFFFFFF  }
0xbb: {  	_ =	strace $0x90000054  }
0xbc: {  	_ =	sfence  }
0xbd: {  	s28 =	sld [smem:$0x0];
	_ =	sdelay $0x1  }
0xbe: {  	s29 =	srdreg.scid  }
0xbf: {  	s30 =	sshll.u32 s29, $0xD;
	s31 =	sshrl.u32 s29, $0x2  }
0xc0: {  	s2 =	sand.u32 $0x1, s29;
	s3 =	sand.u32 $0x4000, s30;
	s1 =	sadd.s32 s31, s28  }
0xc1: {  	s2 =	sor.u32 s3, s2;
	s1 =	sshll.u32 s1, $0x11  }
0xc2: {  	s1 =	sor.u32 s1, s2  }
0xc3: {  	s1 =	sadd.s32 $0x8F2B, s1  }
0xc4: {  	[sflag:s1] =	ssyncadd.remote.s32 $0x1  }
0xc5: {  	_ =	sfence.sel $0xFFFF  }
0xc6: {  	[dreg:$0x0] =	wrdreg $0xFFFFFFFF;
	(pc) =	sbr.abs _section_cstart, $3  }
0xc7: {  	[dreg:$0x1] =	wrdreg $0xFFFFFFFF  }
0xc8: {  	_ =	task.clear_ibuf [dreg:s18], $0x2FFFF;
	_ =	strace $0x9FFFFFFF  }
0xc9: {  	(tm) =	ssettm $0x7FFFFFFF  }
tec
execute0_lowered:
.L_overlay_start_1:
0x0: {  	(tag) =	ssettag $0x1  }
0x1: {  	s3 =	rddreg [dreg:$0x0]  }
0x2: {  	s5 =	rddreg [dreg:$0x1]  }
0x3: {  	s0 =	rddreg [dreg:$0x2];
	s2 =	stileid.u32;
	s1 =	simm.s32 $_size_execute1_lowered  }
0x4: {  	[bflag:$0x3] =	sbarrier.arrive $0xFFFF;
	p0 =	sne.s32 s2, $0x0;
	s1 =	sshll.u32 s1, $0x1  }
0x5: {  	s31 =	sshll.u32 s2, $0x3;
	s4 =	simm.s32 @!p0 $0x1C3F;
	s6 =	simm.s32 @!p0 $0x4060  }
0x6: {  	[timem:s6], [sflag:s4] =	dma.local @!p0 [hbm:s3], s1  }
0x7: {  	s6 =	ssub.s32 $0x50, s31  }
0x8: {  	p1 =	sgt.s32 s6, $0x0  }
0x9: {  	s6 =	simm.s32 @!p1 $0x0  }
0xa: {  	s6 =	sand.u32 $0x78, s6  }
0xb: {  	s10 =	simm.s32 $0x3;
	p1 =	sne.s32 s6, $0x0  }
0xc: {  	s10 =	simm.s32 @!p1 $0x2  }
0xd: {  	s7 =	simm.s32 $0x1;
	p3 =	sne.s32 s10, $0x1  }
.Ltmp0:
0xe: {  	s9 =	simm.s32 $0x0;
	s13 =	simm.s32 $0xFFFFFFFF;
	(pc) =	sbr.rel @!p3 .LBB2_1-.Ltmp0, $4  }
0xf: {  	s8 =	sadd.s32 s2, s5;
	s3 =	simm.s32 $0x1;
	_ =	strace $0x80000050  }
0x10: {  	s5 =	sadd.s32 $0x4E400, s5;
	s4 =	simm.s32 $0x2;
	[sflag:s3] =	ssyncpa.u1 $0x0  }
0x11: {  	[sflag:s4] =	ssyncpa.u1 $0x0;
	s6 =	sadd.s32 $0x4E200, s8;
	s7 =	simm.s32 @!p1 $0x0  }
0x12: {  	s8 =	simm.s32 $0x1;
	p1 =	por $0x0, $0x0;
	p2 =	sle.u32 s7, $0x0  }
0x13: {  	p1 =	sle.u32 s7, $0xFFFFFFFF  }
0x14: {  	s11 =	simm.s32 @!p2 $0x8;
	s12 =	simm.s32 @!p2 $0x0;
	s13 =	simm.s32 @!p1 $0x1  }
0x15: {  	[tilespmem:s11], [sflag:$0x1] =	stream.linear.gather @!p2 [hbm4b:s6+s12], $0x8, $0x38;
	[tilespmem:$0x20] =	vst v63  }
0x16: {  	_ =	swait.ge @!p1 [sflag:s13], $0x8  }
0x17: {  	[sflag:s13] =	ssyncset.done @!p1 $0x0  }
0x18: {  	s9 =	sand.u32 @!p1 $0x8, s9;
	[sflag:s13] =	ssyncadd.s32 @!p1 $0xFFFFFFF8  }
0x19: {  	v0 =	vld.msk @!p1 [tilespmem:s9+$0x0], $0xff;
	_ =	sdelay $0x2  }
0x1a: {  	p4 =	sne.s32 s10, $0x2  }
.Ltmp1:
0x1b: {  	p3 =	por $0x1, $0x1;
	s9 =	sor.u32 @!p1 $0x10, s9;
	(pc) =	sbr.rel @!p4 .LBB2_4-.Ltmp1, $4  }
0x1c: {  	s11 =	simm.s32 $0x2;
	s12 =	sadd.s32 @!p1 s5, s2;
	s13 =	simm.s32 @!p1 $0x0;
	[tilespmem:s9+$0x0] =	vst.msk @!p1 $0xff, v0  }
0x1d: {  	[hbm4b:s12+s13] =	stream.linear.scatter @!p1 [tilespmem:s9], [sflag:$0x2], $0x8, $0x38;
	[tilespmem:$0x20] =	vst v63  }
0x1e: {  	p2 =	sle.u32 s7, $0x1;
	s12 =	simm.s32 @!p3 $0x2;
	s9 =	simm.s32 $0x8  }
0x1f: {  	s13 =	simm.s32 $0x0;
	p1 =	por $0x1, $0x1;
	_ =	swait.ge @!p3 [sflag:s12], $0x8  }
.LBB2_3:
0x20: {  	s14 =	simm.s32 @!p2 $0x8;
	p4 =	sge.u32 s13, s7;
	[sflag:s12] =	ssyncset.done @!p3 $0x0  }
0x21: {  	s13 =	simm.s32 @!p2 $0x0;
	s15 =	simm.s32 @!p4 $0x1;
	[sflag:s12] =	ssyncadd.s32 @!p3 $0xFFFFFFF8  }
0x22: {  	[tilespmem:s14], [sflag:$0x1] =	stream.linear.gather @!p2 [hbm4b:s6+s13], $0x8, $0x38;
	[tilespmem:$0x20] =	vst v63  }
0x23: {  	s13 =	smov.u32 s11;
	s11 =	sadd.s32 $0x1, s11;
	_ =	swait.ge @!p4 [sflag:s15], $0x8  }
0x24: {  	s12 =	sand.u32 @!p4 $0x8, s9;
	p5 =	sne.s32 s11, s10;
	[sflag:s15] =	ssyncset.done @!p4 $0x0  }
0x25: {  	[sflag:s15] =	ssyncadd.s32 @!p4 $0xFFFFFFF8  }
0x26: {  	v0 =	vld.msk @!p4 [tilespmem:s12+$0x0], $0xff;
	_ =	sdelay $0x2  }
.Ltmp2:
0x27: {  	s14 =	sor.u32 @!p4 $0x10, s12;
	(pc) =	sbr.rel @p5 .LBB2_3-.Ltmp2, $4  }
0x28: {  	s16 =	simm.s32 @!p4 $0x0;
	p3 =	slt.u32 s8, $0x2;
	s15 =	sadd.s32 @!p4 s5, s2  }
0x29: {  	s9 =	sadd.s32 $0x8, s9;
	s8 =	smov.u32 s13;
	s12 =	simm.s32 @!p3 $0x2;
	[tilespmem:s14+$0x0] =	vst.msk @!p4 $0xff, v0  }
0x2a: {  	[hbm4b:s15+s16] =	stream.linear.scatter @!p4 [tilespmem:s14], [sflag:$0x2], $0x8, $0x38;
	[tilespmem:$0x20] =	vst v63  }
0x2b: {  	p2 =	sge.u32 s8, s7;
	s13 =	sadd.s32 $0xFFFFFFFF, s8;
	_ =	swait.ge @!p3 [sflag:s12], $0x8  }
.LBB2_4:
0x2c: {  	p3 =	por p3, !p1  }
0x2d: {  	s10 =	simm.s32 @!p2 $0x8;
	p1 =	sge.u32 s13, s7;
	[sflag:s12] =	ssyncset.done @!p3 $0x0  }
0x2e: {  	s7 =	simm.s32 @!p2 $0x0;
	s11 =	simm.s32 @!p1 $0x1;
	[sflag:s12] =	ssyncadd.s32 @!p3 $0xFFFFFFF8  }
0x2f: {  	[tilespmem:s10], [sflag:$0x1] =	stream.linear.gather @!p2 [hbm4b:s6+s7], $0x8, $0x38;
	[tilespmem:$0x20] =	vst v63  }
0x30: {  	_ =	swait.ge @!p1 [sflag:s11], $0x8  }
0x31: {  	[sflag:s11] =	ssyncset.done @!p1 $0x0  }
0x32: {  	s6 =	sand.u32 @!p1 $0x8, s9;
	[sflag:s11] =	ssyncadd.s32 @!p1 $0xFFFFFFF8  }
0x33: {  	v0 =	vld.msk @!p1 [tilespmem:s6+$0x0], $0xff;
	_ =	sdelay $0x3  }
0x34: {  	p2 =	slt.u32 s8, $0x2;
	s6 =	sor.u32 @!p1 $0x10, s6  }
0x35: {  	s2 =	sadd.s32 @!p1 s5, s2;
	s5 =	simm.s32 @!p1 $0x0;
	s7 =	simm.s32 @!p2 $0x2;
	[tilespmem:s6+$0x0] =	vst.msk @!p1 $0xff, v0  }
0x36: {  	[hbm4b:s2+s5] =	stream.linear.scatter @!p1 [tilespmem:s6], [sflag:$0x2], $0x8, $0x38;
	[tilespmem:$0x20] =	vst v63  }
0x37: {  	_ =	swait.ge @!p2 [sflag:s7], $0x8  }
0x38: {  	[sflag:s7] =	ssyncset.done @!p2 $0x0  }
0x39: {  	[sflag:s7] =	ssyncadd.s32 @!p2 $0xFFFFFFF8  }
0x3a: {  	_ =	sfence.sel $0x180000  }
0x3b: {  	[bflag:$0x0] =	sbarrier.arrive $0xFFFF  }
0x3c: {  	[sflag:s3] =	ssyncpa.u1 $0x1  }
0x3d: {  	[sflag:s4] =	ssyncpa.u1 $0x1  }
0x3e: {  	_ =	strace $0x90000050  }
0x3f: {  	s0 =	sadd.s32 @!p0 $0x100000, s0;
	[bflag:$0x2] =	sbarrier.arrive $0xFFFF  }
0x40: {  	[sflag:s0] =	ssyncadd.tile.s32 @!p0 $0x1;
	s0 =	simm.s32 @!p0 $0x3F  }
0x41: {  	_ =	swait.ge @!p0 [sflag:s0], s1  }
0x42: {  	s1 =	ssub.s32 @!p0 $0x0, s1;
	[sflag:s0] =	ssyncset.done @!p0 $0x0  }
0x43: {  	[sflag:s0] =	ssyncadd.s32 @!p0 s1  }
0x44: {  	[bflag:$0x3] =	sbarrier.arrive $0xFFFF  }
0x45: {  	_ =	shalt  }
.LBB2_1:
.Ltmp3:
0x46: {  	(pc) =	sbr.rel .LBB2_4-.Ltmp3, $2  }
0x47: {  	_ =	sdelay $0x2  }
0x48: {  	s8 =	simm.s32 $0x0  }
.Lfunc_end2:
execute1_lowered:
.L_overlay_start_2:
0x49: {  	(tag) =	ssettag $0x2  }
0x4a: {  	s7 =	rddreg [dreg:$0x0]  }
0x4b: {  	s0 =	rddreg [dreg:$0x1]  }
0x4c: {  	_ =	strace $0x80000053;
	s3 =	stileid.u32;
	s4 =	simm.s32 $0x3E  }
0x4d: {  	s1 =	sadd.s32 $0x4E400, s7;
	p0 =	sne.s32 s3, $0x0;
	[sflag:s4] =	ssyncpa.u1 $0x0  }
0x4e: {  	s30 =	smin.u32 s3, $0x9;
	s2 =	simm.s32 @!p0 $0x1C3E;
	s5 =	simm.s32 @!p0 $0x0  }
0x4f: {  	[spmem:s5], [sflag:s2] =	dma.local @!p0 [hbm:s1], $0x10  }
0x50: {  	s2 =	sadd.s32 s3, s30  }
0x51: {  	p1 =	slt.u32 s3, $0x9;
	s3 =	simm.s32 $0x640;
	s2 =	smul.u32 $0x320, s2  }
0x52: {  	s3 =	simm.s32 @!p1 $0x320  }
0x53: {  	s3 =	sadd.s32 s3, s2  }
0x54: {  	s3 =	smin.u32 s3, $0x4E20  }
0x55: {  	s8 =	ssub.s32 s3, s2  }
0x56: {  	p1 =	sgt.s32 s8, $0x0  }
0x57: {  	s8 =	simm.s32 @!p1 $0x0  }
0x58: {  	s6 =	sand.u32 $0xFFE0, s8  }
0x59: {  	s5 =	simm.s32 @!p0 $0x3E;
	s6 =	sshrl.u32 s6, $0x5  }
0x5a: {  	_ =	swait.ge @!p0 [sflag:s5], $0x10;
	s31 =	smul.u32 $0xA3E, s6  }
0x5b: {  	[sflag:s5] =	ssyncset.done @!p0 $0x0  }
0x5c: {  	[sflag:s5] =	ssyncadd.s32 @!p0 $0xFFFFFFF0;
	s9 =	sshrl.u32 s31, $0x10  }
0x5d: {  	s11 =	simm.s32 $0x0;
	[bflag:$0x0] =	sbarrier.arrive $0xFFFF;
	s10 =	smul.u32 $0x320, s9  }
.Ltmp4:
0x5e: {  	[sflag:s4] =	ssyncpa.u1 $0x1;
	s4 =	simm.s32 $0x1;
	(pc) =	sbr.rel .LBB3_1-.Ltmp4, $4  }
0x5f: {  	s5 =	sadd.s32 $0x50A00, s7;
	s7 =	sadd.s32 $0x52200, s7;
	[sflag:s4] =	ssyncpa.u1 $0x0  }
0x60: {  	s6 =	simm.s32 $0x2;
	p1 =	sne.s32 s8, s10;
	s8 =	simm.s32 $0x1  }
0x61: {  	(ifvalue) =	ssetifvalue $0x80;
	[sflag:s6] =	ssyncpa.u1 $0x0;
	s8 =	simm.s32 @!p1 $0x0  }
0x62: {  	vm0 =	vmmov $0xffff;
	s10 =	smov.u32 s2;
	s8 =	sadd.s32 s9, s8;
	s9 =	simm.s32 $0x0  }
.LBB3_5:
0x63: {  	p2 =	sne.s32 s11, s8  }
.Ltmp5:
0x64: {  	_ = 	snop;
	(pc) =	sbr.rel @!p2 .LBB3_6-.Ltmp5, $4  }
0x65: {  	_ = 	snop  }
0x66: {  	s12 =	sadd.s32 $0x320, s10  }
0x67: {  	s10 =	smov.u32 s2;
	s13 =	sadd.s32 $0x1, s11;
	p1 =	slt.s32 s12, s3  }
0x68: {  	s11 =	smov.u32 s13;
	s10 =	smov.u32 @p1 s12  }
.LBB3_1:
0x69: {  	p1 =	sge.u32 s11, s8  }
0x6a: {  	s12 =	sxor.u32 @!p1 $0xFFFFFFFF, s11  }
0x6b: {  	s12 =	sand.u32 @!p1 $0x1, s12  }
0x6c: {  	s12 =	smul.u32 @!p1 $0x320, s12  }
0x6d: {  	s13 =	sshrl.u32 @!p1 s10, $0x3  }
0x6e: {  	s16 =	sand.u32 @!p1 $0x7, s10;
	s14 =	sadd.s32 @!p1 s5, s13;
	s15 =	sor.u32 @!p1 $0x8, s12  }
0x6f: {  	[tilespmem:s15], [sflag:$0x2] =	stream.linear.gather @!p1 [hbm4b:s14+s16], $0x320, $0x38;
	[tilespmem:$0xC88] =	vst v63  }
0x70: {  	s13 =	sadd.s32 @!p1 s7, s13;
	s12 =	sadd.s32 @!p1 $0x648, s12  }
0x71: {  	[tilespmem:s12], [sflag:$0x2] =	stream.linear.gather @!p1 [hbm4b:s13+s16], $0x320, $0x38;
	[tilespmem:$0xC88] =	vst v63  }
0x72: {  	p1 =	seq.s32 s11, $0x0  }
.Ltmp6:
0x73: {  	_ = 	snop;
	(pc) =	sbr.rel @p1 .LBB3_5-.Ltmp6, $1  }
0x74: {  	_ =	sdelay $0x3  }
0x75: {  	s12 =	sand.u32 $0x1, s11  }
0x76: {  	_ =	swait.ge [sflag:s6], $0x640;
	p1 =	seq.s32 s12, $0x1;
	s12 =	simm.s32 $0x320  }
0x77: {  	[sflag:s6] =	ssyncset.done $0x0;
	s12 =	simm.s32 @!p1 $0x0  }
0x78: {  	[sflag:s6] =	ssyncadd.s32 $0xFFFFF9C0;
	s14 =	sor.u32 $0x8, s12  }
0x79: {  	v0 =	vld.msk [tilespmem:s14+$0x0 ss:$0x1], $0xffff;
	_ =	sdelay $0x4  }
0x7a: {  	v0 =	vmin.u32 v0, $0x80;
	_ =	sdelay $0x3  }
0x7b: {  	s13 =	simm.s32 $0x0;
	s12 =	sadd.s32 $0x648, s12;
	s14 =	sadd.s32 $0x10, s14  }
0x7c: {  	[spmem:s9] =	stream.indirect_vreg.scatter.add.s32 [tilespmem:s12], [sflag:$0x1], $0x1, v0, vm0, $0x4038;
	[tilespmem:$0xC88] =	vst v63  }
.LBB3_3:
0x7d: {  	v0 =	vld.msk [tilespmem:s14+$0x0 ss:$0x1], $0xffff;
	s13 =	sadd.s32 $0x10, s13  }
0x7e: {  	p1 =	slt.u32 s13, $0x310;
	_ =	sdelay $0x4  }
0x7f: {  	v0 =	vmin.u32 v0, $0x80  }
.Ltmp7:
0x80: {  	(pc) =	sbr.rel @p1 .LBB3_3-.Ltmp7, $3  }
0x81: {  	_ =	sdelay $0x1  }
0x82: {  	s14 =	sadd.s32 $0x10, s14;
	s12 =	sadd.s32 $0x10, s12  }
0x83: {  	[spmem:s9] =	stream.indirect_vreg.scatter.add.s32 [tilespmem:s12], [sflag:$0x1], $0x1, v0, vm0, $0x4038;
	[tilespmem:$0xC88] =	vst v63  }
.Ltmp8:
0x84: {  	(pc) =	sbr.rel .LBB3_5-.Ltmp8, $4  }
0x85: {  	_ = 	snop  }
0x86: {  	_ =	swait.ge [sflag:s4], $0x320  }
0x87: {  	[sflag:s4] =	ssyncset.done $0x0  }
0x88: {  	[sflag:s4] =	ssyncadd.s32 $0xFFFFFCE0  }
.LBB3_6:
0x89: {  	_ =	sfence.sel $0x180000  }
0x8a: {  	s2 =	simm.s32 $0x2;
	[bflag:$0x0] =	sbarrier.arrive $0xFFFF  }
0x8b: {  	s30 =	simm.s32 $0x1;
	[sflag:s2] =	ssyncpa.u1 $0x1  }
0x8c: {  	[sflag:s30] =	ssyncpa.u1 $0x1  }
0x8d: {  	_ =	sfence.stream.spmem  }
0x8e: {  	s31 =	simm.s32 $0x3D;
	[bflag:$0x0] =	sbarrier.arrive $0xFFFF  }
0x8f: {  	s2 =	simm.s32 @p0 $0x3D;
	[sflag:s31] =	ssyncpa.u1 $0x0  }
0x90: {  	[sflag:s2] =	ssyncpa.u1 @p0 $0x1  }
0x91: {  	[bflag:$0x0] =	sbarrier.arrive @p0 $0xFFFF  }
0x92: {  	_ =	strace @p0 $0x90000053  }
0x93: {  	s3 =	simm.s32 @!p0 $0x1C3D;
	s2 =	simm.s32 @!p0 $0x0;
	[bflag:$0x2] =	sbarrier.arrive @p0 $0xFFFF  }
0x94: {  	[hbm:s1], [sflag:s3] =	dma.local @!p0 [spmem:s2], $0x10  }
0x95: {  	s1 =	simm.s32 @!p0 $0x3D  }
0x96: {  	_ =	swait.ge @!p0 [sflag:s1], $0x10  }
0x97: {  	[sflag:s1] =	ssyncset.done @!p0 $0x0  }
0x98: {  	[sflag:s1] =	ssyncadd.s32 @!p0 $0xFFFFFFF0  }
0x99: {  	[sflag:s1] =	ssyncpa.u1 @!p0 $0x1  }
0x9a: {  	[bflag:$0x0] =	sbarrier.arrive @!p0 $0xFFFF  }
0x9b: {  	_ =	strace @!p0 $0x90000053  }
0x9c: {  	s0 =	sadd.s32 @!p0 $0x100000, s0;
	[bflag:$0x2] =	sbarrier.arrive @!p0 $0xFFFF  }
0x9d: {  	[sflag:s0] =	ssyncadd.tile.s32 @!p0 $0x1;
	_ =	shalt  }
.Lfunc_end3:
_tile_overlayer_lowered:
.L_overlay_start_3:
0x9e: {  	(tag) =	ssettag $0x3  }
0x9f: {  	s0 =	rddreg [dreg:$0x0];
	s2 =	stileid.u32  }
0xa0: {  	s1 =	rddreg [dreg:$0x1];
	p0 =	sne.s32 s2, $0x0  }
0xa1: {  	s3 =	rddreg [dreg:$0x2];
	[bflag:$0x3] =	sbarrier.arrive $0xFFFF;
	s2 =	simm.s32 @!p0 $0x1C01  }
0xa2: {  	[timem:s3], [sflag:s2] =	dma.local @!p0 [hbm:s0], s1  }
0xa3: {  	s0 =	simm.s32 @!p0 $0x1  }
0xa4: {  	_ =	swait.ge @!p0 [sflag:s0], s1  }
0xa5: {  	s1 =	ssub.s32 @!p0 $0x0, s1;
	[sflag:s0] =	ssyncset.done @!p0 $0x0  }
0xa6: {  	[sflag:s0] =	ssyncadd.s32 @!p0 s1  }
0xa7: {  	[bflag:$0x3] =	sbarrier.arrive $0xFFFF  }
0xa8: {  	_ =	shalt  }

</sc_bundles>
